<compile_context>
chip_gen: v7x
topology: tpu7x:2x2x1
jax: 0.10.2.dev20260603
libtpu: 0.0.44.dev20260713+nightly
codegen_flags: <defaults>
</compile_context>

<pallas_src>
import functools

import jax
import jax.numpy as jnp
from jax import lax
from jax.experimental import pallas as pl
from jax.experimental.pallas import tpu as pltpu
from jax.experimental.pallas import tpu_sc as plsc

N = 10000
NPAD = 10240
E = 320000
EPAD = 327680
NB = 2560
NC = 2
NS = 16
NW = NC * NS
BPW = NB // NW
RPS = NPAD // NS
HB = NPAD // 128

_mesh = plsc.VectorSubcoreMesh(core_axis_name="c", subcore_axis_name="s")


@functools.partial(
    pl.kernel,
    out_type=jax.ShapeDtypeStruct((NC, HB, 128), jnp.float32),
    mesh=_mesh,
    scratch_types=[
        pltpu.VMEM((BPW, 128), jnp.int32),
        pltpu.VMEM((HB, 128), jnp.float32),
        pltpu.VMEM((HB,), jnp.int32),
        pltpu.VMEM_SHARED((HB, 128), jnp.float32),
    ],
    compiler_params=pltpu.CompilerParams(needs_layout_passes=False),
)
def _deg_pass(ei_hbm, zeros_hbm, idlist_hbm, out_hbm,
              dst_idx, hist, idlist, acc):
    c = lax.axis_index("c")
    s = lax.axis_index("s")
    w = c * NS + s
    pltpu.sync_copy(ei_hbm.at[1, pl.ds(w * BPW, BPW)], dst_idx)
    pltpu.sync_copy(idlist_hbm, idlist)

    def zbody(i, _):
        for j in range(8):
            hist[i, pl.ds(j * 16, 16)] = jnp.zeros((16,), jnp.float32)
        return 0

    lax.fori_loop(0, HB, zbody, 0)

    @pl.when(s < 10)
    def _():
        pltpu.sync_copy(zeros_hbm, acc.at[pl.ds(s * 8, 8)])

    plsc.subcore_barrier()

    def body(b, _):
        for j in range(8):
            iv = dst_idx[b, pl.ds(j * 16, 16)]
            hi = lax.shift_right_logical(iv, 7)
            lo = lax.bitwise_and(iv, 127)
            cnt, last = plsc.scan_count(iv)
            cur = plsc.load_gather(hist, (hi, lo))
            plsc.store_scatter(hist, (hi, lo),
                               cur + cnt.astype(jnp.float32), mask=last)
        return 0

    lax.fori_loop(0, BPW, body, 0)

    pltpu.sync_copy(hist, acc.at[idlist], add=True)
    plsc.subcore_barrier()

    @pl.when(s < 10)
    def _():
        pltpu.sync_copy(acc.at[pl.ds(s * 8, 8)],
                        out_hbm.at[c, pl.ds(s * 8, 8)])


@functools.partial(
    pl.kernel,
    out_type=jax.ShapeDtypeStruct((NC, NPAD, 128), jnp.float32),
    mesh=_mesh,
    scratch_types=[
        pltpu.VMEM((BPW // 2, 128), jnp.int32),
        pltpu.VMEM((BPW // 2, 128), jnp.int32),
        pltpu.VMEM((128, 128), jnp.float32),
        pltpu.VMEM((128, 128), jnp.float32),
        pltpu.VMEM_SHARED((NPAD, 128), jnp.float32),
        pltpu.SemaphoreType.DMA,
        pltpu.SemaphoreType.DMA,
    ],
)
def _agg_pass(g_hbm, ei_hbm, zeros_hbm, out_hbm,
              src_idx, dst_idx, rows0, rows1, acc, sem0, sem1):
    c = lax.axis_index("c")
    s = lax.axis_index("s")
    w = c * NS + s
    pltpu.sync_copy(zeros_hbm, acc.at[pl.ds(s * RPS, RPS)])
    plsc.subcore_barrier()

    HALF = BPW // 2
    for h in range(2):
        base = w * BPW + h * HALF
        pltpu.sync_copy(ei_hbm.at[0, pl.ds(base, HALF)], src_idx)
        pltpu.sync_copy(ei_hbm.at[1, pl.ds(base, HALF)], dst_idx)
        pltpu.async_copy(g_hbm.at[src_idx.at[0]], rows0, sem0)

        def body(b2, _):
            b = 2 * b2
            pltpu.make_async_copy(g_hbm.at[pl.ds(0, 128)], rows0, sem0).wait()
            pltpu.async_copy(g_hbm.at[src_idx.at[b + 1]], rows1, sem1)
            pltpu.sync_copy(rows0, acc.at[dst_idx.at[b]], add=True)
            pltpu.make_async_copy(g_hbm.at[pl.ds(0, 128)], rows1, sem1).wait()

            @pl.when(b2 < HALF // 2 - 1)
            def _():
                pltpu.async_copy(g_hbm.at[src_idx.at[b + 2]], rows0, sem0)

            pltpu.sync_copy(rows1, acc.at[dst_idx.at[b + 1]], add=True)
            return 0

        lax.fori_loop(0, HALF // 2, body, 0)
    plsc.subcore_barrier()
    pltpu.sync_copy(acc.at[pl.ds(s * RPS, RPS)],
                    out_hbm.at[c, pl.ds(s * RPS, RPS)])


BLK = 5120
NSUB = BLK // 128


def _dinv_of(degp_blk):
    cols = []
    for j in range(NSUB):
        d = degp_blk[j, 0] + degp_blk[j, 1] + 1.0
        cols.append(lax.rsqrt(d)[:, None])
    return jnp.concatenate(cols, axis=0)


def _k1a_body(x_ref, w_ref, h_ref):
    h_ref[...] = jnp.dot(x_ref[...], w_ref[...],
                         preferred_element_type=jnp.float32)


def _k1b_body(h_ref, degp_ref, g_ref):
    g_ref[...] = h_ref[...] * _dinv_of(degp_ref[...])


def _k2_body(p_ref, g1_ref, degp_ref, b1_ref, wcat_ref, g2_ref):
    dinv = _dinv_of(degp_ref[...])
    t = (p_ref[0] + p_ref[1] + g1_ref[...]) * dinv
    h = jnp.maximum(t + b1_ref[...], 0.0)
    g2 = jnp.dot(h, wcat_ref[...], preferred_element_type=jnp.float32) * dinv
    row = pl.program_id(0) * BLK + lax.broadcasted_iota(jnp.int32, (BLK, 1), 0)
    g2_ref[...] = jnp.where(row < N, g2, 0.0)


def _k3_body(p_ref, g2_ref, degp_ref, bcat_ref, mu_ref, ls_ref):
    dinv = _dinv_of(degp_ref[...])
    o = (p_ref[0] + p_ref[1] + g2_ref[...]) * dinv + bcat_ref[...]
    mu_ref[...] = o[:, :64]
    ls_ref[...] = o[:, 64:]


_spec_rows = pl.BlockSpec((BLK, 128), lambda i: (i, 0))
_spec_w = pl.BlockSpec((128, 128), lambda i: (0, 0))
_spec_degp = pl.BlockSpec((NSUB, 2, 128), lambda i: (i, 0, 0))
_spec_p = pl.BlockSpec((2, BLK, 128), lambda i: (0, i, 0))
_spec_b = pl.BlockSpec((1, 128), lambda i: (0, 0))

_k1a = pl.pallas_call(
    _k1a_body,
    grid=(NPAD // BLK,),
    in_specs=[_spec_rows, _spec_w],
    out_specs=_spec_rows,
    out_shape=jax.ShapeDtypeStruct((NPAD, 128), jnp.float32),
)

_k1b = pl.pallas_call(
    _k1b_body,
    grid=(NPAD // BLK,),
    in_specs=[_spec_rows, _spec_degp],
    out_specs=_spec_rows,
    out_shape=jax.ShapeDtypeStruct((NPAD, 128), jnp.float32),
)

_k2 = pl.pallas_call(
    _k2_body,
    grid=(NPAD // BLK,),
    in_specs=[_spec_p, _spec_rows, _spec_degp, _spec_b, _spec_w],
    out_specs=_spec_rows,
    out_shape=jax.ShapeDtypeStruct((NPAD, 128), jnp.float32),
)

_spec_half = pl.BlockSpec((BLK, 64), lambda i: (i, 0))

_k3 = pl.pallas_call(
    _k3_body,
    grid=(NPAD // BLK,),
    in_specs=[_spec_p, _spec_rows, _spec_degp, _spec_b],
    out_specs=[_spec_half, _spec_half],
    out_shape=[jax.ShapeDtypeStruct((N, 64), jnp.float32),
               jax.ShapeDtypeStruct((N, 64), jnp.float32)],
)


def kernel(x, edge_index, W1, b1, Wmu, bmu, Wls, bls):
    e = edge_index.astype(jnp.int32)
    pad = N + jnp.arange(EPAD - E, dtype=jnp.int32) % (NPAD - N)
    ei = jnp.concatenate([e, jnp.broadcast_to(pad, (2, EPAD - E))],
                         axis=1).reshape(2, NB, 128)

    x_pad = jnp.pad(x, ((0, NPAD - N), (0, 0)))
    wcat = jnp.concatenate([Wmu, Wls], axis=1)
    bcat = jnp.concatenate([bmu, bls]).reshape(1, 128)
    b1r = b1.reshape(1, 128)

    zeros8 = jnp.zeros((8, 128), jnp.float32)
    idlist = jnp.arange(HB, dtype=jnp.int32)
    zeros128 = jnp.zeros((RPS, 128), jnp.float32)

    h1 = _k1a(x_pad, W1)
    degp = _deg_pass(ei, zeros8, idlist)
    degp_t = jnp.swapaxes(degp, 0, 1)
    g1 = _k1b(h1, degp_t)
    p1 = _agg_pass(g1, ei, zeros128)
    g2 = _k2(p1, g1, degp_t, b1r, wcat)
    p2 = _agg_pass(g2, ei, zeros128)
    mu, ls = _k3(p2, g2, degp_t, bcat)
    return (mu, ls)

# --- scband reference (transcript-rebuilt; emitter-appended) ---
"""Pipeline reference for scband-variational-gcnencoder-5368709120482 (READ-ONLY COPY).

The authoritative reference and input builder live on the scoring server;
editing this copy changes nothing except your own understanding.
"""

import jax, jax.numpy as jnp
import numpy as np

N_NODES = 10000
N_EDGES = 320000
IN_CH = 128
HID_CH = 128
OUT_CH = 64


def _gcn_conv(x, W, b, src, dst, n_nodes):
    # Linear transform first (standard GCN)
    h = x @ W
    # Add self loops
    loop = jnp.arange(n_nodes, dtype=src.dtype)
    src2 = jnp.concatenate([src, loop])
    dst2 = jnp.concatenate([dst, loop])
    # Symmetric normalization: deg over dst (col) with unit edge weights
    ones = jnp.ones(src2.shape[0], dtype=h.dtype)
    deg = jax.ops.segment_sum(ones, dst2, num_segments=n_nodes)
    dinv = jnp.where(deg > 0, jax.lax.rsqrt(deg), 0.0)
    norm = dinv[src2] * dinv[dst2]
    # Gather messages from src, scale, scatter-add to dst
    msg = h[src2] * norm[:, None]
    out = jax.ops.segment_sum(msg, dst2, num_segments=n_nodes)
    return out + b


def setup_inputs(seed: int = 0) -> dict:
    key = jax.random.key(seed)
    k_x, k_e, k1, k2, k3 = jax.random.split(key, 5)
    x = jax.random.normal(k_x, (N_NODES, IN_CH), dtype=jnp.float32)
    edge_index = jax.random.randint(k_e, (2, N_EDGES), 0, N_NODES, dtype=jnp.int64)
    s1 = 1.0 / np.sqrt(IN_CH)
    s2 = 1.0 / np.sqrt(HID_CH)
    W1 = jax.random.uniform(k1, (IN_CH, HID_CH), jnp.float32, -s1, s1)
    b1 = jnp.zeros((HID_CH,), jnp.float32)
    Wmu = jax.random.uniform(k2, (HID_CH, OUT_CH), jnp.float32, -s2, s2)
    bmu = jnp.zeros((OUT_CH,), jnp.float32)
    Wls = jax.random.uniform(k3, (HID_CH, OUT_CH), jnp.float32, -s2, s2)
    bls = jnp.zeros((OUT_CH,), jnp.float32)
    return {"x": x, "edge_index": edge_index, "W1": W1, "b1": b1,
            "Wmu": Wmu, "bmu": bmu, "Wls": Wls, "bls": bls}


def reference(x, edge_index, W1, b1, Wmu, bmu, Wls, bls):
    src = edge_index[0]
    dst = edge_index[1]
    n = x.shape[0]
    # convs: single hidden layer (num_layers=2) + ReLU (dropout p=0.0 is identity in eval)
    h = _gcn_conv(x, W1, b1, src, dst, n)
    h = jax.nn.relu(h)
    mu = _gcn_conv(h, Wmu, bmu, src, dst, n)
    logstd = _gcn_conv(h, Wls, bls, src, dst, n)
    return (mu, logstd)

if __name__ == "__main__":
    import jax
    _d = setup_inputs()
    print(jax.jit(kernel)(*tuple(_d.values())))

</pallas_src>

<mosaic_0001>
#map = affine_map<(d0, d1) -> (0, 0)>
#map1 = affine_map<(d0, d1) -> (0, 0, 0)>
module attributes {stable_mosaic.version = 14 : i64} {
  func.func @_agg_pass(%arg0: i32, %arg1: i32, %arg2: memref<10240x128xf32, #tpu.memory_space<hbm>>, %arg3: memref<2x2560x128xi32, #tpu.memory_space<hbm>>, %arg4: memref<640x128xf32, #tpu.memory_space<hbm>>, %arg5: memref<2x10240x128xf32, #tpu.memory_space<hbm>>, %arg6: memref<40x128xi32, #tpu.memory_space<vmem>>, %arg7: memref<40x128xi32, #tpu.memory_space<vmem>>, %arg8: memref<128x128xf32, #tpu.memory_space<vmem>>, %arg9: memref<128x128xf32, #tpu.memory_space<vmem>>, %arg10: memref<10240x128xf32, #tpu.memory_space<vmem_shared>>, %arg11: memref<!tpu.dma_semaphore, #tpu.memory_space<semaphore_mem>>, %arg12: memref<!tpu.dma_semaphore, #tpu.memory_space<semaphore_mem>>) attributes {dimension_semantics = [#tpu.dimension_semantics<core_parallel>, #tpu.dimension_semantics<subcore_parallel>], iteration_bounds = array<i64: 2, 16>, scalar_prefetch = 0 : i64, scratch_operands = 7 : i64, tpu.core_type = #tpu.core_type<sc_vector_subcore>, window_params = [{transform_indices = #map}, {transform_indices = #map1}, {transform_indices = #map}, {transform_indices = #map1}]} {
    %mul3A = arith.constant 16 : i32
    %mul3A_0 = arith.muli %arg0, %mul3A : i32
    %add3A = arith.addi %mul3A_0, %arg1 : i32
    %mul3A_1 = arith.constant 640 : i32
    %mul3A_2 = arith.muli %arg1, %mul3A_1 : i32
    "tpu.region"() ({
      %run_scoped3A_45 = tpu.sem_alloc : memref<!tpu.dma_semaphore, #tpu.memory_space<semaphore_mem>>
      %dma_start3A_46 = arith.constant 0 : i32
      %dma_start3A_47 = tpu.memref_slice %arg10[%mul3A_2, %dma_start3A_46] : memref<10240x128xf32, #tpu.memory_space<vmem_shared>> -> memref<640x128xf32, #tpu.memory_space<vmem_shared>>
      tpu.enqueue_dma source(%arg4 : memref<640x128xf32, #tpu.memory_space<hbm>>) target(%dma_start3A_47 : memref<640x128xf32, #tpu.memory_space<vmem_shared>>) target_semaphore(%run_scoped3A_45 : memref<!tpu.dma_semaphore, #tpu.memory_space<semaphore_mem>>)
      %dma_wait3A = arith.constant 0 : i32
      %dma_wait3A_48 = tpu.memref_slice %arg10[%mul3A_2, %dma_wait3A] : memref<10240x128xf32, #tpu.memory_space<vmem_shared>> -> memref<640x128xf32, #tpu.memory_space<vmem_shared>>
      tpu.wait_dma2 semaphore(%run_scoped3A_45 : memref<!tpu.dma_semaphore, #tpu.memory_space<semaphore_mem>>) src(%arg4 : memref<640x128xf32, #tpu.memory_space<hbm>>) dst(%dma_wait3A_48 : memref<640x128xf32, #tpu.memory_space<vmem_shared>>)
      tpu.yield
    }) : () -> ()
    %barrier3A = arith.constant 0 : index
    tpu.barrier barrier_id(%barrier3A)
    %mul3A_3 = arith.constant 80 : i32
    %mul3A_4 = arith.muli %add3A, %mul3A_3 : i32
    %add3A_5 = arith.constant 0 : i32
    %add3A_6 = arith.addi %mul3A_4, %add3A_5 : i32
    %run_scoped3A = arith.constant 0 : i32
    "tpu.region"() ({
      %run_scoped3A_45 = tpu.sem_alloc : memref<!tpu.dma_semaphore, #tpu.memory_space<semaphore_mem>>
      %dma_start3A_46 = arith.constant 0 : i32
      %dma_start3A_47 = tpu.memref_slice %arg3[%run_scoped3A, %add3A_6, %dma_start3A_46] : memref<2x2560x128xi32, #tpu.memory_space<hbm>> -> memref<1x40x128xi32, #tpu.memory_space<hbm>>
      %dma_start3A_48 = tpu.memref_squeeze %dma_start3A_47 : memref<1x40x128xi32, #tpu.memory_space<hbm>> -> memref<40x128xi32, #tpu.memory_space<hbm>>
      %dma_start3A_49 = arith.constant 0 : i32
      %dma_start3A_50 = tpu.memref_slice %arg3[%run_scoped3A, %add3A_6, %dma_start3A_49] : memref<2x2560x128xi32, #tpu.memory_space<hbm>> -> memref<1x40x128xi32, #tpu.memory_space<hbm>>
      %dma_start3A_51 = tpu.memref_squeeze %dma_start3A_50 : memref<1x40x128xi32, #tpu.memory_space<hbm>> -> memref<40x128xi32, #tpu.memory_space<hbm>>
      tpu.enqueue_dma source(%dma_start3A_51 : memref<40x128xi32, #tpu.memory_space<hbm>>) target(%arg6 : memref<40x128xi32, #tpu.memory_space<vmem>>) target_semaphore(%run_scoped3A_45 : memref<!tpu.dma_semaphore, #tpu.memory_space<semaphore_mem>>)
      %dma_wait3A = arith.constant 0 : i32
      %dma_wait3A_52 = tpu.memref_slice %arg3[%run_scoped3A, %add3A_6, %dma_wait3A] : memref<2x2560x128xi32, #tpu.memory_space<hbm>> -> memref<1x40x128xi32, #tpu.memory_space<hbm>>
      %dma_wait3A_53 = tpu.memref_squeeze %dma_wait3A_52 : memref<1x40x128xi32, #tpu.memory_space<hbm>> -> memref<40x128xi32, #tpu.memory_space<hbm>>
      %dma_wait3A_54 = arith.constant 0 : i32
      %dma_wait3A_55 = tpu.memref_slice %arg3[%run_scoped3A, %add3A_6, %dma_wait3A_54] : memref<2x2560x128xi32, #tpu.memory_space<hbm>> -> memref<1x40x128xi32, #tpu.memory_space<hbm>>
      %dma_wait3A_56 = tpu.memref_squeeze %dma_wait3A_55 : memref<1x40x128xi32, #tpu.memory_space<hbm>> -> memref<40x128xi32, #tpu.memory_space<hbm>>
      tpu.wait_dma2 semaphore(%run_scoped3A_45 : memref<!tpu.dma_semaphore, #tpu.memory_space<semaphore_mem>>) src(%dma_wait3A_56 : memref<40x128xi32, #tpu.memory_space<hbm>>) dst(%arg6 : memref<40x128xi32, #tpu.memory_space<vmem>>)
      tpu.yield
    }) : () -> ()
    %run_scoped3A_7 = arith.constant 1 : i32
    "tpu.region"() ({
      %run_scoped3A_45 = tpu.sem_alloc : memref<!tpu.dma_semaphore, #tpu.memory_space<semaphore_mem>>
      %dma_start3A_46 = arith.constant 0 : i32
      %dma_start3A_47 = tpu.memref_slice %arg3[%run_scoped3A_7, %add3A_6, %dma_start3A_46] : memref<2x2560x128xi32, #tpu.memory_space<hbm>> -> memref<1x40x128xi32, #tpu.memory_space<hbm>>
      %dma_start3A_48 = tpu.memref_squeeze %dma_start3A_47 : memref<1x40x128xi32, #tpu.memory_space<hbm>> -> memref<40x128xi32, #tpu.memory_space<hbm>>
      %dma_start3A_49 = arith.constant 0 : i32
      %dma_start3A_50 = tpu.memref_slice %arg3[%run_scoped3A_7, %add3A_6, %dma_start3A_49] : memref<2x2560x128xi32, #tpu.memory_space<hbm>> -> memref<1x40x128xi32, #tpu.memory_space<hbm>>
      %dma_start3A_51 = tpu.memref_squeeze %dma_start3A_50 : memref<1x40x128xi32, #tpu.memory_space<hbm>> -> memref<40x128xi32, #tpu.memory_space<hbm>>
      tpu.enqueue_dma source(%dma_start3A_51 : memref<40x128xi32, #tpu.memory_space<hbm>>) target(%arg7 : memref<40x128xi32, #tpu.memory_space<vmem>>) target_semaphore(%run_scoped3A_45 : memref<!tpu.dma_semaphore, #tpu.memory_space<semaphore_mem>>)
      %dma_wait3A = arith.constant 0 : i32
      %dma_wait3A_52 = tpu.memref_slice %arg3[%run_scoped3A_7, %add3A_6, %dma_wait3A] : memref<2x2560x128xi32, #tpu.memory_space<hbm>> -> memref<1x40x128xi32, #tpu.memory_space<hbm>>
      %dma_wait3A_53 = tpu.memref_squeeze %dma_wait3A_52 : memref<1x40x128xi32, #tpu.memory_space<hbm>> -> memref<40x128xi32, #tpu.memory_space<hbm>>
      %dma_wait3A_54 = arith.constant 0 : i32
      %dma_wait3A_55 = tpu.memref_slice %arg3[%run_scoped3A_7, %add3A_6, %dma_wait3A_54] : memref<2x2560x128xi32, #tpu.memory_space<hbm>> -> memref<1x40x128xi32, #tpu.memory_space<hbm>>
      %dma_wait3A_56 = tpu.memref_squeeze %dma_wait3A_55 : memref<1x40x128xi32, #tpu.memory_space<hbm>> -> memref<40x128xi32, #tpu.memory_space<hbm>>
      tpu.wait_dma2 semaphore(%run_scoped3A_45 : memref<!tpu.dma_semaphore, #tpu.memory_space<semaphore_mem>>) src(%dma_wait3A_56 : memref<40x128xi32, #tpu.memory_space<hbm>>) dst(%arg7 : memref<40x128xi32, #tpu.memory_space<vmem>>)
      tpu.yield
    }) : () -> ()
    %dma_start3A = arith.constant 0 : i32
    %dma_start3A_8 = arith.constant 0 : i32
    %dma_start3A_9 = tpu.memref_slice %arg6[%dma_start3A, %dma_start3A_8] : memref<40x128xi32, #tpu.memory_space<vmem>> -> memref<1x128xi32, #tpu.memory_space<vmem>>
    %dma_start3A_10 = tpu.memref_squeeze %dma_start3A_9 : memref<1x128xi32, #tpu.memory_space<vmem>> -> memref<128xi32, #tpu.memory_space<vmem>>
    %dma_start3A_11 = arith.constant 0 : i32
    %dma_start3A_12 = arith.constant 0 : i32
    %dma_start3A_13 = tpu.memref_slice %arg2[%dma_start3A_11, %dma_start3A_12] : memref<10240x128xf32, #tpu.memory_space<hbm>> -> memref<10240x128xf32, #tpu.memory_space<hbm>>
    tpu.enqueue_indirect_dma source(%dma_start3A_13 : memref<10240x128xf32, #tpu.memory_space<hbm>>) target(%arg8 : memref<128x128xf32, #tpu.memory_space<vmem>>) offsets(%dma_start3A_10 : memref<128xi32, #tpu.memory_space<vmem>>) semaphore(%arg11 : memref<!tpu.dma_semaphore, #tpu.memory_space<semaphore_mem>>)
    %scan3A = arith.constant 0 : i32
    %scan3A_14 = arith.constant 0 : i32
    %scan3A_15 = arith.constant 20 : i32
    %scan3A_16 = arith.addi %scan3A_14, %scan3A_15 : i32
    %scan3A_17 = arith.constant 1 : i32
    %scan3A_18 = scf.for %scan3A_45 = %scan3A_14 to %scan3A_16 step %scan3A_17 iter_args(%scan3A_46 = %scan3A) -> (i32)  : i32 {
      %mul3A_47 = arith.constant 2 : i32
      %mul3A_48 = arith.muli %mul3A_47, %scan3A_45 : i32
      %dma_wait3A = arith.constant 0 : i32
      %dma_wait3A_49 = arith.constant 0 : i32
      %dma_wait3A_50 = tpu.memref_slice %arg2[%dma_wait3A, %dma_wait3A_49] : memref<10240x128xf32, #tpu.memory_space<hbm>> -> memref<128x128xf32, #tpu.memory_space<hbm>>
      %dma_wait3A_51 = arith.constant 0 : i32
      %dma_wait3A_52 = arith.constant 0 : i32
      %dma_wait3A_53 = tpu.memref_slice %arg2[%dma_wait3A_51, %dma_wait3A_52] : memref<10240x128xf32, #tpu.memory_space<hbm>> -> memref<128x128xf32, #tpu.memory_space<hbm>>
      tpu.wait_dma2 semaphore(%arg11 : memref<!tpu.dma_semaphore, #tpu.memory_space<semaphore_mem>>) src(%dma_wait3A_53 : memref<128x128xf32, #tpu.memory_space<hbm>>) dst(%arg8 : memref<128x128xf32, #tpu.memory_space<vmem>>)
      %add3A_54 = arith.constant 1 : i32
      %add3A_55 = arith.addi %mul3A_48, %add3A_54 : i32
      %dma_start3A_56 = arith.constant 0 : i32
      %dma_start3A_57 = tpu.memref_slice %arg6[%add3A_55, %dma_start3A_56] : memref<40x128xi32, #tpu.memory_space<vmem>> -> memref<1x128xi32, #tpu.memory_space<vmem>>
      %dma_start3A_58 = tpu.memref_squeeze %dma_start3A_57 : memref<1x128xi32, #tpu.memory_space<vmem>> -> memref<128xi32, #tpu.memory_space<vmem>>
      %dma_start3A_59 = arith.constant 0 : i32
      %dma_start3A_60 = arith.constant 0 : i32
      %dma_start3A_61 = tpu.memref_slice %arg2[%dma_start3A_59, %dma_start3A_60] : memref<10240x128xf32, #tpu.memory_space<hbm>> -> memref<10240x128xf32, #tpu.memory_space<hbm>>
      tpu.enqueue_indirect_dma source(%dma_start3A_61 : memref<10240x128xf32, #tpu.memory_space<hbm>>) target(%arg9 : memref<128x128xf32, #tpu.memory_space<vmem>>) offsets(%dma_start3A_58 : memref<128xi32, #tpu.memory_space<vmem>>) semaphore(%arg12 : memref<!tpu.dma_semaphore, #tpu.memory_space<semaphore_mem>>)
      "tpu.region"() ({
        %run_scoped3A_73 = tpu.sem_alloc : memref<!tpu.dma_semaphore, #tpu.memory_space<semaphore_mem>>
        %dma_start3A_74 = arith.constant 0 : i32
        %dma_start3A_75 = tpu.memref_slice %arg7[%mul3A_48, %dma_start3A_74] : memref<40x128xi32, #tpu.memory_space<vmem>> -> memref<1x128xi32, #tpu.memory_space<vmem>>
        %dma_start3A_76 = tpu.memref_squeeze %dma_start3A_75 : memref<1x128xi32, #tpu.memory_space<vmem>> -> memref<128xi32, #tpu.memory_space<vmem>>
        %dma_start3A_77 = arith.constant 0 : i32
        %dma_start3A_78 = arith.constant 0 : i32
        %dma_start3A_79 = tpu.memref_slice %arg10[%dma_start3A_77, %dma_start3A_78] : memref<10240x128xf32, #tpu.memory_space<vmem_shared>> -> memref<10240x128xf32, #tpu.memory_space<vmem_shared>>
        tpu.enqueue_indirect_dma source(%arg8 : memref<128x128xf32, #tpu.memory_space<vmem>>) target(%dma_start3A_79 : memref<10240x128xf32, #tpu.memory_space<vmem_shared>>) offsets(%dma_start3A_76 : memref<128xi32, #tpu.memory_space<vmem>>) semaphore(%run_scoped3A_73 : memref<!tpu.dma_semaphore, #tpu.memory_space<semaphore_mem>>) {add = true}
        %dma_wait3A_80 = arith.constant 0 : i32
        %dma_wait3A_81 = tpu.memref_slice %arg7[%mul3A_48, %dma_wait3A_80] : memref<40x128xi32, #tpu.memory_space<vmem>> -> memref<1x128xi32, #tpu.memory_space<vmem>>
        %dma_wait3A_82 = tpu.memref_squeeze %dma_wait3A_81 : memref<1x128xi32, #tpu.memory_space<vmem>> -> memref<128xi32, #tpu.memory_space<vmem>>
        %dma_wait3A_83 = arith.constant 0 : i32
        %dma_wait3A_84 = arith.constant 0 : i32
        %dma_wait3A_85 = tpu.memref_slice %arg10[%dma_wait3A_83, %dma_wait3A_84] : memref<10240x128xf32, #tpu.memory_space<vmem_shared>> -> memref<10240x128xf32, #tpu.memory_space<vmem_shared>>
        tpu.wait_indirect_dma semaphore(%run_scoped3A_73 : memref<!tpu.dma_semaphore, #tpu.memory_space<semaphore_mem>>) src(%arg8 : memref<128x128xf32, #tpu.memory_space<vmem>>) dst(%dma_wait3A_85 : memref<10240x128xf32, #tpu.memory_space<vmem_shared>>)
        tpu.yield
      }) : () -> ()
      %dma_wait3A_62 = arith.constant 0 : i32
      %dma_wait3A_63 = arith.constant 0 : i32
      %dma_wait3A_64 = tpu.memref_slice %arg2[%dma_wait3A_62, %dma_wait3A_63] : memref<10240x128xf32, #tpu.memory_space<hbm>> -> memref<128x128xf32, #tpu.memory_space<hbm>>
      %dma_wait3A_65 = arith.constant 0 : i32
      %dma_wait3A_66 = arith.constant 0 : i32
      %dma_wait3A_67 = tpu.memref_slice %arg2[%dma_wait3A_65, %dma_wait3A_66] : memref<10240x128xf32, #tpu.memory_space<hbm>> -> memref<128x128xf32, #tpu.memory_space<hbm>>
      tpu.wait_dma2 semaphore(%arg12 : memref<!tpu.dma_semaphore, #tpu.memory_space<semaphore_mem>>) src(%dma_wait3A_67 : memref<128x128xf32, #tpu.memory_space<hbm>>) dst(%arg9 : memref<128x128xf32, #tpu.memory_space<vmem>>)
      %lt3A = arith.constant 19 : i32
      %lt3A_68 = arith.cmpi slt, %scan3A_45, %lt3A : i32
      %convert_element_type3A = arith.extui %lt3A_68 : i1 to i32
      %cond3A = arith.constant 0 : i32
      %cond3A_69 = arith.cmpi ne, %convert_element_type3A, %cond3A : i32
      scf.if %cond3A_69 {
        %add3A_73 = arith.constant 2 : i32
        %add3A_74 = arith.addi %mul3A_48, %add3A_73 : i32
        %dma_start3A_75 = arith.constant 0 : i32
        %dma_start3A_76 = tpu.memref_slice %arg6[%add3A_74, %dma_start3A_75] : memref<40x128xi32, #tpu.memory_space<vmem>> -> memref<1x128xi32, #tpu.memory_space<vmem>>
        %dma_start3A_77 = tpu.memref_squeeze %dma_start3A_76 : memref<1x128xi32, #tpu.memory_space<vmem>> -> memref<128xi32, #tpu.memory_space<vmem>>
        %dma_start3A_78 = arith.constant 0 : i32
        %dma_start3A_79 = arith.constant 0 : i32
        %dma_start3A_80 = tpu.memref_slice %arg2[%dma_start3A_78, %dma_start3A_79] : memref<10240x128xf32, #tpu.memory_space<hbm>> -> memref<10240x128xf32, #tpu.memory_space<hbm>>
        tpu.enqueue_indirect_dma source(%dma_start3A_80 : memref<10240x128xf32, #tpu.memory_space<hbm>>) target(%arg8 : memref<128x128xf32, #tpu.memory_space<vmem>>) offsets(%dma_start3A_77 : memref<128xi32, #tpu.memory_space<vmem>>) semaphore(%arg11 : memref<!tpu.dma_semaphore, #tpu.memory_space<semaphore_mem>>)
      } else {
      }
      %add3A_70 = arith.constant 1 : i32
      %add3A_71 = arith.addi %mul3A_48, %add3A_70 : i32
      "tpu.region"() ({
        %run_scoped3A_73 = tpu.sem_alloc : memref<!tpu.dma_semaphore, #tpu.memory_space<semaphore_mem>>
        %dma_start3A_74 = arith.constant 0 : i32
        %dma_start3A_75 = tpu.memref_slice %arg7[%add3A_71, %dma_start3A_74] : memref<40x128xi32, #tpu.memory_space<vmem>> -> memref<1x128xi32, #tpu.memory_space<vmem>>
        %dma_start3A_76 = tpu.memref_squeeze %dma_start3A_75 : memref<1x128xi32, #tpu.memory_space<vmem>> -> memref<128xi32, #tpu.memory_space<vmem>>
        %dma_start3A_77 = arith.constant 0 : i32
        %dma_start3A_78 = arith.constant 0 : i32
        %dma_start3A_79 = tpu.memref_slice %arg10[%dma_start3A_77, %dma_start3A_78] : memref<10240x128xf32, #tpu.memory_space<vmem_shared>> -> memref<10240x128xf32, #tpu.memory_space<vmem_shared>>
        tpu.enqueue_indirect_dma source(%arg9 : memref<128x128xf32, #tpu.memory_space<vmem>>) target(%dma_start3A_79 : memref<10240x128xf32, #tpu.memory_space<vmem_shared>>) offsets(%dma_start3A_76 : memref<128xi32, #tpu.memory_space<vmem>>) semaphore(%run_scoped3A_73 : memref<!tpu.dma_semaphore, #tpu.memory_space<semaphore_mem>>) {add = true}
        %dma_wait3A_80 = arith.constant 0 : i32
        %dma_wait3A_81 = tpu.memref_slice %arg7[%add3A_71, %dma_wait3A_80] : memref<40x128xi32, #tpu.memory_space<vmem>> -> memref<1x128xi32, #tpu.memory_space<vmem>>
        %dma_wait3A_82 = tpu.memref_squeeze %dma_wait3A_81 : memref<1x128xi32, #tpu.memory_space<vmem>> -> memref<128xi32, #tpu.memory_space<vmem>>
        %dma_wait3A_83 = arith.constant 0 : i32
        %dma_wait3A_84 = arith.constant 0 : i32
        %dma_wait3A_85 = tpu.memref_slice %arg10[%dma_wait3A_83, %dma_wait3A_84] : memref<10240x128xf32, #tpu.memory_space<vmem_shared>> -> memref<10240x128xf32, #tpu.memory_space<vmem_shared>>
        tpu.wait_indirect_dma semaphore(%run_scoped3A_73 : memref<!tpu.dma_semaphore, #tpu.memory_space<semaphore_mem>>) src(%arg9 : memref<128x128xf32, #tpu.memory_space<vmem>>) dst(%dma_wait3A_85 : memref<10240x128xf32, #tpu.memory_space<vmem_shared>>)
        tpu.yield
      }) : () -> ()
      %scan3A_72 = arith.constant 0 : i32
      scf.yield %scan3A_72 : i32
    }
    %scan3A_19 = arith.constant 20 : i32
    %mul3A_20 = arith.constant 80 : i32
    %mul3A_21 = arith.muli %add3A, %mul3A_20 : i32
    %add3A_22 = arith.constant 40 : i32
    %add3A_23 = arith.addi %mul3A_21, %add3A_22 : i32
    %run_scoped3A_24 = arith.constant 0 : i32
    "tpu.region"() ({
      %run_scoped3A_45 = tpu.sem_alloc : memref<!tpu.dma_semaphore, #tpu.memory_space<semaphore_mem>>
      %dma_start3A_46 = arith.constant 0 : i32
      %dma_start3A_47 = tpu.memref_slice %arg3[%run_scoped3A_24, %add3A_23, %dma_start3A_46] : memref<2x2560x128xi32, #tpu.memory_space<hbm>> -> memref<1x40x128xi32, #tpu.memory_space<hbm>>
      %dma_start3A_48 = tpu.memref_squeeze %dma_start3A_47 : memref<1x40x128xi32, #tpu.memory_space<hbm>> -> memref<40x128xi32, #tpu.memory_space<hbm>>
      %dma_start3A_49 = arith.constant 0 : i32
      %dma_start3A_50 = tpu.memref_slice %arg3[%run_scoped3A_24, %add3A_23, %dma_start3A_49] : memref<2x2560x128xi32, #tpu.memory_space<hbm>> -> memref<1x40x128xi32, #tpu.memory_space<hbm>>
      %dma_start3A_51 = tpu.memref_squeeze %dma_start3A_50 : memref<1x40x128xi32, #tpu.memory_space<hbm>> -> memref<40x128xi32, #tpu.memory_space<hbm>>
      tpu.enqueue_dma source(%dma_start3A_51 : memref<40x128xi32, #tpu.memory_space<hbm>>) target(%arg6 : memref<40x128xi32, #tpu.memory_space<vmem>>) target_semaphore(%run_scoped3A_45 : memref<!tpu.dma_semaphore, #tpu.memory_space<semaphore_mem>>)
      %dma_wait3A = arith.constant 0 : i32
      %dma_wait3A_52 = tpu.memref_slice %arg3[%run_scoped3A_24, %add3A_23, %dma_wait3A] : memref<2x2560x128xi32, #tpu.memory_space<hbm>> -> memref<1x40x128xi32, #tpu.memory_space<hbm>>
      %dma_wait3A_53 = tpu.memref_squeeze %dma_wait3A_52 : memref<1x40x128xi32, #tpu.memory_space<hbm>> -> memref<40x128xi32, #tpu.memory_space<hbm>>
      %dma_wait3A_54 = arith.constant 0 : i32
      %dma_wait3A_55 = tpu.memref_slice %arg3[%run_scoped3A_24, %add3A_23, %dma_wait3A_54] : memref<2x2560x128xi32, #tpu.memory_space<hbm>> -> memref<1x40x128xi32, #tpu.memory_space<hbm>>
      %dma_wait3A_56 = tpu.memref_squeeze %dma_wait3A_55 : memref<1x40x128xi32, #tpu.memory_space<hbm>> -> memref<40x128xi32, #tpu.memory_space<hbm>>
      tpu.wait_dma2 semaphore(%run_scoped3A_45 : memref<!tpu.dma_semaphore, #tpu.memory_space<semaphore_mem>>) src(%dma_wait3A_56 : memref<40x128xi32, #tpu.memory_space<hbm>>) dst(%arg6 : memref<40x128xi32, #tpu.memory_space<vmem>>)
      tpu.yield
    }) : () -> ()
    %run_scoped3A_25 = arith.constant 1 : i32
    "tpu.region"() ({
      %run_scoped3A_45 = tpu.sem_alloc : memref<!tpu.dma_semaphore, #tpu.memory_space<semaphore_mem>>
      %dma_start3A_46 = arith.constant 0 : i32
      %dma_start3A_47 = tpu.memref_slice %arg3[%run_scoped3A_25, %add3A_23, %dma_start3A_46] : memref<2x2560x128xi32, #tpu.memory_space<hbm>> -> memref<1x40x128xi32, #tpu.memory_space<hbm>>
      %dma_start3A_48 = tpu.memref_squeeze %dma_start3A_47 : memref<1x40x128xi32, #tpu.memory_space<hbm>> -> memref<40x128xi32, #tpu.memory_space<hbm>>
      %dma_start3A_49 = arith.constant 0 : i32
      %dma_start3A_50 = tpu.memref_slice %arg3[%run_scoped3A_25, %add3A_23, %dma_start3A_49] : memref<2x2560x128xi32, #tpu.memory_space<hbm>> -> memref<1x40x128xi32, #tpu.memory_space<hbm>>
      %dma_start3A_51 = tpu.memref_squeeze %dma_start3A_50 : memref<1x40x128xi32, #tpu.memory_space<hbm>> -> memref<40x128xi32, #tpu.memory_space<hbm>>
      tpu.enqueue_dma source(%dma_start3A_51 : memref<40x128xi32, #tpu.memory_space<hbm>>) target(%arg7 : memref<40x128xi32, #tpu.memory_space<vmem>>) target_semaphore(%run_scoped3A_45 : memref<!tpu.dma_semaphore, #tpu.memory_space<semaphore_mem>>)
      %dma_wait3A = arith.constant 0 : i32
      %dma_wait3A_52 = tpu.memref_slice %arg3[%run_scoped3A_25, %add3A_23, %dma_wait3A] : memref<2x2560x128xi32, #tpu.memory_space<hbm>> -> memref<1x40x128xi32, #tpu.memory_space<hbm>>
      %dma_wait3A_53 = tpu.memref_squeeze %dma_wait3A_52 : memref<1x40x128xi32, #tpu.memory_space<hbm>> -> memref<40x128xi32, #tpu.memory_space<hbm>>
      %dma_wait3A_54 = arith.constant 0 : i32
      %dma_wait3A_55 = tpu.memref_slice %arg3[%run_scoped3A_25, %add3A_23, %dma_wait3A_54] : memref<2x2560x128xi32, #tpu.memory_space<hbm>> -> memref<1x40x128xi32, #tpu.memory_space<hbm>>
      %dma_wait3A_56 = tpu.memref_squeeze %dma_wait3A_55 : memref<1x40x128xi32, #tpu.memory_space<hbm>> -> memref<40x128xi32, #tpu.memory_space<hbm>>
      tpu.wait_dma2 semaphore(%run_scoped3A_45 : memref<!tpu.dma_semaphore, #tpu.memory_space<semaphore_mem>>) src(%dma_wait3A_56 : memref<40x128xi32, #tpu.memory_space<hbm>>) dst(%arg7 : memref<40x128xi32, #tpu.memory_space<vmem>>)
      tpu.yield
    }) : () -> ()
    %dma_start3A_26 = arith.constant 0 : i32
    %dma_start3A_27 = arith.constant 0 : i32
    %dma_start3A_28 = tpu.memref_slice %arg6[%dma_start3A_26, %dma_start3A_27] : memref<40x128xi32, #tpu.memory_space<vmem>> -> memref<1x128xi32, #tpu.memory_space<vmem>>
    %dma_start3A_29 = tpu.memref_squeeze %dma_start3A_28 : memref<1x128xi32, #tpu.memory_space<vmem>> -> memref<128xi32, #tpu.memory_space<vmem>>
    %dma_start3A_30 = arith.constant 0 : i32
    %dma_start3A_31 = arith.constant 0 : i32
    %dma_start3A_32 = tpu.memref_slice %arg2[%dma_start3A_30, %dma_start3A_31] : memref<10240x128xf32, #tpu.memory_space<hbm>> -> memref<10240x128xf32, #tpu.memory_space<hbm>>
    tpu.enqueue_indirect_dma source(%dma_start3A_32 : memref<10240x128xf32, #tpu.memory_space<hbm>>) target(%arg8 : memref<128x128xf32, #tpu.memory_space<vmem>>) offsets(%dma_start3A_29 : memref<128xi32, #tpu.memory_space<vmem>>) semaphore(%arg11 : memref<!tpu.dma_semaphore, #tpu.memory_space<semaphore_mem>>)
    %scan3A_33 = arith.constant 0 : i32
    %scan3A_34 = arith.constant 0 : i32
    %scan3A_35 = arith.constant 20 : i32
    %scan3A_36 = arith.addi %scan3A_34, %scan3A_35 : i32
    %scan3A_37 = arith.constant 1 : i32
    %scan3A_38 = scf.for %scan3A_45 = %scan3A_34 to %scan3A_36 step %scan3A_37 iter_args(%scan3A_46 = %scan3A_33) -> (i32)  : i32 {
      %mul3A_47 = arith.constant 2 : i32
      %mul3A_48 = arith.muli %mul3A_47, %scan3A_45 : i32
      %dma_wait3A = arith.constant 0 : i32
      %dma_wait3A_49 = arith.constant 0 : i32
      %dma_wait3A_50 = tpu.memref_slice %arg2[%dma_wait3A, %dma_wait3A_49] : memref<10240x128xf32, #tpu.memory_space<hbm>> -> memref<128x128xf32, #tpu.memory_space<hbm>>
      %dma_wait3A_51 = arith.constant 0 : i32
      %dma_wait3A_52 = arith.constant 0 : i32
      %dma_wait3A_53 = tpu.memref_slice %arg2[%dma_wait3A_51, %dma_wait3A_52] : memref<10240x128xf32, #tpu.memory_space<hbm>> -> memref<128x128xf32, #tpu.memory_space<hbm>>
      tpu.wait_dma2 semaphore(%arg11 : memref<!tpu.dma_semaphore, #tpu.memory_space<semaphore_mem>>) src(%dma_wait3A_53 : memref<128x128xf32, #tpu.memory_space<hbm>>) dst(%arg8 : memref<128x128xf32, #tpu.memory_space<vmem>>)
      %add3A_54 = arith.constant 1 : i32
      %add3A_55 = arith.addi %mul3A_48, %add3A_54 : i32
      %dma_start3A_56 = arith.constant 0 : i32
      %dma_start3A_57 = tpu.memref_slice %arg6[%add3A_55, %dma_start3A_56] : memref<40x128xi32, #tpu.memory_space<vmem>> -> memref<1x128xi32, #tpu.memory_space<vmem>>
      %dma_start3A_58 = tpu.memref_squeeze %dma_start3A_57 : memref<1x128xi32, #tpu.memory_space<vmem>> -> memref<128xi32, #tpu.memory_space<vmem>>
      %dma_start3A_59 = arith.constant 0 : i32
      %dma_start3A_60 = arith.constant 0 : i32
      %dma_start3A_61 = tpu.memref_slice %arg2[%dma_start3A_59, %dma_start3A_60] : memref<10240x128xf32, #tpu.memory_space<hbm>> -> memref<10240x128xf32, #tpu.memory_space<hbm>>
      tpu.enqueue_indirect_dma source(%dma_start3A_61 : memref<10240x128xf32, #tpu.memory_space<hbm>>) target(%arg9 : memref<128x128xf32, #tpu.memory_space<vmem>>) offsets(%dma_start3A_58 : memref<128xi32, #tpu.memory_space<vmem>>) semaphore(%arg12 : memref<!tpu.dma_semaphore, #tpu.memory_space<semaphore_mem>>)
      "tpu.region"() ({
        %run_scoped3A_73 = tpu.sem_alloc : memref<!tpu.dma_semaphore, #tpu.memory_space<semaphore_mem>>
        %dma_start3A_74 = arith.constant 0 : i32
        %dma_start3A_75 = tpu.memref_slice %arg7[%mul3A_48, %dma_start3A_74] : memref<40x128xi32, #tpu.memory_space<vmem>> -> memref<1x128xi32, #tpu.memory_space<vmem>>
        %dma_start3A_76 = tpu.memref_squeeze %dma_start3A_75 : memref<1x128xi32, #tpu.memory_space<vmem>> -> memref<128xi32, #tpu.memory_space<vmem>>
        %dma_start3A_77 = arith.constant 0 : i32
        %dma_start3A_78 = arith.constant 0 : i32
        %dma_start3A_79 = tpu.memref_slice %arg10[%dma_start3A_77, %dma_start3A_78] : memref<10240x128xf32, #tpu.memory_space<vmem_shared>> -> memref<10240x128xf32, #tpu.memory_space<vmem_shared>>
        tpu.enqueue_indirect_dma source(%arg8 : memref<128x128xf32, #tpu.memory_space<vmem>>) target(%dma_start3A_79 : memref<10240x128xf32, #tpu.memory_space<vmem_shared>>) offsets(%dma_start3A_76 : memref<128xi32, #tpu.memory_space<vmem>>) semaphore(%run_scoped3A_73 : memref<!tpu.dma_semaphore, #tpu.memory_space<semaphore_mem>>) {add = true}
        %dma_wait3A_80 = arith.constant 0 : i32
        %dma_wait3A_81 = tpu.memref_slice %arg7[%mul3A_48, %dma_wait3A_80] : memref<40x128xi32, #tpu.memory_space<vmem>> -> memref<1x128xi32, #tpu.memory_space<vmem>>
        %dma_wait3A_82 = tpu.memref_squeeze %dma_wait3A_81 : memref<1x128xi32, #tpu.memory_space<vmem>> -> memref<128xi32, #tpu.memory_space<vmem>>
        %dma_wait3A_83 = arith.constant 0 : i32
        %dma_wait3A_84 = arith.constant 0 : i32
        %dma_wait3A_85 = tpu.memref_slice %arg10[%dma_wait3A_83, %dma_wait3A_84] : memref<10240x128xf32, #tpu.memory_space<vmem_shared>> -> memref<10240x128xf32, #tpu.memory_space<vmem_shared>>
        tpu.wait_indirect_dma semaphore(%run_scoped3A_73 : memref<!tpu.dma_semaphore, #tpu.memory_space<semaphore_mem>>) src(%arg8 : memref<128x128xf32, #tpu.memory_space<vmem>>) dst(%dma_wait3A_85 : memref<10240x128xf32, #tpu.memory_space<vmem_shared>>)
        tpu.yield
      }) : () -> ()
      %dma_wait3A_62 = arith.constant 0 : i32
      %dma_wait3A_63 = arith.constant 0 : i32
      %dma_wait3A_64 = tpu.memref_slice %arg2[%dma_wait3A_62, %dma_wait3A_63] : memref<10240x128xf32, #tpu.memory_space<hbm>> -> memref<128x128xf32, #tpu.memory_space<hbm>>
      %dma_wait3A_65 = arith.constant 0 : i32
      %dma_wait3A_66 = arith.constant 0 : i32
      %dma_wait3A_67 = tpu.memref_slice %arg2[%dma_wait3A_65, %dma_wait3A_66] : memref<10240x128xf32, #tpu.memory_space<hbm>> -> memref<128x128xf32, #tpu.memory_space<hbm>>
      tpu.wait_dma2 semaphore(%arg12 : memref<!tpu.dma_semaphore, #tpu.memory_space<semaphore_mem>>) src(%dma_wait3A_67 : memref<128x128xf32, #tpu.memory_space<hbm>>) dst(%arg9 : memref<128x128xf32, #tpu.memory_space<vmem>>)
      %lt3A = arith.constant 19 : i32
      %lt3A_68 = arith.cmpi slt, %scan3A_45, %lt3A : i32
      %convert_element_type3A = arith.extui %lt3A_68 : i1 to i32
      %cond3A = arith.constant 0 : i32
      %cond3A_69 = arith.cmpi ne, %convert_element_type3A, %cond3A : i32
      scf.if %cond3A_69 {
        %add3A_73 = arith.constant 2 : i32
        %add3A_74 = arith.addi %mul3A_48, %add3A_73 : i32
        %dma_start3A_75 = arith.constant 0 : i32
        %dma_start3A_76 = tpu.memref_slice %arg6[%add3A_74, %dma_start3A_75] : memref<40x128xi32, #tpu.memory_space<vmem>> -> memref<1x128xi32, #tpu.memory_space<vmem>>
        %dma_start3A_77 = tpu.memref_squeeze %dma_start3A_76 : memref<1x128xi32, #tpu.memory_space<vmem>> -> memref<128xi32, #tpu.memory_space<vmem>>
        %dma_start3A_78 = arith.constant 0 : i32
        %dma_start3A_79 = arith.constant 0 : i32
        %dma_start3A_80 = tpu.memref_slice %arg2[%dma_start3A_78, %dma_start3A_79] : memref<10240x128xf32, #tpu.memory_space<hbm>> -> memref<10240x128xf32, #tpu.memory_space<hbm>>
        tpu.enqueue_indirect_dma source(%dma_start3A_80 : memref<10240x128xf32, #tpu.memory_space<hbm>>) target(%arg8 : memref<128x128xf32, #tpu.memory_space<vmem>>) offsets(%dma_start3A_77 : memref<128xi32, #tpu.memory_space<vmem>>) semaphore(%arg11 : memref<!tpu.dma_semaphore, #tpu.memory_space<semaphore_mem>>)
      } else {
      }
      %add3A_70 = arith.constant 1 : i32
      %add3A_71 = arith.addi %mul3A_48, %add3A_70 : i32
      "tpu.region"() ({
        %run_scoped3A_73 = tpu.sem_alloc : memref<!tpu.dma_semaphore, #tpu.memory_space<semaphore_mem>>
        %dma_start3A_74 = arith.constant 0 : i32
        %dma_start3A_75 = tpu.memref_slice %arg7[%add3A_71, %dma_start3A_74] : memref<40x128xi32, #tpu.memory_space<vmem>> -> memref<1x128xi32, #tpu.memory_space<vmem>>
        %dma_start3A_76 = tpu.memref_squeeze %dma_start3A_75 : memref<1x128xi32, #tpu.memory_space<vmem>> -> memref<128xi32, #tpu.memory_space<vmem>>
        %dma_start3A_77 = arith.constant 0 : i32
        %dma_start3A_78 = arith.constant 0 : i32
        %dma_start3A_79 = tpu.memref_slice %arg10[%dma_start3A_77, %dma_start3A_78] : memref<10240x128xf32, #tpu.memory_space<vmem_shared>> -> memref<10240x128xf32, #tpu.memory_space<vmem_shared>>
        tpu.enqueue_indirect_dma source(%arg9 : memref<128x128xf32, #tpu.memory_space<vmem>>) target(%dma_start3A_79 : memref<10240x128xf32, #tpu.memory_space<vmem_shared>>) offsets(%dma_start3A_76 : memref<128xi32, #tpu.memory_space<vmem>>) semaphore(%run_scoped3A_73 : memref<!tpu.dma_semaphore, #tpu.memory_space<semaphore_mem>>) {add = true}
        %dma_wait3A_80 = arith.constant 0 : i32
        %dma_wait3A_81 = tpu.memref_slice %arg7[%add3A_71, %dma_wait3A_80] : memref<40x128xi32, #tpu.memory_space<vmem>> -> memref<1x128xi32, #tpu.memory_space<vmem>>
        %dma_wait3A_82 = tpu.memref_squeeze %dma_wait3A_81 : memref<1x128xi32, #tpu.memory_space<vmem>> -> memref<128xi32, #tpu.memory_space<vmem>>
        %dma_wait3A_83 = arith.constant 0 : i32
        %dma_wait3A_84 = arith.constant 0 : i32
        %dma_wait3A_85 = tpu.memref_slice %arg10[%dma_wait3A_83, %dma_wait3A_84] : memref<10240x128xf32, #tpu.memory_space<vmem_shared>> -> memref<10240x128xf32, #tpu.memory_space<vmem_shared>>
        tpu.wait_indirect_dma semaphore(%run_scoped3A_73 : memref<!tpu.dma_semaphore, #tpu.memory_space<semaphore_mem>>) src(%arg9 : memref<128x128xf32, #tpu.memory_space<vmem>>) dst(%dma_wait3A_85 : memref<10240x128xf32, #tpu.memory_space<vmem_shared>>)
        tpu.yield
      }) : () -> ()
      %scan3A_72 = arith.constant 0 : i32
      scf.yield %scan3A_72 : i32
    }
    %scan3A_39 = arith.constant 20 : i32
    %barrier3A_40 = arith.constant 0 : index
    tpu.barrier barrier_id(%barrier3A_40)
    %mul3A_41 = arith.constant 640 : i32
    %mul3A_42 = arith.muli %arg1, %mul3A_41 : i32
    %mul3A_43 = arith.constant 640 : i32
    %mul3A_44 = arith.muli %arg1, %mul3A_43 : i32
    "tpu.region"() ({
      %run_scoped3A_45 = tpu.sem_alloc : memref<!tpu.dma_semaphore, #tpu.memory_space<semaphore_mem>>
      %dma_start3A_46 = arith.constant 0 : i32
      %dma_start3A_47 = tpu.memref_slice %arg5[%arg0, %mul3A_44, %dma_start3A_46] : memref<2x10240x128xf32, #tpu.memory_space<hbm>> -> memref<1x640x128xf32, #tpu.memory_space<hbm>>
      %dma_start3A_48 = tpu.memref_squeeze %dma_start3A_47 : memref<1x640x128xf32, #tpu.memory_space<hbm>> -> memref<640x128xf32, #tpu.memory_space<hbm>>
      %dma_start3A_49 = arith.constant 0 : i32
      %dma_start3A_50 = tpu.memref_slice %arg10[%mul3A_42, %dma_start3A_49] : memref<10240x128xf32, #tpu.memory_space<vmem_shared>> -> memref<640x128xf32, #tpu.memory_space<vmem_shared>>
      tpu.enqueue_dma source(%dma_start3A_50 : memref<640x128xf32, #tpu.memory_space<vmem_shared>>) target(%dma_start3A_48 : memref<640x128xf32, #tpu.memory_space<hbm>>) target_semaphore(%run_scoped3A_45 : memref<!tpu.dma_semaphore, #tpu.memory_space<semaphore_mem>>)
      %dma_wait3A = arith.constant 0 : i32
      %dma_wait3A_51 = tpu.memref_slice %arg5[%arg0, %mul3A_44, %dma_wait3A] : memref<2x10240x128xf32, #tpu.memory_space<hbm>> -> memref<1x640x128xf32, #tpu.memory_space<hbm>>
      %dma_wait3A_52 = tpu.memref_squeeze %dma_wait3A_51 : memref<1x640x128xf32, #tpu.memory_space<hbm>> -> memref<640x128xf32, #tpu.memory_space<hbm>>
      %dma_wait3A_53 = arith.constant 0 : i32
      %dma_wait3A_54 = tpu.memref_slice %arg10[%mul3A_42, %dma_wait3A_53] : memref<10240x128xf32, #tpu.memory_space<vmem_shared>> -> memref<640x128xf32, #tpu.memory_space<vmem_shared>>
      tpu.wait_dma2 semaphore(%run_scoped3A_45 : memref<!tpu.dma_semaphore, #tpu.memory_space<semaphore_mem>>) src(%dma_wait3A_54 : memref<640x128xf32, #tpu.memory_space<vmem_shared>>) dst(%dma_wait3A_52 : memref<640x128xf32, #tpu.memory_space<hbm>>)
      tpu.yield
    }) : () -> ()
    return
  }
}

#map = affine_map<(d0, d1) -> (0, 0, 0)>
#map1 = affine_map<(d0, d1) -> (0, 0)>
#map2 = affine_map<(d0, d1) -> (0)>
module attributes {stable_mosaic.version = 14 : i64} {
  func.func @_deg_pass(%arg0: i32, %arg1: i32, %arg2: memref<2x2560x128xi32, #tpu.memory_space<hbm>>, %arg3: memref<8x128xf32, #tpu.memory_space<hbm>>, %arg4: memref<80xi32, #tpu.memory_space<hbm>>, %arg5: memref<2x80x128xf32, #tpu.memory_space<hbm>>, %arg6: memref<80x128xi32, #tpu.memory_space<vmem>>, %arg7: memref<80x128xf32, #tpu.memory_space<vmem>>, %arg8: memref<80xi32, #tpu.memory_space<vmem>>, %arg9: memref<80x128xf32, #tpu.memory_space<vmem_shared>>) attributes {dimension_semantics = [#tpu.dimension_semantics<core_parallel>, #tpu.dimension_semantics<subcore_parallel>], iteration_bounds = array<i64: 2, 16>, scalar_prefetch = 0 : i64, scratch_operands = 4 : i64, tpu.core_type = #tpu.core_type<sc_vector_subcore>, window_params = [{transform_indices = #map}, {transform_indices = #map1}, {transform_indices = #map2}, {transform_indices = #map}]} {
    %mul3A = arith.constant 16 : i32
    %mul3A_0 = arith.muli %arg0, %mul3A : i32
    %add3A = arith.addi %mul3A_0, %arg1 : i32
    %mul3A_1 = arith.constant 80 : i32
    %mul3A_2 = arith.muli %add3A, %mul3A_1 : i32
    %run_scoped3A = arith.constant 1 : i32
    "tpu.region"() ({
      %run_scoped3A_24 = tpu.sem_alloc : memref<!tpu.dma_semaphore, #tpu.memory_space<semaphore_mem>>
      %dma_start3A = arith.constant 0 : i32
      %dma_start3A_25 = tpu.memref_slice %arg2[%run_scoped3A, %mul3A_2, %dma_start3A] : memref<2x2560x128xi32, #tpu.memory_space<hbm>> -> memref<1x80x128xi32, #tpu.memory_space<hbm>>
      %dma_start3A_26 = tpu.memref_squeeze %dma_start3A_25 : memref<1x80x128xi32, #tpu.memory_space<hbm>> -> memref<80x128xi32, #tpu.memory_space<hbm>>
      %dma_start3A_27 = arith.constant 0 : i32
      %dma_start3A_28 = tpu.memref_slice %arg2[%run_scoped3A, %mul3A_2, %dma_start3A_27] : memref<2x2560x128xi32, #tpu.memory_space<hbm>> -> memref<1x80x128xi32, #tpu.memory_space<hbm>>
      %dma_start3A_29 = tpu.memref_squeeze %dma_start3A_28 : memref<1x80x128xi32, #tpu.memory_space<hbm>> -> memref<80x128xi32, #tpu.memory_space<hbm>>
      tpu.enqueue_dma source(%dma_start3A_29 : memref<80x128xi32, #tpu.memory_space<hbm>>) target(%arg6 : memref<80x128xi32, #tpu.memory_space<vmem>>) target_semaphore(%run_scoped3A_24 : memref<!tpu.dma_semaphore, #tpu.memory_space<semaphore_mem>>)
      %dma_wait3A = arith.constant 0 : i32
      %dma_wait3A_30 = tpu.memref_slice %arg2[%run_scoped3A, %mul3A_2, %dma_wait3A] : memref<2x2560x128xi32, #tpu.memory_space<hbm>> -> memref<1x80x128xi32, #tpu.memory_space<hbm>>
      %dma_wait3A_31 = tpu.memref_squeeze %dma_wait3A_30 : memref<1x80x128xi32, #tpu.memory_space<hbm>> -> memref<80x128xi32, #tpu.memory_space<hbm>>
      %dma_wait3A_32 = arith.constant 0 : i32
      %dma_wait3A_33 = tpu.memref_slice %arg2[%run_scoped3A, %mul3A_2, %dma_wait3A_32] : memref<2x2560x128xi32, #tpu.memory_space<hbm>> -> memref<1x80x128xi32, #tpu.memory_space<hbm>>
      %dma_wait3A_34 = tpu.memref_squeeze %dma_wait3A_33 : memref<1x80x128xi32, #tpu.memory_space<hbm>> -> memref<80x128xi32, #tpu.memory_space<hbm>>
      tpu.wait_dma2 semaphore(%run_scoped3A_24 : memref<!tpu.dma_semaphore, #tpu.memory_space<semaphore_mem>>) src(%dma_wait3A_34 : memref<80x128xi32, #tpu.memory_space<hbm>>) dst(%arg6 : memref<80x128xi32, #tpu.memory_space<vmem>>)
      tpu.yield
    }) : () -> ()
    "tpu.region"() ({
      %run_scoped3A_24 = tpu.sem_alloc : memref<!tpu.dma_semaphore, #tpu.memory_space<semaphore_mem>>
      tpu.enqueue_dma source(%arg4 : memref<80xi32, #tpu.memory_space<hbm>>) target(%arg8 : memref<80xi32, #tpu.memory_space<vmem>>) target_semaphore(%run_scoped3A_24 : memref<!tpu.dma_semaphore, #tpu.memory_space<semaphore_mem>>)
      tpu.wait_dma2 semaphore(%run_scoped3A_24 : memref<!tpu.dma_semaphore, #tpu.memory_space<semaphore_mem>>) src(%arg4 : memref<80xi32, #tpu.memory_space<hbm>>) dst(%arg8 : memref<80xi32, #tpu.memory_space<vmem>>)
      tpu.yield
    }) : () -> ()
    %scan3A = arith.constant 0 : i32
    %scan3A_3 = arith.constant 0 : i32
    %scan3A_4 = arith.constant 80 : i32
    %scan3A_5 = arith.addi %scan3A_3, %scan3A_4 : i32
    %scan3A_6 = arith.constant 1 : i32
    %scan3A_7 = scf.for %scan3A_24 = %scan3A_3 to %scan3A_5 step %scan3A_6 iter_args(%scan3A_25 = %scan3A) -> (i32)  : i32 {
      %broadcast_in_dim3A = arith.constant 0.000000e+00 : f32
      %broadcast_in_dim3A_26 = vector.broadcast %broadcast_in_dim3A : f32 to vector<16xf32>
      %swap3A = arith.index_cast %scan3A_24 : i32 to index
      %swap3A_27 = arith.constant 0 : index
      %swap3A_28 = tpu.vector_load %arg7[%swap3A, %swap3A_27] {strides = array<i32>} : memref<80x128xf32, #tpu.memory_space<vmem>>, vector<16xf32>,
      tpu.vector_store %arg7[%swap3A, %swap3A_27], %broadcast_in_dim3A_26 {strides = array<i32>} : memref<80x128xf32, #tpu.memory_space<vmem>>, vector<16xf32>,
      %broadcast_in_dim3A_29 = arith.constant 0.000000e+00 : f32
      %broadcast_in_dim3A_30 = vector.broadcast %broadcast_in_dim3A_29 : f32 to vector<16xf32>
      %swap3A_31 = arith.index_cast %scan3A_24 : i32 to index
      %swap3A_32 = arith.constant 16 : index
      %swap3A_33 = tpu.vector_load %arg7[%swap3A_31, %swap3A_32] {strides = array<i32>} : memref<80x128xf32, #tpu.memory_space<vmem>>, vector<16xf32>,
      tpu.vector_store %arg7[%swap3A_31, %swap3A_32], %broadcast_in_dim3A_30 {strides = array<i32>} : memref<80x128xf32, #tpu.memory_space<vmem>>, vector<16xf32>,
      %broadcast_in_dim3A_34 = arith.constant 0.000000e+00 : f32
      %broadcast_in_dim3A_35 = vector.broadcast %broadcast_in_dim3A_34 : f32 to vector<16xf32>
      %swap3A_36 = arith.index_cast %scan3A_24 : i32 to index
      %swap3A_37 = arith.constant 32 : index
      %swap3A_38 = tpu.vector_load %arg7[%swap3A_36, %swap3A_37] {strides = array<i32>} : memref<80x128xf32, #tpu.memory_space<vmem>>, vector<16xf32>,
      tpu.vector_store %arg7[%swap3A_36, %swap3A_37], %broadcast_in_dim3A_35 {strides = array<i32>} : memref<80x128xf32, #tpu.memory_space<vmem>>, vector<16xf32>,
      %broadcast_in_dim3A_39 = arith.constant 0.000000e+00 : f32
      %broadcast_in_dim3A_40 = vector.broadcast %broadcast_in_dim3A_39 : f32 to vector<16xf32>
      %swap3A_41 = arith.index_cast %scan3A_24 : i32 to index
      %swap3A_42 = arith.constant 48 : index
      %swap3A_43 = tpu.vector_load %arg7[%swap3A_41, %swap3A_42] {strides = array<i32>} : memref<80x128xf32, #tpu.memory_space<vmem>>, vector<16xf32>,
      tpu.vector_store %arg7[%swap3A_41, %swap3A_42], %broadcast_in_dim3A_40 {strides = array<i32>} : memref<80x128xf32, #tpu.memory_space<vmem>>, vector<16xf32>,
      %broadcast_in_dim3A_44 = arith.constant 0.000000e+00 : f32
      %broadcast_in_dim3A_45 = vector.broadcast %broadcast_in_dim3A_44 : f32 to vector<16xf32>
      %swap3A_46 = arith.index_cast %scan3A_24 : i32 to index
      %swap3A_47 = arith.constant 64 : index
      %swap3A_48 = tpu.vector_load %arg7[%swap3A_46, %swap3A_47] {strides = array<i32>} : memref<80x128xf32, #tpu.memory_space<vmem>>, vector<16xf32>,
      tpu.vector_store %arg7[%swap3A_46, %swap3A_47], %broadcast_in_dim3A_45 {strides = array<i32>} : memref<80x128xf32, #tpu.memory_space<vmem>>, vector<16xf32>,
      %broadcast_in_dim3A_49 = arith.constant 0.000000e+00 : f32
      %broadcast_in_dim3A_50 = vector.broadcast %broadcast_in_dim3A_49 : f32 to vector<16xf32>
      %swap3A_51 = arith.index_cast %scan3A_24 : i32 to index
      %swap3A_52 = arith.constant 80 : index
      %swap3A_53 = tpu.vector_load %arg7[%swap3A_51, %swap3A_52] {strides = array<i32>} : memref<80x128xf32, #tpu.memory_space<vmem>>, vector<16xf32>,
      tpu.vector_store %arg7[%swap3A_51, %swap3A_52], %broadcast_in_dim3A_50 {strides = array<i32>} : memref<80x128xf32, #tpu.memory_space<vmem>>, vector<16xf32>,
      %broadcast_in_dim3A_54 = arith.constant 0.000000e+00 : f32
      %broadcast_in_dim3A_55 = vector.broadcast %broadcast_in_dim3A_54 : f32 to vector<16xf32>
      %swap3A_56 = arith.index_cast %scan3A_24 : i32 to index
      %swap3A_57 = arith.constant 96 : index
      %swap3A_58 = tpu.vector_load %arg7[%swap3A_56, %swap3A_57] {strides = array<i32>} : memref<80x128xf32, #tpu.memory_space<vmem>>, vector<16xf32>,
      tpu.vector_store %arg7[%swap3A_56, %swap3A_57], %broadcast_in_dim3A_55 {strides = array<i32>} : memref<80x128xf32, #tpu.memory_space<vmem>>, vector<16xf32>,
      %broadcast_in_dim3A_59 = arith.constant 0.000000e+00 : f32
      %broadcast_in_dim3A_60 = vector.broadcast %broadcast_in_dim3A_59 : f32 to vector<16xf32>
      %swap3A_61 = arith.index_cast %scan3A_24 : i32 to index
      %swap3A_62 = arith.constant 112 : index
      %swap3A_63 = tpu.vector_load %arg7[%swap3A_61, %swap3A_62] {strides = array<i32>} : memref<80x128xf32, #tpu.memory_space<vmem>>, vector<16xf32>,
      tpu.vector_store %arg7[%swap3A_61, %swap3A_62], %broadcast_in_dim3A_60 {strides = array<i32>} : memref<80x128xf32, #tpu.memory_space<vmem>>, vector<16xf32>,
      %scan3A_64 = arith.constant 0 : i32
      scf.yield %scan3A_64 : i32
    }
    %scan3A_8 = arith.constant 80 : i32
    %lt3A = arith.constant 10 : i32
    %lt3A_9 = arith.cmpi slt, %arg1, %lt3A : i32
    %convert_element_type3A = arith.extui %lt3A_9 : i1 to i32
    %cond3A = arith.constant 0 : i32
    %cond3A_10 = arith.cmpi ne, %convert_element_type3A, %cond3A : i32
    scf.if %cond3A_10 {
      %mul3A_24 = arith.constant 8 : i32
      %mul3A_25 = arith.muli %arg1, %mul3A_24 : i32
      "tpu.region"() ({
        %run_scoped3A_26 = tpu.sem_alloc : memref<!tpu.dma_semaphore, #tpu.memory_space<semaphore_mem>>
        %dma_start3A = arith.constant 0 : i32
        %dma_start3A_27 = tpu.memref_slice %arg9[%mul3A_25, %dma_start3A] : memref<80x128xf32, #tpu.memory_space<vmem_shared>> -> memref<8x128xf32, #tpu.memory_space<vmem_shared>>
        tpu.enqueue_dma source(%arg3 : memref<8x128xf32, #tpu.memory_space<hbm>>) target(%dma_start3A_27 : memref<8x128xf32, #tpu.memory_space<vmem_shared>>) target_semaphore(%run_scoped3A_26 : memref<!tpu.dma_semaphore, #tpu.memory_space<semaphore_mem>>)
        %dma_wait3A = arith.constant 0 : i32
        %dma_wait3A_28 = tpu.memref_slice %arg9[%mul3A_25, %dma_wait3A] : memref<80x128xf32, #tpu.memory_space<vmem_shared>> -> memref<8x128xf32, #tpu.memory_space<vmem_shared>>
        tpu.wait_dma2 semaphore(%run_scoped3A_26 : memref<!tpu.dma_semaphore, #tpu.memory_space<semaphore_mem>>) src(%arg3 : memref<8x128xf32, #tpu.memory_space<hbm>>) dst(%dma_wait3A_28 : memref<8x128xf32, #tpu.memory_space<vmem_shared>>)
        tpu.yield
      }) : () -> ()
    } else {
    }
    %barrier3A = arith.constant 0 : index
    tpu.barrier barrier_id(%barrier3A)
    %scan3A_11 = arith.constant 0 : i32
    %scan3A_12 = arith.constant 0 : i32
    %scan3A_13 = arith.constant 80 : i32
    %scan3A_14 = arith.addi %scan3A_12, %scan3A_13 : i32
    %scan3A_15 = arith.constant 1 : i32
    %scan3A_16 = scf.for %scan3A_24 = %scan3A_12 to %scan3A_14 step %scan3A_15 iter_args(%scan3A_25 = %scan3A_11) -> (i32)  : i32 {
      %get3A = arith.index_cast %scan3A_24 : i32 to index
      %get3A_26 = arith.constant 0 : index
      %get3A_27 = tpu.vector_load %arg6[%get3A, %get3A_26] {strides = array<i32>} : memref<80x128xi32, #tpu.memory_space<vmem>>, vector<16xi32>,
      %shift_right_logical3A = arith.constant 7 : i32
      %shift_right_logical3A_28 = vector.broadcast %shift_right_logical3A : i32 to vector<16xi32>
      %shift_right_logical3A_29 = arith.shrui %get3A_27, %shift_right_logical3A_28 : vector<16xi32>
      %and3A = arith.constant 127 : i32
      %and3A_30 = vector.broadcast %and3A : i32 to vector<16xi32>
      %and3A_31 = arith.andi %get3A_27, %and3A_30 : vector<16xi32>
      %broadcast_in_dim3A = arith.constant true
      %broadcast_in_dim3A_32 = vector.broadcast %broadcast_in_dim3A : i1 to vector<16xi1>
      %unique3A, %unique3A_33 = tpu.scan_count mask(%broadcast_in_dim3A_32 : vector<16xi1>) value(%get3A_27 : vector<16xi32>) : vector<16xi1>, vector<16xi32>
      %gather3A = tpu.vector_load_idx %arg7[%shift_right_logical3A_29, %and3A_31] : memref<80x128xf32, #tpu.memory_space<vmem>>[vector<16xi32>, vector<16xi32>], vector<16xf32>,
      %convert_element_type3A_34 = arith.sitofp %unique3A_33 : vector<16xi32> to vector<16xf32>
      %add3A_35 = arith.addf %gather3A, %convert_element_type3A_34 : vector<16xf32>
      tpu.vector_store_idx %arg7[%shift_right_logical3A_29, %and3A_31], %add3A_35 masked %unique3A : memref<80x128xf32, #tpu.memory_space<vmem>>[vector<16xi32>, vector<16xi32>], vector<16xf32>, vector<16xi1>
      %get3A_36 = arith.index_cast %scan3A_24 : i32 to index
      %get3A_37 = arith.constant 16 : index
      %get3A_38 = tpu.vector_load %arg6[%get3A_36, %get3A_37] {strides = array<i32>} : memref<80x128xi32, #tpu.memory_space<vmem>>, vector<16xi32>,
      %shift_right_logical3A_39 = arith.constant 7 : i32
      %shift_right_logical3A_40 = vector.broadcast %shift_right_logical3A_39 : i32 to vector<16xi32>
      %shift_right_logical3A_41 = arith.shrui %get3A_38, %shift_right_logical3A_40 : vector<16xi32>
      %and3A_42 = arith.constant 127 : i32
      %and3A_43 = vector.broadcast %and3A_42 : i32 to vector<16xi32>
      %and3A_44 = arith.andi %get3A_38, %and3A_43 : vector<16xi32>
      %broadcast_in_dim3A_45 = arith.constant true
      %broadcast_in_dim3A_46 = vector.broadcast %broadcast_in_dim3A_45 : i1 to vector<16xi1>
      %unique3A_47, %unique3A_48 = tpu.scan_count mask(%broadcast_in_dim3A_46 : vector<16xi1>) value(%get3A_38 : vector<16xi32>) : vector<16xi1>, vector<16xi32>
      %gather3A_49 = tpu.vector_load_idx %arg7[%shift_right_logical3A_41, %and3A_44] : memref<80x128xf32, #tpu.memory_space<vmem>>[vector<16xi32>, vector<16xi32>], vector<16xf32>,
      %convert_element_type3A_50 = arith.sitofp %unique3A_48 : vector<16xi32> to vector<16xf32>
      %add3A_51 = arith.addf %gather3A_49, %convert_element_type3A_50 : vector<16xf32>
      tpu.vector_store_idx %arg7[%shift_right_logical3A_41, %and3A_44], %add3A_51 masked %unique3A_47 : memref<80x128xf32, #tpu.memory_space<vmem>>[vector<16xi32>, vector<16xi32>], vector<16xf32>, vector<16xi1>
      %get3A_52 = arith.index_cast %scan3A_24 : i32 to index
      %get3A_53 = arith.constant 32 : index
      %get3A_54 = tpu.vector_load %arg6[%get3A_52, %get3A_53] {strides = array<i32>} : memref<80x128xi32, #tpu.memory_space<vmem>>, vector<16xi32>,
      %shift_right_logical3A_55 = arith.constant 7 : i32
      %shift_right_logical3A_56 = vector.broadcast %shift_right_logical3A_55 : i32 to vector<16xi32>
      %shift_right_logical3A_57 = arith.shrui %get3A_54, %shift_right_logical3A_56 : vector<16xi32>
      %and3A_58 = arith.constant 127 : i32
      %and3A_59 = vector.broadcast %and3A_58 : i32 to vector<16xi32>
      %and3A_60 = arith.andi %get3A_54, %and3A_59 : vector<16xi32>
      %broadcast_in_dim3A_61 = arith.constant true
      %broadcast_in_dim3A_62 = vector.broadcast %broadcast_in_dim3A_61 : i1 to vector<16xi1>
      %unique3A_63, %unique3A_64 = tpu.scan_count mask(%broadcast_in_dim3A_62 : vector<16xi1>) value(%get3A_54 : vector<16xi32>) : vector<16xi1>, vector<16xi32>
      %gather3A_65 = tpu.vector_load_idx %arg7[%shift_right_logical3A_57, %and3A_60] : memref<80x128xf32, #tpu.memory_space<vmem>>[vector<16xi32>, vector<16xi32>], vector<16xf32>,
      %convert_element_type3A_66 = arith.sitofp %unique3A_64 : vector<16xi32> to vector<16xf32>
      %add3A_67 = arith.addf %gather3A_65, %convert_element_type3A_66 : vector<16xf32>
      tpu.vector_store_idx %arg7[%shift_right_logical3A_57, %and3A_60], %add3A_67 masked %unique3A_63 : memref<80x128xf32, #tpu.memory_space<vmem>>[vector<16xi32>, vector<16xi32>], vector<16xf32>, vector<16xi1>
      %get3A_68 = arith.index_cast %scan3A_24 : i32 to index
      %get3A_69 = arith.constant 48 : index
      %get3A_70 = tpu.vector_load %arg6[%get3A_68, %get3A_69] {strides = array<i32>} : memref<80x128xi32, #tpu.memory_space<vmem>>, vector<16xi32>,
      %shift_right_logical3A_71 = arith.constant 7 : i32
      %shift_right_logical3A_72 = vector.broadcast %shift_right_logical3A_71 : i32 to vector<16xi32>
      %shift_right_logical3A_73 = arith.shrui %get3A_70, %shift_right_logical3A_72 : vector<16xi32>
      %and3A_74 = arith.constant 127 : i32
      %and3A_75 = vector.broadcast %and3A_74 : i32 to vector<16xi32>
      %and3A_76 = arith.andi %get3A_70, %and3A_75 : vector<16xi32>
      %broadcast_in_dim3A_77 = arith.constant true
      %broadcast_in_dim3A_78 = vector.broadcast %broadcast_in_dim3A_77 : i1 to vector<16xi1>
      %unique3A_79, %unique3A_80 = tpu.scan_count mask(%broadcast_in_dim3A_78 : vector<16xi1>) value(%get3A_70 : vector<16xi32>) : vector<16xi1>, vector<16xi32>
      %gather3A_81 = tpu.vector_load_idx %arg7[%shift_right_logical3A_73, %and3A_76] : memref<80x128xf32, #tpu.memory_space<vmem>>[vector<16xi32>, vector<16xi32>], vector<16xf32>,
      %convert_element_type3A_82 = arith.sitofp %unique3A_80 : vector<16xi32> to vector<16xf32>
      %add3A_83 = arith.addf %gather3A_81, %convert_element_type3A_82 : vector<16xf32>
      tpu.vector_store_idx %arg7[%shift_right_logical3A_73, %and3A_76], %add3A_83 masked %unique3A_79 : memref<80x128xf32, #tpu.memory_space<vmem>>[vector<16xi32>, vector<16xi32>], vector<16xf32>, vector<16xi1>
      %get3A_84 = arith.index_cast %scan3A_24 : i32 to index
      %get3A_85 = arith.constant 64 : index
      %get3A_86 = tpu.vector_load %arg6[%get3A_84, %get3A_85] {strides = array<i32>} : memref<80x128xi32, #tpu.memory_space<vmem>>, vector<16xi32>,
      %shift_right_logical3A_87 = arith.constant 7 : i32
      %shift_right_logical3A_88 = vector.broadcast %shift_right_logical3A_87 : i32 to vector<16xi32>
      %shift_right_logical3A_89 = arith.shrui %get3A_86, %shift_right_logical3A_88 : vector<16xi32>
      %and3A_90 = arith.constant 127 : i32
      %and3A_91 = vector.broadcast %and3A_90 : i32 to vector<16xi32>
      %and3A_92 = arith.andi %get3A_86, %and3A_91 : vector<16xi32>
      %broadcast_in_dim3A_93 = arith.constant true
      %broadcast_in_dim3A_94 = vector.broadcast %broadcast_in_dim3A_93 : i1 to vector<16xi1>
      %unique3A_95, %unique3A_96 = tpu.scan_count mask(%broadcast_in_dim3A_94 : vector<16xi1>) value(%get3A_86 : vector<16xi32>) : vector<16xi1>, vector<16xi32>
      %gather3A_97 = tpu.vector_load_idx %arg7[%shift_right_logical3A_89, %and3A_92] : memref<80x128xf32, #tpu.memory_space<vmem>>[vector<16xi32>, vector<16xi32>], vector<16xf32>,
      %convert_element_type3A_98 = arith.sitofp %unique3A_96 : vector<16xi32> to vector<16xf32>
      %add3A_99 = arith.addf %gather3A_97, %convert_element_type3A_98 : vector<16xf32>
      tpu.vector_store_idx %arg7[%shift_right_logical3A_89, %and3A_92], %add3A_99 masked %unique3A_95 : memref<80x128xf32, #tpu.memory_space<vmem>>[vector<16xi32>, vector<16xi32>], vector<16xf32>, vector<16xi1>
      %get3A_100 = arith.index_cast %scan3A_24 : i32 to index
      %get3A_101 = arith.constant 80 : index
      %get3A_102 = tpu.vector_load %arg6[%get3A_100, %get3A_101] {strides = array<i32>} : memref<80x128xi32, #tpu.memory_space<vmem>>, vector<16xi32>,
      %shift_right_logical3A_103 = arith.constant 7 : i32
      %shift_right_logical3A_104 = vector.broadcast %shift_right_logical3A_103 : i32 to vector<16xi32>
      %shift_right_logical3A_105 = arith.shrui %get3A_102, %shift_right_logical3A_104 : vector<16xi32>
      %and3A_106 = arith.constant 127 : i32
      %and3A_107 = vector.broadcast %and3A_106 : i32 to vector<16xi32>
      %and3A_108 = arith.andi %get3A_102, %and3A_107 : vector<16xi32>
      %broadcast_in_dim3A_109 = arith.constant true
      %broadcast_in_dim3A_110 = vector.broadcast %broadcast_in_dim3A_109 : i1 to vector<16xi1>
      %unique3A_111, %unique3A_112 = tpu.scan_count mask(%broadcast_in_dim3A_110 : vector<16xi1>) value(%get3A_102 : vector<16xi32>) : vector<16xi1>, vector<16xi32>
      %gather3A_113 = tpu.vector_load_idx %arg7[%shift_right_logical3A_105, %and3A_108] : memref<80x128xf32, #tpu.memory_space<vmem>>[vector<16xi32>, vector<16xi32>], vector<16xf32>,
      %convert_element_type3A_114 = arith.sitofp %unique3A_112 : vector<16xi32> to vector<16xf32>
      %add3A_115 = arith.addf %gather3A_113, %convert_element_type3A_114 : vector<16xf32>
      tpu.vector_store_idx %arg7[%shift_right_logical3A_105, %and3A_108], %add3A_115 masked %unique3A_111 : memref<80x128xf32, #tpu.memory_space<vmem>>[vector<16xi32>, vector<16xi32>], vector<16xf32>, vector<16xi1>
      %get3A_116 = arith.index_cast %scan3A_24 : i32 to index
      %get3A_117 = arith.constant 96 : index
      %get3A_118 = tpu.vector_load %arg6[%get3A_116, %get3A_117] {strides = array<i32>} : memref<80x128xi32, #tpu.memory_space<vmem>>, vector<16xi32>,
      %shift_right_logical3A_119 = arith.constant 7 : i32
      %shift_right_logical3A_120 = vector.broadcast %shift_right_logical3A_119 : i32 to vector<16xi32>
      %shift_right_logical3A_121 = arith.shrui %get3A_118, %shift_right_logical3A_120 : vector<16xi32>
      %and3A_122 = arith.constant 127 : i32
      %and3A_123 = vector.broadcast %and3A_122 : i32 to vector<16xi32>
      %and3A_124 = arith.andi %get3A_118, %and3A_123 : vector<16xi32>
      %broadcast_in_dim3A_125 = arith.constant true
      %broadcast_in_dim3A_126 = vector.broadcast %broadcast_in_dim3A_125 : i1 to vector<16xi1>
      %unique3A_127, %unique3A_128 = tpu.scan_count mask(%broadcast_in_dim3A_126 : vector<16xi1>) value(%get3A_118 : vector<16xi32>) : vector<16xi1>, vector<16xi32>
      %gather3A_129 = tpu.vector_load_idx %arg7[%shift_right_logical3A_121, %and3A_124] : memref<80x128xf32, #tpu.memory_space<vmem>>[vector<16xi32>, vector<16xi32>], vector<16xf32>,
      %convert_element_type3A_130 = arith.sitofp %unique3A_128 : vector<16xi32> to vector<16xf32>
      %add3A_131 = arith.addf %gather3A_129, %convert_element_type3A_130 : vector<16xf32>
      tpu.vector_store_idx %arg7[%shift_right_logical3A_121, %and3A_124], %add3A_131 masked %unique3A_127 : memref<80x128xf32, #tpu.memory_space<vmem>>[vector<16xi32>, vector<16xi32>], vector<16xf32>, vector<16xi1>
      %get3A_132 = arith.index_cast %scan3A_24 : i32 to index
      %get3A_133 = arith.constant 112 : index
      %get3A_134 = tpu.vector_load %arg6[%get3A_132, %get3A_133] {strides = array<i32>} : memref<80x128xi32, #tpu.memory_space<vmem>>, vector<16xi32>,
      %shift_right_logical3A_135 = arith.constant 7 : i32
      %shift_right_logical3A_136 = vector.broadcast %shift_right_logical3A_135 : i32 to vector<16xi32>
      %shift_right_logical3A_137 = arith.shrui %get3A_134, %shift_right_logical3A_136 : vector<16xi32>
      %and3A_138 = arith.constant 127 : i32
      %and3A_139 = vector.broadcast %and3A_138 : i32 to vector<16xi32>
      %and3A_140 = arith.andi %get3A_134, %and3A_139 : vector<16xi32>
      %broadcast_in_dim3A_141 = arith.constant true
      %broadcast_in_dim3A_142 = vector.broadcast %broadcast_in_dim3A_141 : i1 to vector<16xi1>
      %unique3A_143, %unique3A_144 = tpu.scan_count mask(%broadcast_in_dim3A_142 : vector<16xi1>) value(%get3A_134 : vector<16xi32>) : vector<16xi1>, vector<16xi32>
      %gather3A_145 = tpu.vector_load_idx %arg7[%shift_right_logical3A_137, %and3A_140] : memref<80x128xf32, #tpu.memory_space<vmem>>[vector<16xi32>, vector<16xi32>], vector<16xf32>,
      %convert_element_type3A_146 = arith.sitofp %unique3A_144 : vector<16xi32> to vector<16xf32>
      %add3A_147 = arith.addf %gather3A_145, %convert_element_type3A_146 : vector<16xf32>
      tpu.vector_store_idx %arg7[%shift_right_logical3A_137, %and3A_140], %add3A_147 masked %unique3A_143 : memref<80x128xf32, #tpu.memory_space<vmem>>[vector<16xi32>, vector<16xi32>], vector<16xf32>, vector<16xi1>
      %scan3A_148 = arith.constant 0 : i32
      scf.yield %scan3A_148 : i32
    }
    %scan3A_17 = arith.constant 80 : i32
    "tpu.region"() ({
      %run_scoped3A_24 = tpu.sem_alloc : memref<!tpu.dma_semaphore, #tpu.memory_space<semaphore_mem>>
      %dma_start3A = arith.constant 0 : i32
      %dma_start3A_25 = arith.constant 0 : i32
      %dma_start3A_26 = tpu.memref_slice %arg9[%dma_start3A, %dma_start3A_25] : memref<80x128xf32, #tpu.memory_space<vmem_shared>> -> memref<80x128xf32, #tpu.memory_space<vmem_shared>>
      tpu.enqueue_indirect_dma source(%arg7 : memref<80x128xf32, #tpu.memory_space<vmem>>) target(%dma_start3A_26 : memref<80x128xf32, #tpu.memory_space<vmem_shared>>) offsets(%arg8 : memref<80xi32, #tpu.memory_space<vmem>>) semaphore(%run_scoped3A_24 : memref<!tpu.dma_semaphore, #tpu.memory_space<semaphore_mem>>) {add = true}
      %dma_wait3A = arith.constant 0 : i32
      %dma_wait3A_27 = arith.constant 0 : i32
      %dma_wait3A_28 = tpu.memref_slice %arg9[%dma_wait3A, %dma_wait3A_27] : memref<80x128xf32, #tpu.memory_space<vmem_shared>> -> memref<80x128xf32, #tpu.memory_space<vmem_shared>>
      tpu.wait_indirect_dma semaphore(%run_scoped3A_24 : memref<!tpu.dma_semaphore, #tpu.memory_space<semaphore_mem>>) src(%arg7 : memref<80x128xf32, #tpu.memory_space<vmem>>) dst(%dma_wait3A_28 : memref<80x128xf32, #tpu.memory_space<vmem_shared>>)
      tpu.yield
    }) : () -> ()
    %barrier3A_18 = arith.constant 0 : index
    tpu.barrier barrier_id(%barrier3A_18)
    %lt3A_19 = arith.constant 10 : i32
    %lt3A_20 = arith.cmpi slt, %arg1, %lt3A_19 : i32
    %convert_element_type3A_21 = arith.extui %lt3A_20 : i1 to i32
    %cond3A_22 = arith.constant 0 : i32
    %cond3A_23 = arith.cmpi ne, %convert_element_type3A_21, %cond3A_22 : i32
    scf.if %cond3A_23 {
      %mul3A_24 = arith.constant 8 : i32
      %mul3A_25 = arith.muli %arg1, %mul3A_24 : i32
      %mul3A_26 = arith.constant 8 : i32
      %mul3A_27 = arith.muli %arg1, %mul3A_26 : i32
      "tpu.region"() ({
        %run_scoped3A_28 = tpu.sem_alloc : memref<!tpu.dma_semaphore, #tpu.memory_space<semaphore_mem>>
        %dma_start3A = arith.constant 0 : i32
        %dma_start3A_29 = tpu.memref_slice %arg5[%arg0, %mul3A_27, %dma_start3A] : memref<2x80x128xf32, #tpu.memory_space<hbm>> -> memref<1x8x128xf32, #tpu.memory_space<hbm>>
        %dma_start3A_30 = tpu.memref_squeeze %dma_start3A_29 : memref<1x8x128xf32, #tpu.memory_space<hbm>> -> memref<8x128xf32, #tpu.memory_space<hbm>>
        %dma_start3A_31 = arith.constant 0 : i32
        %dma_start3A_32 = tpu.memref_slice %arg9[%mul3A_25, %dma_start3A_31] : memref<80x128xf32, #tpu.memory_space<vmem_shared>> -> memref<8x128xf32, #tpu.memory_space<vmem_shared>>
        tpu.enqueue_dma source(%dma_start3A_32 : memref<8x128xf32, #tpu.memory_space<vmem_shared>>) target(%dma_start3A_30 : memref<8x128xf32, #tpu.memory_space<hbm>>) target_semaphore(%run_scoped3A_28 : memref<!tpu.dma_semaphore, #tpu.memory_space<semaphore_mem>>)
        %dma_wait3A = arith.constant 0 : i32
        %dma_wait3A_33 = tpu.memref_slice %arg5[%arg0, %mul3A_27, %dma_wait3A] : memref<2x80x128xf32, #tpu.memory_space<hbm>> -> memref<1x8x128xf32, #tpu.memory_space<hbm>>
        %dma_wait3A_34 = tpu.memref_squeeze %dma_wait3A_33 : memref<1x8x128xf32, #tpu.memory_space<hbm>> -> memref<8x128xf32, #tpu.memory_space<hbm>>
        %dma_wait3A_35 = arith.constant 0 : i32
        %dma_wait3A_36 = tpu.memref_slice %arg9[%mul3A_25, %dma_wait3A_35] : memref<80x128xf32, #tpu.memory_space<vmem_shared>> -> memref<8x128xf32, #tpu.memory_space<vmem_shared>>
        tpu.wait_dma2 semaphore(%run_scoped3A_28 : memref<!tpu.dma_semaphore, #tpu.memory_space<semaphore_mem>>) src(%dma_wait3A_36 : memref<8x128xf32, #tpu.memory_space<vmem_shared>>) dst(%dma_wait3A_34 : memref<8x128xf32, #tpu.memory_space<hbm>>)
        tpu.yield
      }) : () -> ()
    } else {
    }
    return
  }
}

#map = affine_map<(d0, d1) -> (0, 0)>
#map1 = affine_map<(d0, d1) -> (0, 0, 0)>
module attributes {stable_mosaic.version = 14 : i64} {
  func.func @_agg_pass(%arg0: i32, %arg1: i32, %arg2: memref<10240x128xf32, #tpu.memory_space<hbm>>, %arg3: memref<2x2560x128xi32, #tpu.memory_space<hbm>>, %arg4: memref<640x128xf32, #tpu.memory_space<hbm>>, %arg5: memref<2x10240x128xf32, #tpu.memory_space<hbm>>, %arg6: memref<40x128xi32, #tpu.memory_space<vmem>>, %arg7: memref<40x128xi32, #tpu.memory_space<vmem>>, %arg8: memref<128x128xf32, #tpu.memory_space<vmem>>, %arg9: memref<128x128xf32, #tpu.memory_space<vmem>>, %arg10: memref<10240x128xf32, #tpu.memory_space<vmem_shared>>, %arg11: memref<!tpu.dma_semaphore, #tpu.memory_space<semaphore_mem>>, %arg12: memref<!tpu.dma_semaphore, #tpu.memory_space<semaphore_mem>>) attributes {dimension_semantics = [#tpu.dimension_semantics<core_parallel>, #tpu.dimension_semantics<subcore_parallel>], iteration_bounds = array<i64: 2, 16>, scalar_prefetch = 0 : i64, scratch_operands = 7 : i64, tpu.core_type = #tpu.core_type<sc_vector_subcore>, window_params = [{transform_indices = #map}, {transform_indices = #map1}, {transform_indices = #map}, {transform_indices = #map1}]} {
    %mul3A = arith.constant 16 : i32
    %mul3A_0 = arith.muli %arg0, %mul3A : i32
    %add3A = arith.addi %mul3A_0, %arg1 : i32
    %mul3A_1 = arith.constant 640 : i32
    %mul3A_2 = arith.muli %arg1, %mul3A_1 : i32
    "tpu.region"() ({
      %run_scoped3A_45 = tpu.sem_alloc : memref<!tpu.dma_semaphore, #tpu.memory_space<semaphore_mem>>
      %dma_start3A_46 = arith.constant 0 : i32
      %dma_start3A_47 = tpu.memref_slice %arg10[%mul3A_2, %dma_start3A_46] : memref<10240x128xf32, #tpu.memory_space<vmem_shared>> -> memref<640x128xf32, #tpu.memory_space<vmem_shared>>
      tpu.enqueue_dma source(%arg4 : memref<640x128xf32, #tpu.memory_space<hbm>>) target(%dma_start3A_47 : memref<640x128xf32, #tpu.memory_space<vmem_shared>>) target_semaphore(%run_scoped3A_45 : memref<!tpu.dma_semaphore, #tpu.memory_space<semaphore_mem>>)
      %dma_wait3A = arith.constant 0 : i32
      %dma_wait3A_48 = tpu.memref_slice %arg10[%mul3A_2, %dma_wait3A] : memref<10240x128xf32, #tpu.memory_space<vmem_shared>> -> memref<640x128xf32, #tpu.memory_space<vmem_shared>>
      tpu.wait_dma2 semaphore(%run_scoped3A_45 : memref<!tpu.dma_semaphore, #tpu.memory_space<semaphore_mem>>) src(%arg4 : memref<640x128xf32, #tpu.memory_space<hbm>>) dst(%dma_wait3A_48 : memref<640x128xf32, #tpu.memory_space<vmem_shared>>)
      tpu.yield
    }) : () -> ()
    %barrier3A = arith.constant 0 : index
    tpu.barrier barrier_id(%barrier3A)
    %mul3A_3 = arith.constant 80 : i32
    %mul3A_4 = arith.muli %add3A, %mul3A_3 : i32
    %add3A_5 = arith.constant 0 : i32
    %add3A_6 = arith.addi %mul3A_4, %add3A_5 : i32
    %run_scoped3A = arith.constant 0 : i32
    "tpu.region"() ({
      %run_scoped3A_45 = tpu.sem_alloc : memref<!tpu.dma_semaphore, #tpu.memory_space<semaphore_mem>>
      %dma_start3A_46 = arith.constant 0 : i32
      %dma_start3A_47 = tpu.memref_slice %arg3[%run_scoped3A, %add3A_6, %dma_start3A_46] : memref<2x2560x128xi32, #tpu.memory_space<hbm>> -> memref<1x40x128xi32, #tpu.memory_space<hbm>>
      %dma_start3A_48 = tpu.memref_squeeze %dma_start3A_47 : memref<1x40x128xi32, #tpu.memory_space<hbm>> -> memref<40x128xi32, #tpu.memory_space<hbm>>
      %dma_start3A_49 = arith.constant 0 : i32
      %dma_start3A_50 = tpu.memref_slice %arg3[%run_scoped3A, %add3A_6, %dma_start3A_49] : memref<2x2560x128xi32, #tpu.memory_space<hbm>> -> memref<1x40x128xi32, #tpu.memory_space<hbm>>
      %dma_start3A_51 = tpu.memref_squeeze %dma_start3A_50 : memref<1x40x128xi32, #tpu.memory_space<hbm>> -> memref<40x128xi32, #tpu.memory_space<hbm>>
      tpu.enqueue_dma source(%dma_start3A_51 : memref<40x128xi32, #tpu.memory_space<hbm>>) target(%arg6 : memref<40x128xi32, #tpu.memory_space<vmem>>) target_semaphore(%run_scoped3A_45 : memref<!tpu.dma_semaphore, #tpu.memory_space<semaphore_mem>>)
      %dma_wait3A = arith.constant 0 : i32
      %dma_wait3A_52 = tpu.memref_slice %arg3[%run_scoped3A, %add3A_6, %dma_wait3A] : memref<2x2560x128xi32, #tpu.memory_space<hbm>> -> memref<1x40x128xi32, #tpu.memory_space<hbm>>
      %dma_wait3A_53 = tpu.memref_squeeze %dma_wait3A_52 : memref<1x40x128xi32, #tpu.memory_space<hbm>> -> memref<40x128xi32, #tpu.memory_space<hbm>>
      %dma_wait3A_54 = arith.constant 0 : i32
      %dma_wait3A_55 = tpu.memref_slice %arg3[%run_scoped3A, %add3A_6, %dma_wait3A_54] : memref<2x2560x128xi32, #tpu.memory_space<hbm>> -> memref<1x40x128xi32, #tpu.memory_space<hbm>>
      %dma_wait3A_56 = tpu.memref_squeeze %dma_wait3A_55 : memref<1x40x128xi32, #tpu.memory_space<hbm>> -> memref<40x128xi32, #tpu.memory_space<hbm>>
      tpu.wait_dma2 semaphore(%run_scoped3A_45 : memref<!tpu.dma_semaphore, #tpu.memory_space<semaphore_mem>>) src(%dma_wait3A_56 : memref<40x128xi32, #tpu.memory_space<hbm>>) dst(%arg6 : memref<40x128xi32, #tpu.memory_space<vmem>>)
      tpu.yield
    }) : () -> ()
    %run_scoped3A_7 = arith.constant 1 : i32
    "tpu.region"() ({
      %run_scoped3A_45 = tpu.sem_alloc : memref<!tpu.dma_semaphore, #tpu.memory_space<semaphore_mem>>
      %dma_start3A_46 = arith.constant 0 : i32
      %dma_start3A_47 = tpu.memref_slice %arg3[%run_scoped3A_7, %add3A_6, %dma_start3A_46] : memref<2x2560x128xi32, #tpu.memory_space<hbm>> -> memref<1x40x128xi32, #tpu.memory_space<hbm>>
      %dma_start3A_48 = tpu.memref_squeeze %dma_start3A_47 : memref<1x40x128xi32, #tpu.memory_space<hbm>> -> memref<40x128xi32, #tpu.memory_space<hbm>>
      %dma_start3A_49 = arith.constant 0 : i32
      %dma_start3A_50 = tpu.memref_slice %arg3[%run_scoped3A_7, %add3A_6, %dma_start3A_49] : memref<2x2560x128xi32, #tpu.memory_space<hbm>> -> memref<1x40x128xi32, #tpu.memory_space<hbm>>
      %dma_start3A_51 = tpu.memref_squeeze %dma_start3A_50 : memref<1x40x128xi32, #tpu.memory_space<hbm>> -> memref<40x128xi32, #tpu.memory_space<hbm>>
      tpu.enqueue_dma source(%dma_start3A_51 : memref<40x128xi32, #tpu.memory_space<hbm>>) target(%arg7 : memref<40x128xi32, #tpu.memory_space<vmem>>) target_semaphore(%run_scoped3A_45 : memref<!tpu.dma_semaphore, #tpu.memory_space<semaphore_mem>>)
      %dma_wait3A = arith.constant 0 : i32
      %dma_wait3A_52 = tpu.memref_slice %arg3[%run_scoped3A_7, %add3A_6, %dma_wait3A] : memref<2x2560x128xi32, #tpu.memory_space<hbm>> -> memref<1x40x128xi32, #tpu.memory_space<hbm>>
      %dma_wait3A_53 = tpu.memref_squeeze %dma_wait3A_52 : memref<1x40x128xi32, #tpu.memory_space<hbm>> -> memref<40x128xi32, #tpu.memory_space<hbm>>
      %dma_wait3A_54 = arith.constant 0 : i32
      %dma_wait3A_55 = tpu.memref_slice %arg3[%run_scoped3A_7, %add3A_6, %dma_wait3A_54] : memref<2x2560x128xi32, #tpu.memory_space<hbm>> -> memref<1x40x128xi32, #tpu.memory_space<hbm>>
      %dma_wait3A_56 = tpu.memref_squeeze %dma_wait3A_55 : memref<1x40x128xi32, #tpu.memory_space<hbm>> -> memref<40x128xi32, #tpu.memory_space<hbm>>
      tpu.wait_dma2 semaphore(%run_scoped3A_45 : memref<!tpu.dma_semaphore, #tpu.memory_space<semaphore_mem>>) src(%dma_wait3A_56 : memref<40x128xi32, #tpu.memory_space<hbm>>) dst(%arg7 : memref<40x128xi32, #tpu.memory_space<vmem>>)
      tpu.yield
    }) : () -> ()
    %dma_start3A = arith.constant 0 : i32
    %dma_start3A_8 = arith.constant 0 : i32
    %dma_start3A_9 = tpu.memref_slice %arg6[%dma_start3A, %dma_start3A_8] : memref<40x128xi32, #tpu.memory_space<vmem>> -> memref<1x128xi32, #tpu.memory_space<vmem>>
    %dma_start3A_10 = tpu.memref_squeeze %dma_start3A_9 : memref<1x128xi32, #tpu.memory_space<vmem>> -> memref<128xi32, #tpu.memory_space<vmem>>
    %dma_start3A_11 = arith.constant 0 : i32
    %dma_start3A_12 = arith.constant 0 : i32
    %dma_start3A_13 = tpu.memref_slice %arg2[%dma_start3A_11, %dma_start3A_12] : memref<10240x128xf32, #tpu.memory_space<hbm>> -> memref<10240x128xf32, #tpu.memory_space<hbm>>
    tpu.enqueue_indirect_dma source(%dma_start3A_13 : memref<10240x128xf32, #tpu.memory_space<hbm>>) target(%arg8 : memref<128x128xf32, #tpu.memory_space<vmem>>) offsets(%dma_start3A_10 : memref<128xi32, #tpu.memory_space<vmem>>) semaphore(%arg11 : memref<!tpu.dma_semaphore, #tpu.memory_space<semaphore_mem>>)
    %scan3A = arith.constant 0 : i32
    %scan3A_14 = arith.constant 0 : i32
    %scan3A_15 = arith.constant 20 : i32
    %scan3A_16 = arith.addi %scan3A_14, %scan3A_15 : i32
    %scan3A_17 = arith.constant 1 : i32
    %scan3A_18 = scf.for %scan3A_45 = %scan3A_14 to %scan3A_16 step %scan3A_17 iter_args(%scan3A_46 = %scan3A) -> (i32)  : i32 {
      %mul3A_47 = arith.constant 2 : i32
      %mul3A_48 = arith.muli %mul3A_47, %scan3A_45 : i32
      %dma_wait3A = arith.constant 0 : i32
      %dma_wait3A_49 = arith.constant 0 : i32
      %dma_wait3A_50 = tpu.memref_slice %arg2[%dma_wait3A, %dma_wait3A_49] : memref<10240x128xf32, #tpu.memory_space<hbm>> -> memref<128x128xf32, #tpu.memory_space<hbm>>
      %dma_wait3A_51 = arith.constant 0 : i32
      %dma_wait3A_52 = arith.constant 0 : i32
      %dma_wait3A_53 = tpu.memref_slice %arg2[%dma_wait3A_51, %dma_wait3A_52] : memref<10240x128xf32, #tpu.memory_space<hbm>> -> memref<128x128xf32, #tpu.memory_space<hbm>>
      tpu.wait_dma2 semaphore(%arg11 : memref<!tpu.dma_semaphore, #tpu.memory_space<semaphore_mem>>) src(%dma_wait3A_53 : memref<128x128xf32, #tpu.memory_space<hbm>>) dst(%arg8 : memref<128x128xf32, #tpu.memory_space<vmem>>)
      %add3A_54 = arith.constant 1 : i32
      %add3A_55 = arith.addi %mul3A_48, %add3A_54 : i32
      %dma_start3A_56 = arith.constant 0 : i32
      %dma_start3A_57 = tpu.memref_slice %arg6[%add3A_55, %dma_start3A_56] : memref<40x128xi32, #tpu.memory_space<vmem>> -> memref<1x128xi32, #tpu.memory_space<vmem>>
      %dma_start3A_58 = tpu.memref_squeeze %dma_start3A_57 : memref<1x128xi32, #tpu.memory_space<vmem>> -> memref<128xi32, #tpu.memory_space<vmem>>
      %dma_start3A_59 = arith.constant 0 : i32
      %dma_start3A_60 = arith.constant 0 : i32
      %dma_start3A_61 = tpu.memref_slice %arg2[%dma_start3A_59, %dma_start3A_60] : memref<10240x128xf32, #tpu.memory_space<hbm>> -> memref<10240x128xf32, #tpu.memory_space<hbm>>
      tpu.enqueue_indirect_dma source(%dma_start3A_61 : memref<10240x128xf32, #tpu.memory_space<hbm>>) target(%arg9 : memref<128x128xf32, #tpu.memory_space<vmem>>) offsets(%dma_start3A_58 : memref<128xi32, #tpu.memory_space<vmem>>) semaphore(%arg12 : memref<!tpu.dma_semaphore, #tpu.memory_space<semaphore_mem>>)
      "tpu.region"() ({
        %run_scoped3A_73 = tpu.sem_alloc : memref<!tpu.dma_semaphore, #tpu.memory_space<semaphore_mem>>
        %dma_start3A_74 = arith.constant 0 : i32
        %dma_start3A_75 = tpu.memref_slice %arg7[%mul3A_48, %dma_start3A_74] : memref<40x128xi32, #tpu.memory_space<vmem>> -> memref<1x128xi32, #tpu.memory_space<vmem>>
        %dma_start3A_76 = tpu.memref_squeeze %dma_start3A_75 : memref<1x128xi32, #tpu.memory_space<vmem>> -> memref<128xi32, #tpu.memory_space<vmem>>
        %dma_start3A_77 = arith.constant 0 : i32
        %dma_start3A_78 = arith.constant 0 : i32
        %dma_start3A_79 = tpu.memref_slice %arg10[%dma_start3A_77, %dma_start3A_78] : memref<10240x128xf32, #tpu.memory_space<vmem_shared>> -> memref<10240x128xf32, #tpu.memory_space<vmem_shared>>
        tpu.enqueue_indirect_dma source(%arg8 : memref<128x128xf32, #tpu.memory_space<vmem>>) target(%dma_start3A_79 : memref<10240x128xf32, #tpu.memory_space<vmem_shared>>) offsets(%dma_start3A_76 : memref<128xi32, #tpu.memory_space<vmem>>) semaphore(%run_scoped3A_73 : memref<!tpu.dma_semaphore, #tpu.memory_space<semaphore_mem>>) {add = true}
        %dma_wait3A_80 = arith.constant 0 : i32
        %dma_wait3A_81 = tpu.memref_slice %arg7[%mul3A_48, %dma_wait3A_80] : memref<40x128xi32, #tpu.memory_space<vmem>> -> memref<1x128xi32, #tpu.memory_space<vmem>>
        %dma_wait3A_82 = tpu.memref_squeeze %dma_wait3A_81 : memref<1x128xi32, #tpu.memory_space<vmem>> -> memref<128xi32, #tpu.memory_space<vmem>>
        %dma_wait3A_83 = arith.constant 0 : i32
        %dma_wait3A_84 = arith.constant 0 : i32
        %dma_wait3A_85 = tpu.memref_slice %arg10[%dma_wait3A_83, %dma_wait3A_84] : memref<10240x128xf32, #tpu.memory_space<vmem_shared>> -> memref<10240x128xf32, #tpu.memory_space<vmem_shared>>
        tpu.wait_indirect_dma semaphore(%run_scoped3A_73 : memref<!tpu.dma_semaphore, #tpu.memory_space<semaphore_mem>>) src(%arg8 : memref<128x128xf32, #tpu.memory_space<vmem>>) dst(%dma_wait3A_85 : memref<10240x128xf32, #tpu.memory_space<vmem_shared>>)
        tpu.yield
      }) : () -> ()
      %dma_wait3A_62 = arith.constant 0 : i32
      %dma_wait3A_63 = arith.constant 0 : i32
      %dma_wait3A_64 = tpu.memref_slice %arg2[%dma_wait3A_62, %dma_wait3A_63] : memref<10240x128xf32, #tpu.memory_space<hbm>> -> memref<128x128xf32, #tpu.memory_space<hbm>>
      %dma_wait3A_65 = arith.constant 0 : i32
      %dma_wait3A_66 = arith.constant 0 : i32
      %dma_wait3A_67 = tpu.memref_slice %arg2[%dma_wait3A_65, %dma_wait3A_66] : memref<10240x128xf32, #tpu.memory_space<hbm>> -> memref<128x128xf32, #tpu.memory_space<hbm>>
      tpu.wait_dma2 semaphore(%arg12 : memref<!tpu.dma_semaphore, #tpu.memory_space<semaphore_mem>>) src(%dma_wait3A_67 : memref<128x128xf32, #tpu.memory_space<hbm>>) dst(%arg9 : memref<128x128xf32, #tpu.memory_space<vmem>>)
      %lt3A = arith.constant 19 : i32
      %lt3A_68 = arith.cmpi slt, %scan3A_45, %lt3A : i32
      %convert_element_type3A = arith.extui %lt3A_68 : i1 to i32
      %cond3A = arith.constant 0 : i32
      %cond3A_69 = arith.cmpi ne, %convert_element_type3A, %cond3A : i32
      scf.if %cond3A_69 {
        %add3A_73 = arith.constant 2 : i32
        %add3A_74 = arith.addi %mul3A_48, %add3A_73 : i32
        %dma_start3A_75 = arith.constant 0 : i32
        %dma_start3A_76 = tpu.memref_slice %arg6[%add3A_74, %dma_start3A_75] : memref<40x128xi32, #tpu.memory_space<vmem>> -> memref<1x128xi32, #tpu.memory_space<vmem>>
        %dma_start3A_77 = tpu.memref_squeeze %dma_start3A_76 : memref<1x128xi32, #tpu.memory_space<vmem>> -> memref<128xi32, #tpu.memory_space<vmem>>
        %dma_start3A_78 = arith.constant 0 : i32
        %dma_start3A_79 = arith.constant 0 : i32
        %dma_start3A_80 = tpu.memref_slice %arg2[%dma_start3A_78, %dma_start3A_79] : memref<10240x128xf32, #tpu.memory_space<hbm>> -> memref<10240x128xf32, #tpu.memory_space<hbm>>
        tpu.enqueue_indirect_dma source(%dma_start3A_80 : memref<10240x128xf32, #tpu.memory_space<hbm>>) target(%arg8 : memref<128x128xf32, #tpu.memory_space<vmem>>) offsets(%dma_start3A_77 : memref<128xi32, #tpu.memory_space<vmem>>) semaphore(%arg11 : memref<!tpu.dma_semaphore, #tpu.memory_space<semaphore_mem>>)
      } else {
      }
      %add3A_70 = arith.constant 1 : i32
      %add3A_71 = arith.addi %mul3A_48, %add3A_70 : i32
      "tpu.region"() ({
        %run_scoped3A_73 = tpu.sem_alloc : memref<!tpu.dma_semaphore, #tpu.memory_space<semaphore_mem>>
        %dma_start3A_74 = arith.constant 0 : i32
        %dma_start3A_75 = tpu.memref_slice %arg7[%add3A_71, %dma_start3A_74] : memref<40x128xi32, #tpu.memory_space<vmem>> -> memref<1x128xi32, #tpu.memory_space<vmem>>
        %dma_start3A_76 = tpu.memref_squeeze %dma_start3A_75 : memref<1x128xi32, #tpu.memory_space<vmem>> -> memref<128xi32, #tpu.memory_space<vmem>>
        %dma_start3A_77 = arith.constant 0 : i32
        %dma_start3A_78 = arith.constant 0 : i32
        %dma_start3A_79 = tpu.memref_slice %arg10[%dma_start3A_77, %dma_start3A_78] : memref<10240x128xf32, #tpu.memory_space<vmem_shared>> -> memref<10240x128xf32, #tpu.memory_space<vmem_shared>>
        tpu.enqueue_indirect_dma source(%arg9 : memref<128x128xf32, #tpu.memory_space<vmem>>) target(%dma_start3A_79 : memref<10240x128xf32, #tpu.memory_space<vmem_shared>>) offsets(%dma_start3A_76 : memref<128xi32, #tpu.memory_space<vmem>>) semaphore(%run_scoped3A_73 : memref<!tpu.dma_semaphore, #tpu.memory_space<semaphore_mem>>) {add = true}
        %dma_wait3A_80 = arith.constant 0 : i32
        %dma_wait3A_81 = tpu.memref_slice %arg7[%add3A_71, %dma_wait3A_80] : memref<40x128xi32, #tpu.memory_space<vmem>> -> memref<1x128xi32, #tpu.memory_space<vmem>>
        %dma_wait3A_82 = tpu.memref_squeeze %dma_wait3A_81 : memref<1x128xi32, #tpu.memory_space<vmem>> -> memref<128xi32, #tpu.memory_space<vmem>>
        %dma_wait3A_83 = arith.constant 0 : i32
        %dma_wait3A_84 = arith.constant 0 : i32
        %dma_wait3A_85 = tpu.memref_slice %arg10[%dma_wait3A_83, %dma_wait3A_84] : memref<10240x128xf32, #tpu.memory_space<vmem_shared>> -> memref<10240x128xf32, #tpu.memory_space<vmem_shared>>
        tpu.wait_indirect_dma semaphore(%run_scoped3A_73 : memref<!tpu.dma_semaphore, #tpu.memory_space<semaphore_mem>>) src(%arg9 : memref<128x128xf32, #tpu.memory_space<vmem>>) dst(%dma_wait3A_85 : memref<10240x128xf32, #tpu.memory_space<vmem_shared>>)
        tpu.yield
      }) : () -> ()
      %scan3A_72 = arith.constant 0 : i32
      scf.yield %scan3A_72 : i32
    }
    %scan3A_19 = arith.constant 20 : i32
    %mul3A_20 = arith.constant 80 : i32
    %mul3A_21 = arith.muli %add3A, %mul3A_20 : i32
    %add3A_22 = arith.constant 40 : i32
    %add3A_23 = arith.addi %mul3A_21, %add3A_22 : i32
    %run_scoped3A_24 = arith.constant 0 : i32
    "tpu.region"() ({
      %run_scoped3A_45 = tpu.sem_alloc : memref<!tpu.dma_semaphore, #tpu.memory_space<semaphore_mem>>
      %dma_start3A_46 = arith.constant 0 : i32
      %dma_start3A_47 = tpu.memref_slice %arg3[%run_scoped3A_24, %add3A_23, %dma_start3A_46] : memref<2x2560x128xi32, #tpu.memory_space<hbm>> -> memref<1x40x128xi32, #tpu.memory_space<hbm>>
      %dma_start3A_48 = tpu.memref_squeeze %dma_start3A_47 : memref<1x40x128xi32, #tpu.memory_space<hbm>> -> memref<40x128xi32, #tpu.memory_space<hbm>>
      %dma_start3A_49 = arith.constant 0 : i32
      %dma_start3A_50 = tpu.memref_slice %arg3[%run_scoped3A_24, %add3A_23, %dma_start3A_49] : memref<2x2560x128xi32, #tpu.memory_space<hbm>> -> memref<1x40x128xi32, #tpu.memory_space<hbm>>
      %dma_start3A_51 = tpu.memref_squeeze %dma_start3A_50 : memref<1x40x128xi32, #tpu.memory_space<hbm>> -> memref<40x128xi32, #tpu.memory_space<hbm>>
      tpu.enqueue_dma source(%dma_start3A_51 : memref<40x128xi32, #tpu.memory_space<hbm>>) target(%arg6 : memref<40x128xi32, #tpu.memory_space<vmem>>) target_semaphore(%run_scoped3A_45 : memref<!tpu.dma_semaphore, #tpu.memory_space<semaphore_mem>>)
      %dma_wait3A = arith.constant 0 : i32
      %dma_wait3A_52 = tpu.memref_slice %arg3[%run_scoped3A_24, %add3A_23, %dma_wait3A] : memref<2x2560x128xi32, #tpu.memory_space<hbm>> -> memref<1x40x128xi32, #tpu.memory_space<hbm>>
      %dma_wait3A_53 = tpu.memref_squeeze %dma_wait3A_52 : memref<1x40x128xi32, #tpu.memory_space<hbm>> -> memref<40x128xi32, #tpu.memory_space<hbm>>
      %dma_wait3A_54 = arith.constant 0 : i32
      %dma_wait3A_55 = tpu.memref_slice %arg3[%run_scoped3A_24, %add3A_23, %dma_wait3A_54] : memref<2x2560x128xi32, #tpu.memory_space<hbm>> -> memref<1x40x128xi32, #tpu.memory_space<hbm>>
      %dma_wait3A_56 = tpu.memref_squeeze %dma_wait3A_55 : memref<1x40x128xi32, #tpu.memory_space<hbm>> -> memref<40x128xi32, #tpu.memory_space<hbm>>
      tpu.wait_dma2 semaphore(%run_scoped3A_45 : memref<!tpu.dma_semaphore, #tpu.memory_space<semaphore_mem>>) src(%dma_wait3A_56 : memref<40x128xi32, #tpu.memory_space<hbm>>) dst(%arg6 : memref<40x128xi32, #tpu.memory_space<vmem>>)
      tpu.yield
    }) : () -> ()
    %run_scoped3A_25 = arith.constant 1 : i32
    "tpu.region"() ({
      %run_scoped3A_45 = tpu.sem_alloc : memref<!tpu.dma_semaphore, #tpu.memory_space<semaphore_mem>>
      %dma_start3A_46 = arith.constant 0 : i32
      %dma_start3A_47 = tpu.memref_slice %arg3[%run_scoped3A_25, %add3A_23, %dma_start3A_46] : memref<2x2560x128xi32, #tpu.memory_space<hbm>> -> memref<1x40x128xi32, #tpu.memory_space<hbm>>
      %dma_start3A_48 = tpu.memref_squeeze %dma_start3A_47 : memref<1x40x128xi32, #tpu.memory_space<hbm>> -> memref<40x128xi32, #tpu.memory_space<hbm>>
      %dma_start3A_49 = arith.constant 0 : i32
      %dma_start3A_50 = tpu.memref_slice %arg3[%run_scoped3A_25, %add3A_23, %dma_start3A_49] : memref<2x2560x128xi32, #tpu.memory_space<hbm>> -> memref<1x40x128xi32, #tpu.memory_space<hbm>>
      %dma_start3A_51 = tpu.memref_squeeze %dma_start3A_50 : memref<1x40x128xi32, #tpu.memory_space<hbm>> -> memref<40x128xi32, #tpu.memory_space<hbm>>
      tpu.enqueue_dma source(%dma_start3A_51 : memref<40x128xi32, #tpu.memory_space<hbm>>) target(%arg7 : memref<40x128xi32, #tpu.memory_space<vmem>>) target_semaphore(%run_scoped3A_45 : memref<!tpu.dma_semaphore, #tpu.memory_space<semaphore_mem>>)
      %dma_wait3A = arith.constant 0 : i32
      %dma_wait3A_52 = tpu.memref_slice %arg3[%run_scoped3A_25, %add3A_23, %dma_wait3A] : memref<2x2560x128xi32, #tpu.memory_space<hbm>> -> memref<1x40x128xi32, #tpu.memory_space<hbm>>
      %dma_wait3A_53 = tpu.memref_squeeze %dma_wait3A_52 : memref<1x40x128xi32, #tpu.memory_space<hbm>> -> memref<40x128xi32, #tpu.memory_space<hbm>>
      %dma_wait3A_54 = arith.constant 0 : i32
      %dma_wait3A_55 = tpu.memref_slice %arg3[%run_scoped3A_25, %add3A_23, %dma_wait3A_54] : memref<2x2560x128xi32, #tpu.memory_space<hbm>> -> memref<1x40x128xi32, #tpu.memory_space<hbm>>
      %dma_wait3A_56 = tpu.memref_squeeze %dma_wait3A_55 : memref<1x40x128xi32, #tpu.memory_space<hbm>> -> memref<40x128xi32, #tpu.memory_space<hbm>>
      tpu.wait_dma2 semaphore(%run_scoped3A_45 : memref<!tpu.dma_semaphore, #tpu.memory_space<semaphore_mem>>) src(%dma_wait3A_56 : memref<40x128xi32, #tpu.memory_space<hbm>>) dst(%arg7 : memref<40x128xi32, #tpu.memory_space<vmem>>)
      tpu.yield
    }) : () -> ()
    %dma_start3A_26 = arith.constant 0 : i32
    %dma_start3A_27 = arith.constant 0 : i32
    %dma_start3A_28 = tpu.memref_slice %arg6[%dma_start3A_26, %dma_start3A_27] : memref<40x128xi32, #tpu.memory_space<vmem>> -> memref<1x128xi32, #tpu.memory_space<vmem>>
    %dma_start3A_29 = tpu.memref_squeeze %dma_start3A_28 : memref<1x128xi32, #tpu.memory_space<vmem>> -> memref<128xi32, #tpu.memory_space<vmem>>
    %dma_start3A_30 = arith.constant 0 : i32
    %dma_start3A_31 = arith.constant 0 : i32
    %dma_start3A_32 = tpu.memref_slice %arg2[%dma_start3A_30, %dma_start3A_31] : memref<10240x128xf32, #tpu.memory_space<hbm>> -> memref<10240x128xf32, #tpu.memory_space<hbm>>
    tpu.enqueue_indirect_dma source(%dma_start3A_32 : memref<10240x128xf32, #tpu.memory_space<hbm>>) target(%arg8 : memref<128x128xf32, #tpu.memory_space<vmem>>) offsets(%dma_start3A_29 : memref<128xi32, #tpu.memory_space<vmem>>) semaphore(%arg11 : memref<!tpu.dma_semaphore, #tpu.memory_space<semaphore_mem>>)
    %scan3A_33 = arith.constant 0 : i32
    %scan3A_34 = arith.constant 0 : i32
    %scan3A_35 = arith.constant 20 : i32
    %scan3A_36 = arith.addi %scan3A_34, %scan3A_35 : i32
    %scan3A_37 = arith.constant 1 : i32
    %scan3A_38 = scf.for %scan3A_45 = %scan3A_34 to %scan3A_36 step %scan3A_37 iter_args(%scan3A_46 = %scan3A_33) -> (i32)  : i32 {
      %mul3A_47 = arith.constant 2 : i32
      %mul3A_48 = arith.muli %mul3A_47, %scan3A_45 : i32
      %dma_wait3A = arith.constant 0 : i32
      %dma_wait3A_49 = arith.constant 0 : i32
      %dma_wait3A_50 = tpu.memref_slice %arg2[%dma_wait3A, %dma_wait3A_49] : memref<10240x128xf32, #tpu.memory_space<hbm>> -> memref<128x128xf32, #tpu.memory_space<hbm>>
      %dma_wait3A_51 = arith.constant 0 : i32
      %dma_wait3A_52 = arith.constant 0 : i32
      %dma_wait3A_53 = tpu.memref_slice %arg2[%dma_wait3A_51, %dma_wait3A_52] : memref<10240x128xf32, #tpu.memory_space<hbm>> -> memref<128x128xf32, #tpu.memory_space<hbm>>
      tpu.wait_dma2 semaphore(%arg11 : memref<!tpu.dma_semaphore, #tpu.memory_space<semaphore_mem>>) src(%dma_wait3A_53 : memref<128x128xf32, #tpu.memory_space<hbm>>) dst(%arg8 : memref<128x128xf32, #tpu.memory_space<vmem>>)
      %add3A_54 = arith.constant 1 : i32
      %add3A_55 = arith.addi %mul3A_48, %add3A_54 : i32
      %dma_start3A_56 = arith.constant 0 : i32
      %dma_start3A_57 = tpu.memref_slice %arg6[%add3A_55, %dma_start3A_56] : memref<40x128xi32, #tpu.memory_space<vmem>> -> memref<1x128xi32, #tpu.memory_space<vmem>>
      %dma_start3A_58 = tpu.memref_squeeze %dma_start3A_57 : memref<1x128xi32, #tpu.memory_space<vmem>> -> memref<128xi32, #tpu.memory_space<vmem>>
      %dma_start3A_59 = arith.constant 0 : i32
      %dma_start3A_60 = arith.constant 0 : i32
      %dma_start3A_61 = tpu.memref_slice %arg2[%dma_start3A_59, %dma_start3A_60] : memref<10240x128xf32, #tpu.memory_space<hbm>> -> memref<10240x128xf32, #tpu.memory_space<hbm>>
      tpu.enqueue_indirect_dma source(%dma_start3A_61 : memref<10240x128xf32, #tpu.memory_space<hbm>>) target(%arg9 : memref<128x128xf32, #tpu.memory_space<vmem>>) offsets(%dma_start3A_58 : memref<128xi32, #tpu.memory_space<vmem>>) semaphore(%arg12 : memref<!tpu.dma_semaphore, #tpu.memory_space<semaphore_mem>>)
      "tpu.region"() ({
        %run_scoped3A_73 = tpu.sem_alloc : memref<!tpu.dma_semaphore, #tpu.memory_space<semaphore_mem>>
        %dma_start3A_74 = arith.constant 0 : i32
        %dma_start3A_75 = tpu.memref_slice %arg7[%mul3A_48, %dma_start3A_74] : memref<40x128xi32, #tpu.memory_space<vmem>> -> memref<1x128xi32, #tpu.memory_space<vmem>>
        %dma_start3A_76 = tpu.memref_squeeze %dma_start3A_75 : memref<1x128xi32, #tpu.memory_space<vmem>> -> memref<128xi32, #tpu.memory_space<vmem>>
        %dma_start3A_77 = arith.constant 0 : i32
        %dma_start3A_78 = arith.constant 0 : i32
        %dma_start3A_79 = tpu.memref_slice %arg10[%dma_start3A_77, %dma_start3A_78] : memref<10240x128xf32, #tpu.memory_space<vmem_shared>> -> memref<10240x128xf32, #tpu.memory_space<vmem_shared>>
        tpu.enqueue_indirect_dma source(%arg8 : memref<128x128xf32, #tpu.memory_space<vmem>>) target(%dma_start3A_79 : memref<10240x128xf32, #tpu.memory_space<vmem_shared>>) offsets(%dma_start3A_76 : memref<128xi32, #tpu.memory_space<vmem>>) semaphore(%run_scoped3A_73 : memref<!tpu.dma_semaphore, #tpu.memory_space<semaphore_mem>>) {add = true}
        %dma_wait3A_80 = arith.constant 0 : i32
        %dma_wait3A_81 = tpu.memref_slice %arg7[%mul3A_48, %dma_wait3A_80] : memref<40x128xi32, #tpu.memory_space<vmem>> -> memref<1x128xi32, #tpu.memory_space<vmem>>
        %dma_wait3A_82 = tpu.memref_squeeze %dma_wait3A_81 : memref<1x128xi32, #tpu.memory_space<vmem>> -> memref<128xi32, #tpu.memory_space<vmem>>
        %dma_wait3A_83 = arith.constant 0 : i32
        %dma_wait3A_84 = arith.constant 0 : i32
        %dma_wait3A_85 = tpu.memref_slice %arg10[%dma_wait3A_83, %dma_wait3A_84] : memref<10240x128xf32, #tpu.memory_space<vmem_shared>> -> memref<10240x128xf32, #tpu.memory_space<vmem_shared>>
        tpu.wait_indirect_dma semaphore(%run_scoped3A_73 : memref<!tpu.dma_semaphore, #tpu.memory_space<semaphore_mem>>) src(%arg8 : memref<128x128xf32, #tpu.memory_space<vmem>>) dst(%dma_wait3A_85 : memref<10240x128xf32, #tpu.memory_space<vmem_shared>>)
        tpu.yield
      }) : () -> ()
      %dma_wait3A_62 = arith.constant 0 : i32
      %dma_wait3A_63 = arith.constant 0 : i32
      %dma_wait3A_64 = tpu.memref_slice %arg2[%dma_wait3A_62, %dma_wait3A_63] : memref<10240x128xf32, #tpu.memory_space<hbm>> -> memref<128x128xf32, #tpu.memory_space<hbm>>
      %dma_wait3A_65 = arith.constant 0 : i32
      %dma_wait3A_66 = arith.constant 0 : i32
      %dma_wait3A_67 = tpu.memref_slice %arg2[%dma_wait3A_65, %dma_wait3A_66] : memref<10240x128xf32, #tpu.memory_space<hbm>> -> memref<128x128xf32, #tpu.memory_space<hbm>>
      tpu.wait_dma2 semaphore(%arg12 : memref<!tpu.dma_semaphore, #tpu.memory_space<semaphore_mem>>) src(%dma_wait3A_67 : memref<128x128xf32, #tpu.memory_space<hbm>>) dst(%arg9 : memref<128x128xf32, #tpu.memory_space<vmem>>)
      %lt3A = arith.constant 19 : i32
      %lt3A_68 = arith.cmpi slt, %scan3A_45, %lt3A : i32
      %convert_element_type3A = arith.extui %lt3A_68 : i1 to i32
      %cond3A = arith.constant 0 : i32
      %cond3A_69 = arith.cmpi ne, %convert_element_type3A, %cond3A : i32
      scf.if %cond3A_69 {
        %add3A_73 = arith.constant 2 : i32
        %add3A_74 = arith.addi %mul3A_48, %add3A_73 : i32
        %dma_start3A_75 = arith.constant 0 : i32
        %dma_start3A_76 = tpu.memref_slice %arg6[%add3A_74, %dma_start3A_75] : memref<40x128xi32, #tpu.memory_space<vmem>> -> memref<1x128xi32, #tpu.memory_space<vmem>>
        %dma_start3A_77 = tpu.memref_squeeze %dma_start3A_76 : memref<1x128xi32, #tpu.memory_space<vmem>> -> memref<128xi32, #tpu.memory_space<vmem>>
        %dma_start3A_78 = arith.constant 0 : i32
        %dma_start3A_79 = arith.constant 0 : i32
        %dma_start3A_80 = tpu.memref_slice %arg2[%dma_start3A_78, %dma_start3A_79] : memref<10240x128xf32, #tpu.memory_space<hbm>> -> memref<10240x128xf32, #tpu.memory_space<hbm>>
        tpu.enqueue_indirect_dma source(%dma_start3A_80 : memref<10240x128xf32, #tpu.memory_space<hbm>>) target(%arg8 : memref<128x128xf32, #tpu.memory_space<vmem>>) offsets(%dma_start3A_77 : memref<128xi32, #tpu.memory_space<vmem>>) semaphore(%arg11 : memref<!tpu.dma_semaphore, #tpu.memory_space<semaphore_mem>>)
      } else {
      }
      %add3A_70 = arith.constant 1 : i32
      %add3A_71 = arith.addi %mul3A_48, %add3A_70 : i32
      "tpu.region"() ({
        %run_scoped3A_73 = tpu.sem_alloc : memref<!tpu.dma_semaphore, #tpu.memory_space<semaphore_mem>>
        %dma_start3A_74 = arith.constant 0 : i32
        %dma_start3A_75 = tpu.memref_slice %arg7[%add3A_71, %dma_start3A_74] : memref<40x128xi32, #tpu.memory_space<vmem>> -> memref<1x128xi32, #tpu.memory_space<vmem>>
        %dma_start3A_76 = tpu.memref_squeeze %dma_start3A_75 : memref<1x128xi32, #tpu.memory_space<vmem>> -> memref<128xi32, #tpu.memory_space<vmem>>
        %dma_start3A_77 = arith.constant 0 : i32
        %dma_start3A_78 = arith.constant 0 : i32
        %dma_start3A_79 = tpu.memref_slice %arg10[%dma_start3A_77, %dma_start3A_78] : memref<10240x128xf32, #tpu.memory_space<vmem_shared>> -> memref<10240x128xf32, #tpu.memory_space<vmem_shared>>
        tpu.enqueue_indirect_dma source(%arg9 : memref<128x128xf32, #tpu.memory_space<vmem>>) target(%dma_start3A_79 : memref<10240x128xf32, #tpu.memory_space<vmem_shared>>) offsets(%dma_start3A_76 : memref<128xi32, #tpu.memory_space<vmem>>) semaphore(%run_scoped3A_73 : memref<!tpu.dma_semaphore, #tpu.memory_space<semaphore_mem>>) {add = true}
        %dma_wait3A_80 = arith.constant 0 : i32
        %dma_wait3A_81 = tpu.memref_slice %arg7[%add3A_71, %dma_wait3A_80] : memref<40x128xi32, #tpu.memory_space<vmem>> -> memref<1x128xi32, #tpu.memory_space<vmem>>
        %dma_wait3A_82 = tpu.memref_squeeze %dma_wait3A_81 : memref<1x128xi32, #tpu.memory_space<vmem>> -> memref<128xi32, #tpu.memory_space<vmem>>
        %dma_wait3A_83 = arith.constant 0 : i32
        %dma_wait3A_84 = arith.constant 0 : i32
        %dma_wait3A_85 = tpu.memref_slice %arg10[%dma_wait3A_83, %dma_wait3A_84] : memref<10240x128xf32, #tpu.memory_space<vmem_shared>> -> memref<10240x128xf32, #tpu.memory_space<vmem_shared>>
        tpu.wait_indirect_dma semaphore(%run_scoped3A_73 : memref<!tpu.dma_semaphore, #tpu.memory_space<semaphore_mem>>) src(%arg9 : memref<128x128xf32, #tpu.memory_space<vmem>>) dst(%dma_wait3A_85 : memref<10240x128xf32, #tpu.memory_space<vmem_shared>>)
        tpu.yield
      }) : () -> ()
      %scan3A_72 = arith.constant 0 : i32
      scf.yield %scan3A_72 : i32
    }
    %scan3A_39 = arith.constant 20 : i32
    %barrier3A_40 = arith.constant 0 : index
    tpu.barrier barrier_id(%barrier3A_40)
    %mul3A_41 = arith.constant 640 : i32
    %mul3A_42 = arith.muli %arg1, %mul3A_41 : i32
    %mul3A_43 = arith.constant 640 : i32
    %mul3A_44 = arith.muli %arg1, %mul3A_43 : i32
    "tpu.region"() ({
      %run_scoped3A_45 = tpu.sem_alloc : memref<!tpu.dma_semaphore, #tpu.memory_space<semaphore_mem>>
      %dma_start3A_46 = arith.constant 0 : i32
      %dma_start3A_47 = tpu.memref_slice %arg5[%arg0, %mul3A_44, %dma_start3A_46] : memref<2x10240x128xf32, #tpu.memory_space<hbm>> -> memref<1x640x128xf32, #tpu.memory_space<hbm>>
      %dma_start3A_48 = tpu.memref_squeeze %dma_start3A_47 : memref<1x640x128xf32, #tpu.memory_space<hbm>> -> memref<640x128xf32, #tpu.memory_space<hbm>>
      %dma_start3A_49 = arith.constant 0 : i32
      %dma_start3A_50 = tpu.memref_slice %arg10[%mul3A_42, %dma_start3A_49] : memref<10240x128xf32, #tpu.memory_space<vmem_shared>> -> memref<640x128xf32, #tpu.memory_space<vmem_shared>>
      tpu.enqueue_dma source(%dma_start3A_50 : memref<640x128xf32, #tpu.memory_space<vmem_shared>>) target(%dma_start3A_48 : memref<640x128xf32, #tpu.memory_space<hbm>>) target_semaphore(%run_scoped3A_45 : memref<!tpu.dma_semaphore, #tpu.memory_space<semaphore_mem>>)
      %dma_wait3A = arith.constant 0 : i32
      %dma_wait3A_51 = tpu.memref_slice %arg5[%arg0, %mul3A_44, %dma_wait3A] : memref<2x10240x128xf32, #tpu.memory_space<hbm>> -> memref<1x640x128xf32, #tpu.memory_space<hbm>>
      %dma_wait3A_52 = tpu.memref_squeeze %dma_wait3A_51 : memref<1x640x128xf32, #tpu.memory_space<hbm>> -> memref<640x128xf32, #tpu.memory_space<hbm>>
      %dma_wait3A_53 = arith.constant 0 : i32
      %dma_wait3A_54 = tpu.memref_slice %arg10[%mul3A_42, %dma_wait3A_53] : memref<10240x128xf32, #tpu.memory_space<vmem_shared>> -> memref<640x128xf32, #tpu.memory_space<vmem_shared>>
      tpu.wait_dma2 semaphore(%run_scoped3A_45 : memref<!tpu.dma_semaphore, #tpu.memory_space<semaphore_mem>>) src(%dma_wait3A_54 : memref<640x128xf32, #tpu.memory_space<vmem_shared>>) dst(%dma_wait3A_52 : memref<640x128xf32, #tpu.memory_space<hbm>>)
      tpu.yield
    }) : () -> ()
    return
  }
}

module attributes {stable_mosaic.version = 14 : i64} {
  func.func @_k1a_body(%arg0: i32, %arg1: memref<5120x128xf32, #tpu.memory_space<vmem>>, %arg2: memref<128x128xf32, #tpu.memory_space<vmem>>, %arg3: memref<5120x128xf32, #tpu.memory_space<vmem>>) attributes {dimension_semantics = [#tpu.dimension_semantics<arbitrary>], iteration_bounds = array<i64: 2>, scalar_prefetch = 0 : i64, scratch_operands = 0 : i64, tpu.core_type = #tpu.core_type<tc>, window_params = [{transform_indices = @transform_0, window_bounds = array<i64: 5120, 128>}, {pipeline_mode = #tpu.pipeline_mode<synchronous>, transform_indices = @transform_1, window_bounds = array<i64: 128, 128>}, {transform_indices = @transform_2, window_bounds = array<i64: 5120, 128>}]} {
    %get3A = arith.constant 0 : index
    %get3A_0 = arith.constant 0 : index
    %get3A_1 = vector.load %arg1[%get3A, %get3A_0] : memref<5120x128xf32, #tpu.memory_space<vmem>>, vector<5120x128xf32>
    %get3A_2 = arith.constant 0 : index
    %get3A_3 = arith.constant 0 : index
    %get3A_4 = vector.load %arg2[%get3A_2, %get3A_3] : memref<128x128xf32, #tpu.memory_space<vmem>>, vector<128x128xf32>
    %dot_general3A = arith.constant dense<0.000000e+00> : vector<5120x128xf32>
    %dot_general3A_5 = tpu.matmul %get3A_1, %get3A_4, %dot_general3A {dimension_numbers = #tpu.dot_dimension_numbers<[1], [0], [0], [1], [0, 0, 1, 1], [], []>, transpose_lhs_hint = false} : vector<5120x128xf32>, vector<128x128xf32>, vector<5120x128xf32> -> vector<5120x128xf32>
    %swap3A = arith.constant 0 : index
    %swap3A_6 = arith.constant 0 : index
    %swap3A_7 = vector.load %arg3[%swap3A, %swap3A_6] : memref<5120x128xf32, #tpu.memory_space<vmem>>, vector<5120x128xf32>
    tpu.vector_store %arg3[%swap3A, %swap3A_6], %dot_general3A_5 {strides = array<i32>} : memref<5120x128xf32, #tpu.memory_space<vmem>>, vector<5120x128xf32>,
    return
  }
  func.func @transform_0(%arg0: i32) -> (i32, i32) {
    %c0_i32 = arith.constant 0 : i32
    %c0_i32_0 = arith.constant 0 : i32
    return %arg0, %c0_i32 : i32, i32
  }
  func.func @transform_1(%arg0: i32) -> (i32, i32) {
    %c0_i32 = arith.constant 0 : i32
    %c0_i32_0 = arith.constant 0 : i32
    %c0_i32_1 = arith.constant 0 : i32
    return %c0_i32, %c0_i32_0 : i32, i32
  }
  func.func @transform_2(%arg0: i32) -> (i32, i32) {
    %c0_i32 = arith.constant 0 : i32
    %c0_i32_0 = arith.constant 0 : i32
    return %arg0, %c0_i32 : i32, i32
  }
}

module attributes {stable_mosaic.version = 14 : i64} {
  func.func @_k1b_body(%arg0: i32, %arg1: memref<5120x128xf32, #tpu.memory_space<vmem>>, %arg2: memref<40x2x128xf32, #tpu.memory_space<vmem>>, %arg3: memref<5120x128xf32, #tpu.memory_space<vmem>>) attributes {dimension_semantics = [#tpu.dimension_semantics<arbitrary>], iteration_bounds = array<i64: 2>, scalar_prefetch = 0 : i64, scratch_operands = 0 : i64, tpu.core_type = #tpu.core_type<tc>, window_params = [{transform_indices = @transform_0, window_bounds = array<i64: 5120, 128>}, {transform_indices = @transform_1, window_bounds = array<i64: 40, 2, 128>}, {transform_indices = @transform_2, window_bounds = array<i64: 5120, 128>}]} {
    %get3A = arith.constant 0 : index
    %get3A_0 = arith.constant 0 : index
    %get3A_1 = vector.load %arg1[%get3A, %get3A_0] : memref<5120x128xf32, #tpu.memory_space<vmem>>, vector<5120x128xf32>
    %get3A_2 = arith.constant 0 : index
    %get3A_3 = arith.constant 0 : index
    %get3A_4 = arith.constant 0 : index
    %get3A_5 = vector.load %arg2[%get3A_2, %get3A_3, %get3A_4] : memref<40x2x128xf32, #tpu.memory_space<vmem>>, vector<40x2x128xf32>
    %slice3A = vector.extract_strided_slice %get3A_5 {offsets = [0, 0, 0], sizes = [1, 1, 128], strides = [1, 1, 1]} : vector<40x2x128xf32> to vector<1x1x128xf32>
    %squeeze3A = vector.shape_cast %slice3A : vector<1x1x128xf32> to vector<128xf32>
    %slice3A_6 = vector.extract_strided_slice %get3A_5 {offsets = [0, 1, 0], sizes = [1, 1, 128], strides = [1, 1, 1]} : vector<40x2x128xf32> to vector<1x1x128xf32>
    %squeeze3A_7 = vector.shape_cast %slice3A_6 : vector<1x1x128xf32> to vector<128xf32>
    %add3A = arith.addf %squeeze3A, %squeeze3A_7 : vector<128xf32>
    %add3A_8 = arith.constant 1.000000e+00 : f32
    %add3A_9 = vector.broadcast %add3A_8 : f32 to vector<128xf32>
    %add3A_10 = arith.addf %add3A, %add3A_9 : vector<128xf32>
    %rsqrt3A = math.rsqrt %add3A_10 : vector<128xf32>
    %broadcast_in_dim3A = vector.shape_cast %rsqrt3A : vector<128xf32> to vector<128x1xf32>
    %slice3A_11 = vector.extract_strided_slice %get3A_5 {offsets = [1, 0, 0], sizes = [1, 1, 128], strides = [1, 1, 1]} : vector<40x2x128xf32> to vector<1x1x128xf32>
    %squeeze3A_12 = vector.shape_cast %slice3A_11 : vector<1x1x128xf32> to vector<128xf32>
    %slice3A_13 = vector.extract_strided_slice %get3A_5 {offsets = [1, 1, 0], sizes = [1, 1, 128], strides = [1, 1, 1]} : vector<40x2x128xf32> to vector<1x1x128xf32>
    %squeeze3A_14 = vector.shape_cast %slice3A_13 : vector<1x1x128xf32> to vector<128xf32>
    %add3A_15 = arith.addf %squeeze3A_12, %squeeze3A_14 : vector<128xf32>
    %add3A_16 = arith.constant 1.000000e+00 : f32
    %add3A_17 = vector.broadcast %add3A_16 : f32 to vector<128xf32>
    %add3A_18 = arith.addf %add3A_15, %add3A_17 : vector<128xf32>
    %rsqrt3A_19 = math.rsqrt %add3A_18 : vector<128xf32>
    %broadcast_in_dim3A_20 = vector.shape_cast %rsqrt3A_19 : vector<128xf32> to vector<128x1xf32>
    %slice3A_21 = vector.extract_strided_slice %get3A_5 {offsets = [2, 0, 0], sizes = [1, 1, 128], strides = [1, 1, 1]} : vector<40x2x128xf32> to vector<1x1x128xf32>
    %squeeze3A_22 = vector.shape_cast %slice3A_21 : vector<1x1x128xf32> to vector<128xf32>
    %slice3A_23 = vector.extract_strided_slice %get3A_5 {offsets = [2, 1, 0], sizes = [1, 1, 128], strides = [1, 1, 1]} : vector<40x2x128xf32> to vector<1x1x128xf32>
    %squeeze3A_24 = vector.shape_cast %slice3A_23 : vector<1x1x128xf32> to vector<128xf32>
    %add3A_25 = arith.addf %squeeze3A_22, %squeeze3A_24 : vector<128xf32>
    %add3A_26 = arith.constant 1.000000e+00 : f32
    %add3A_27 = vector.broadcast %add3A_26 : f32 to vector<128xf32>
    %add3A_28 = arith.addf %add3A_25, %add3A_27 : vector<128xf32>
    %rsqrt3A_29 = math.rsqrt %add3A_28 : vector<128xf32>
    %broadcast_in_dim3A_30 = vector.shape_cast %rsqrt3A_29 : vector<128xf32> to vector<128x1xf32>
    %slice3A_31 = vector.extract_strided_slice %get3A_5 {offsets = [3, 0, 0], sizes = [1, 1, 128], strides = [1, 1, 1]} : vector<40x2x128xf32> to vector<1x1x128xf32>
    %squeeze3A_32 = vector.shape_cast %slice3A_31 : vector<1x1x128xf32> to vector<128xf32>
    %slice3A_33 = vector.extract_strided_slice %get3A_5 {offsets = [3, 1, 0], sizes = [1, 1, 128], strides = [1, 1, 1]} : vector<40x2x128xf32> to vector<1x1x128xf32>
    %squeeze3A_34 = vector.shape_cast %slice3A_33 : vector<1x1x128xf32> to vector<128xf32>
    %add3A_35 = arith.addf %squeeze3A_32, %squeeze3A_34 : vector<128xf32>
    %add3A_36 = arith.constant 1.000000e+00 : f32
    %add3A_37 = vector.broadcast %add3A_36 : f32 to vector<128xf32>
    %add3A_38 = arith.addf %add3A_35, %add3A_37 : vector<128xf32>
    %rsqrt3A_39 = math.rsqrt %add3A_38 : vector<128xf32>
    %broadcast_in_dim3A_40 = vector.shape_cast %rsqrt3A_39 : vector<128xf32> to vector<128x1xf32>
    %slice3A_41 = vector.extract_strided_slice %get3A_5 {offsets = [4, 0, 0], sizes = [1, 1, 128], strides = [1, 1, 1]} : vector<40x2x128xf32> to vector<1x1x128xf32>
    %squeeze3A_42 = vector.shape_cast %slice3A_41 : vector<1x1x128xf32> to vector<128xf32>
    %slice3A_43 = vector.extract_strided_slice %get3A_5 {offsets = [4, 1, 0], sizes = [1, 1, 128], strides = [1, 1, 1]} : vector<40x2x128xf32> to vector<1x1x128xf32>
    %squeeze3A_44 = vector.shape_cast %slice3A_43 : vector<1x1x128xf32> to vector<128xf32>
    %add3A_45 = arith.addf %squeeze3A_42, %squeeze3A_44 : vector<128xf32>
    %add3A_46 = arith.constant 1.000000e+00 : f32
    %add3A_47 = vector.broadcast %add3A_46 : f32 to vector<128xf32>
    %add3A_48 = arith.addf %add3A_45, %add3A_47 : vector<128xf32>
    %rsqrt3A_49 = math.rsqrt %add3A_48 : vector<128xf32>
    %broadcast_in_dim3A_50 = vector.shape_cast %rsqrt3A_49 : vector<128xf32> to vector<128x1xf32>
    %slice3A_51 = vector.extract_strided_slice %get3A_5 {offsets = [5, 0, 0], sizes = [1, 1, 128], strides = [1, 1, 1]} : vector<40x2x128xf32> to vector<1x1x128xf32>
    %squeeze3A_52 = vector.shape_cast %slice3A_51 : vector<1x1x128xf32> to vector<128xf32>
    %slice3A_53 = vector.extract_strided_slice %get3A_5 {offsets = [5, 1, 0], sizes = [1, 1, 128], strides = [1, 1, 1]} : vector<40x2x128xf32> to vector<1x1x128xf32>
    %squeeze3A_54 = vector.shape_cast %slice3A_53 : vector<1x1x128xf32> to vector<128xf32>
    %add3A_55 = arith.addf %squeeze3A_52, %squeeze3A_54 : vector<128xf32>
    %add3A_56 = arith.constant 1.000000e+00 : f32
    %add3A_57 = vector.broadcast %add3A_56 : f32 to vector<128xf32>
    %add3A_58 = arith.addf %add3A_55, %add3A_57 : vector<128xf32>
    %rsqrt3A_59 = math.rsqrt %add3A_58 : vector<128xf32>
    %broadcast_in_dim3A_60 = vector.shape_cast %rsqrt3A_59 : vector<128xf32> to vector<128x1xf32>
    %slice3A_61 = vector.extract_strided_slice %get3A_5 {offsets = [6, 0, 0], sizes = [1, 1, 128], strides = [1, 1, 1]} : vector<40x2x128xf32> to vector<1x1x128xf32>
    %squeeze3A_62 = vector.shape_cast %slice3A_61 : vector<1x1x128xf32> to vector<128xf32>
    %slice3A_63 = vector.extract_strided_slice %get3A_5 {offsets = [6, 1, 0], sizes = [1, 1, 128], strides = [1, 1, 1]} : vector<40x2x128xf32> to vector<1x1x128xf32>
    %squeeze3A_64 = vector.shape_cast %slice3A_63 : vector<1x1x128xf32> to vector<128xf32>
    %add3A_65 = arith.addf %squeeze3A_62, %squeeze3A_64 : vector<128xf32>
    %add3A_66 = arith.constant 1.000000e+00 : f32
    %add3A_67 = vector.broadcast %add3A_66 : f32 to vector<128xf32>
    %add3A_68 = arith.addf %add3A_65, %add3A_67 : vector<128xf32>
    %rsqrt3A_69 = math.rsqrt %add3A_68 : vector<128xf32>
    %broadcast_in_dim3A_70 = vector.shape_cast %rsqrt3A_69 : vector<128xf32> to vector<128x1xf32>
    %slice3A_71 = vector.extract_strided_slice %get3A_5 {offsets = [7, 0, 0], sizes = [1, 1, 128], strides = [1, 1, 1]} : vector<40x2x128xf32> to vector<1x1x128xf32>
    %squeeze3A_72 = vector.shape_cast %slice3A_71 : vector<1x1x128xf32> to vector<128xf32>
    %slice3A_73 = vector.extract_strided_slice %get3A_5 {offsets = [7, 1, 0], sizes = [1, 1, 128], strides = [1, 1, 1]} : vector<40x2x128xf32> to vector<1x1x128xf32>
    %squeeze3A_74 = vector.shape_cast %slice3A_73 : vector<1x1x128xf32> to vector<128xf32>
    %add3A_75 = arith.addf %squeeze3A_72, %squeeze3A_74 : vector<128xf32>
    %add3A_76 = arith.constant 1.000000e+00 : f32
    %add3A_77 = vector.broadcast %add3A_76 : f32 to vector<128xf32>
    %add3A_78 = arith.addf %add3A_75, %add3A_77 : vector<128xf32>
    %rsqrt3A_79 = math.rsqrt %add3A_78 : vector<128xf32>
    %broadcast_in_dim3A_80 = vector.shape_cast %rsqrt3A_79 : vector<128xf32> to vector<128x1xf32>
    %slice3A_81 = vector.extract_strided_slice %get3A_5 {offsets = [8, 0, 0], sizes = [1, 1, 128], strides = [1, 1, 1]} : vector<40x2x128xf32> to vector<1x1x128xf32>
    %squeeze3A_82 = vector.shape_cast %slice3A_81 : vector<1x1x128xf32> to vector<128xf32>
    %slice3A_83 = vector.extract_strided_slice %get3A_5 {offsets = [8, 1, 0], sizes = [1, 1, 128], strides = [1, 1, 1]} : vector<40x2x128xf32> to vector<1x1x128xf32>
    %squeeze3A_84 = vector.shape_cast %slice3A_83 : vector<1x1x128xf32> to vector<128xf32>
    %add3A_85 = arith.addf %squeeze3A_82, %squeeze3A_84 : vector<128xf32>
    %add3A_86 = arith.constant 1.000000e+00 : f32
    %add3A_87 = vector.broadcast %add3A_86 : f32 to vector<128xf32>
    %add3A_88 = arith.addf %add3A_85, %add3A_87 : vector<128xf32>
    %rsqrt3A_89 = math.rsqrt %add3A_88 : vector<128xf32>
    %broadcast_in_dim3A_90 = vector.shape_cast %rsqrt3A_89 : vector<128xf32> to vector<128x1xf32>
    %slice3A_91 = vector.extract_strided_slice %get3A_5 {offsets = [9, 0, 0], sizes = [1, 1, 128], strides = [1, 1, 1]} : vector<40x2x128xf32> to vector<1x1x128xf32>
    %squeeze3A_92 = vector.shape_cast %slice3A_91 : vector<1x1x128xf32> to vector<128xf32>
    %slice3A_93 = vector.extract_strided_slice %get3A_5 {offsets = [9, 1, 0], sizes = [1, 1, 128], strides = [1, 1, 1]} : vector<40x2x128xf32> to vector<1x1x128xf32>
    %squeeze3A_94 = vector.shape_cast %slice3A_93 : vector<1x1x128xf32> to vector<128xf32>
    %add3A_95 = arith.addf %squeeze3A_92, %squeeze3A_94 : vector<128xf32>
    %add3A_96 = arith.constant 1.000000e+00 : f32
    %add3A_97 = vector.broadcast %add3A_96 : f32 to vector<128xf32>
    %add3A_98 = arith.addf %add3A_95, %add3A_97 : vector<128xf32>
    %rsqrt3A_99 = math.rsqrt %add3A_98 : vector<128xf32>
    %broadcast_in_dim3A_100 = vector.shape_cast %rsqrt3A_99 : vector<128xf32> to vector<128x1xf32>
    %slice3A_101 = vector.extract_strided_slice %get3A_5 {offsets = [10, 0, 0], sizes = [1, 1, 128], strides = [1, 1, 1]} : vector<40x2x128xf32> to vector<1x1x128xf32>
    %squeeze3A_102 = vector.shape_cast %slice3A_101 : vector<1x1x128xf32> to vector<128xf32>
    %slice3A_103 = vector.extract_strided_slice %get3A_5 {offsets = [10, 1, 0], sizes = [1, 1, 128], strides = [1, 1, 1]} : vector<40x2x128xf32> to vector<1x1x128xf32>
    %squeeze3A_104 = vector.shape_cast %slice3A_103 : vector<1x1x128xf32> to vector<128xf32>
    %add3A_105 = arith.addf %squeeze3A_102, %squeeze3A_104 : vector<128xf32>
    %add3A_106 = arith.constant 1.000000e+00 : f32
    %add3A_107 = vector.broadcast %add3A_106 : f32 to vector<128xf32>
    %add3A_108 = arith.addf %add3A_105, %add3A_107 : vector<128xf32>
    %rsqrt3A_109 = math.rsqrt %add3A_108 : vector<128xf32>
    %broadcast_in_dim3A_110 = vector.shape_cast %rsqrt3A_109 : vector<128xf32> to vector<128x1xf32>
    %slice3A_111 = vector.extract_strided_slice %get3A_5 {offsets = [11, 0, 0], sizes = [1, 1, 128], strides = [1, 1, 1]} : vector<40x2x128xf32> to vector<1x1x128xf32>
    %squeeze3A_112 = vector.shape_cast %slice3A_111 : vector<1x1x128xf32> to vector<128xf32>
    %slice3A_113 = vector.extract_strided_slice %get3A_5 {offsets = [11, 1, 0], sizes = [1, 1, 128], strides = [1, 1, 1]} : vector<40x2x128xf32> to vector<1x1x128xf32>
    %squeeze3A_114 = vector.shape_cast %slice3A_113 : vector<1x1x128xf32> to vector<128xf32>
    %add3A_115 = arith.addf %squeeze3A_112, %squeeze3A_114 : vector<128xf32>
    %add3A_116 = arith.constant 1.000000e+00 : f32
    %add3A_117 = vector.broadcast %add3A_116 : f32 to vector<128xf32>
    %add3A_118 = arith.addf %add3A_115, %add3A_117 : vector<128xf32>
    %rsqrt3A_119 = math.rsqrt %add3A_118 : vector<128xf32>
    %broadcast_in_dim3A_120 = vector.shape_cast %rsqrt3A_119 : vector<128xf32> to vector<128x1xf32>
    %slice3A_121 = vector.extract_strided_slice %get3A_5 {offsets = [12, 0, 0], sizes = [1, 1, 128], strides = [1, 1, 1]} : vector<40x2x128xf32> to vector<1x1x128xf32>
    %squeeze3A_122 = vector.shape_cast %slice3A_121 : vector<1x1x128xf32> to vector<128xf32>
    %slice3A_123 = vector.extract_strided_slice %get3A_5 {offsets = [12, 1, 0], sizes = [1, 1, 128], strides = [1, 1, 1]} : vector<40x2x128xf32> to vector<1x1x128xf32>
    %squeeze3A_124 = vector.shape_cast %slice3A_123 : vector<1x1x128xf32> to vector<128xf32>
    %add3A_125 = arith.addf %squeeze3A_122, %squeeze3A_124 : vector<128xf32>
    %add3A_126 = arith.constant 1.000000e+00 : f32
    %add3A_127 = vector.broadcast %add3A_126 : f32 to vector<128xf32>
    %add3A_128 = arith.addf %add3A_125, %add3A_127 : vector<128xf32>
    %rsqrt3A_129 = math.rsqrt %add3A_128 : vector<128xf32>
    %broadcast_in_dim3A_130 = vector.shape_cast %rsqrt3A_129 : vector<128xf32> to vector<128x1xf32>
    %slice3A_131 = vector.extract_strided_slice %get3A_5 {offsets = [13, 0, 0], sizes = [1, 1, 128], strides = [1, 1, 1]} : vector<40x2x128xf32> to vector<1x1x128xf32>
    %squeeze3A_132 = vector.shape_cast %slice3A_131 : vector<1x1x128xf32> to vector<128xf32>
    %slice3A_133 = vector.extract_strided_slice %get3A_5 {offsets = [13, 1, 0], sizes = [1, 1, 128], strides = [1, 1, 1]} : vector<40x2x128xf32> to vector<1x1x128xf32>
    %squeeze3A_134 = vector.shape_cast %slice3A_133 : vector<1x1x128xf32> to vector<128xf32>
    %add3A_135 = arith.addf %squeeze3A_132, %squeeze3A_134 : vector<128xf32>
    %add3A_136 = arith.constant 1.000000e+00 : f32
    %add3A_137 = vector.broadcast %add3A_136 : f32 to vector<128xf32>
    %add3A_138 = arith.addf %add3A_135, %add3A_137 : vector<128xf32>
    %rsqrt3A_139 = math.rsqrt %add3A_138 : vector<128xf32>
    %broadcast_in_dim3A_140 = vector.shape_cast %rsqrt3A_139 : vector<128xf32> to vector<128x1xf32>
    %slice3A_141 = vector.extract_strided_slice %get3A_5 {offsets = [14, 0, 0], sizes = [1, 1, 128], strides = [1, 1, 1]} : vector<40x2x128xf32> to vector<1x1x128xf32>
    %squeeze3A_142 = vector.shape_cast %slice3A_141 : vector<1x1x128xf32> to vector<128xf32>
    %slice3A_143 = vector.extract_strided_slice %get3A_5 {offsets = [14, 1, 0], sizes = [1, 1, 128], strides = [1, 1, 1]} : vector<40x2x128xf32> to vector<1x1x128xf32>
    %squeeze3A_144 = vector.shape_cast %slice3A_143 : vector<1x1x128xf32> to vector<128xf32>
    %add3A_145 = arith.addf %squeeze3A_142, %squeeze3A_144 : vector<128xf32>
    %add3A_146 = arith.constant 1.000000e+00 : f32
    %add3A_147 = vector.broadcast %add3A_146 : f32 to vector<128xf32>
    %add3A_148 = arith.addf %add3A_145, %add3A_147 : vector<128xf32>
    %rsqrt3A_149 = math.rsqrt %add3A_148 : vector<128xf32>
    %broadcast_in_dim3A_150 = vector.shape_cast %rsqrt3A_149 : vector<128xf32> to vector<128x1xf32>
    %slice3A_151 = vector.extract_strided_slice %get3A_5 {offsets = [15, 0, 0], sizes = [1, 1, 128], strides = [1, 1, 1]} : vector<40x2x128xf32> to vector<1x1x128xf32>
    %squeeze3A_152 = vector.shape_cast %slice3A_151 : vector<1x1x128xf32> to vector<128xf32>
    %slice3A_153 = vector.extract_strided_slice %get3A_5 {offsets = [15, 1, 0], sizes = [1, 1, 128], strides = [1, 1, 1]} : vector<40x2x128xf32> to vector<1x1x128xf32>
    %squeeze3A_154 = vector.shape_cast %slice3A_153 : vector<1x1x128xf32> to vector<128xf32>
    %add3A_155 = arith.addf %squeeze3A_152, %squeeze3A_154 : vector<128xf32>
    %add3A_156 = arith.constant 1.000000e+00 : f32
    %add3A_157 = vector.broadcast %add3A_156 : f32 to vector<128xf32>
    %add3A_158 = arith.addf %add3A_155, %add3A_157 : vector<128xf32>
    %rsqrt3A_159 = math.rsqrt %add3A_158 : vector<128xf32>
    %broadcast_in_dim3A_160 = vector.shape_cast %rsqrt3A_159 : vector<128xf32> to vector<128x1xf32>
    %slice3A_161 = vector.extract_strided_slice %get3A_5 {offsets = [16, 0, 0], sizes = [1, 1, 128], strides = [1, 1, 1]} : vector<40x2x128xf32> to vector<1x1x128xf32>
    %squeeze3A_162 = vector.shape_cast %slice3A_161 : vector<1x1x128xf32> to vector<128xf32>
    %slice3A_163 = vector.extract_strided_slice %get3A_5 {offsets = [16, 1, 0], sizes = [1, 1, 128], strides = [1, 1, 1]} : vector<40x2x128xf32> to vector<1x1x128xf32>
    %squeeze3A_164 = vector.shape_cast %slice3A_163 : vector<1x1x128xf32> to vector<128xf32>
    %add3A_165 = arith.addf %squeeze3A_162, %squeeze3A_164 : vector<128xf32>
    %add3A_166 = arith.constant 1.000000e+00 : f32
    %add3A_167 = vector.broadcast %add3A_166 : f32 to vector<128xf32>
    %add3A_168 = arith.addf %add3A_165, %add3A_167 : vector<128xf32>
    %rsqrt3A_169 = math.rsqrt %add3A_168 : vector<128xf32>
    %broadcast_in_dim3A_170 = vector.shape_cast %rsqrt3A_169 : vector<128xf32> to vector<128x1xf32>
    %slice3A_171 = vector.extract_strided_slice %get3A_5 {offsets = [17, 0, 0], sizes = [1, 1, 128], strides = [1, 1, 1]} : vector<40x2x128xf32> to vector<1x1x128xf32>
    %squeeze3A_172 = vector.shape_cast %slice3A_171 : vector<1x1x128xf32> to vector<128xf32>
    %slice3A_173 = vector.extract_strided_slice %get3A_5 {offsets = [17, 1, 0], sizes = [1, 1, 128], strides = [1, 1, 1]} : vector<40x2x128xf32> to vector<1x1x128xf32>
    %squeeze3A_174 = vector.shape_cast %slice3A_173 : vector<1x1x128xf32> to vector<128xf32>
    %add3A_175 = arith.addf %squeeze3A_172, %squeeze3A_174 : vector<128xf32>
    %add3A_176 = arith.constant 1.000000e+00 : f32
    %add3A_177 = vector.broadcast %add3A_176 : f32 to vector<128xf32>
    %add3A_178 = arith.addf %add3A_175, %add3A_177 : vector<128xf32>
    %rsqrt3A_179 = math.rsqrt %add3A_178 : vector<128xf32>
    %broadcast_in_dim3A_180 = vector.shape_cast %rsqrt3A_179 : vector<128xf32> to vector<128x1xf32>
    %slice3A_181 = vector.extract_strided_slice %get3A_5 {offsets = [18, 0, 0], sizes = [1, 1, 128], strides = [1, 1, 1]} : vector<40x2x128xf32> to vector<1x1x128xf32>
    %squeeze3A_182 = vector.shape_cast %slice3A_181 : vector<1x1x128xf32> to vector<128xf32>
    %slice3A_183 = vector.extract_strided_slice %get3A_5 {offsets = [18, 1, 0], sizes = [1, 1, 128], strides = [1, 1, 1]} : vector<40x2x128xf32> to vector<1x1x128xf32>
    %squeeze3A_184 = vector.shape_cast %slice3A_183 : vector<1x1x128xf32> to vector<128xf32>
    %add3A_185 = arith.addf %squeeze3A_182, %squeeze3A_184 : vector<128xf32>
    %add3A_186 = arith.constant 1.000000e+00 : f32
    %add3A_187 = vector.broadcast %add3A_186 : f32 to vector<128xf32>
    %add3A_188 = arith.addf %add3A_185, %add3A_187 : vector<128xf32>
    %rsqrt3A_189 = math.rsqrt %add3A_188 : vector<128xf32>
    %broadcast_in_dim3A_190 = vector.shape_cast %rsqrt3A_189 : vector<128xf32> to vector<128x1xf32>
    %slice3A_191 = vector.extract_strided_slice %get3A_5 {offsets = [19, 0, 0], sizes = [1, 1, 128], strides = [1, 1, 1]} : vector<40x2x128xf32> to vector<1x1x128xf32>
    %squeeze3A_192 = vector.shape_cast %slice3A_191 : vector<1x1x128xf32> to vector<128xf32>
    %slice3A_193 = vector.extract_strided_slice %get3A_5 {offsets = [19, 1, 0], sizes = [1, 1, 128], strides = [1, 1, 1]} : vector<40x2x128xf32> to vector<1x1x128xf32>
    %squeeze3A_194 = vector.shape_cast %slice3A_193 : vector<1x1x128xf32> to vector<128xf32>
    %add3A_195 = arith.addf %squeeze3A_192, %squeeze3A_194 : vector<128xf32>
    %add3A_196 = arith.constant 1.000000e+00 : f32
    %add3A_197 = vector.broadcast %add3A_196 : f32 to vector<128xf32>
    %add3A_198 = arith.addf %add3A_195, %add3A_197 : vector<128xf32>
    %rsqrt3A_199 = math.rsqrt %add3A_198 : vector<128xf32>
    %broadcast_in_dim3A_200 = vector.shape_cast %rsqrt3A_199 : vector<128xf32> to vector<128x1xf32>
    %slice3A_201 = vector.extract_strided_slice %get3A_5 {offsets = [20, 0, 0], sizes = [1, 1, 128], strides = [1, 1, 1]} : vector<40x2x128xf32> to vector<1x1x128xf32>
    %squeeze3A_202 = vector.shape_cast %slice3A_201 : vector<1x1x128xf32> to vector<128xf32>
    %slice3A_203 = vector.extract_strided_slice %get3A_5 {offsets = [20, 1, 0], sizes = [1, 1, 128], strides = [1, 1, 1]} : vector<40x2x128xf32> to vector<1x1x128xf32>
    %squeeze3A_204 = vector.shape_cast %slice3A_203 : vector<1x1x128xf32> to vector<128xf32>
    %add3A_205 = arith.addf %squeeze3A_202, %squeeze3A_204 : vector<128xf32>
    %add3A_206 = arith.constant 1.000000e+00 : f32
    %add3A_207 = vector.broadcast %add3A_206 : f32 to vector<128xf32>
    %add3A_208 = arith.addf %add3A_205, %add3A_207 : vector<128xf32>
    %rsqrt3A_209 = math.rsqrt %add3A_208 : vector<128xf32>
    %broadcast_in_dim3A_210 = vector.shape_cast %rsqrt3A_209 : vector<128xf32> to vector<128x1xf32>
    %slice3A_211 = vector.extract_strided_slice %get3A_5 {offsets = [21, 0, 0], sizes = [1, 1, 128], strides = [1, 1, 1]} : vector<40x2x128xf32> to vector<1x1x128xf32>
    %squeeze3A_212 = vector.shape_cast %slice3A_211 : vector<1x1x128xf32> to vector<128xf32>
    %slice3A_213 = vector.extract_strided_slice %get3A_5 {offsets = [21, 1, 0], sizes = [1, 1, 128], strides = [1, 1, 1]} : vector<40x2x128xf32> to vector<1x1x128xf32>
    %squeeze3A_214 = vector.shape_cast %slice3A_213 : vector<1x1x128xf32> to vector<128xf32>
    %add3A_215 = arith.addf %squeeze3A_212, %squeeze3A_214 : vector<128xf32>
    %add3A_216 = arith.constant 1.000000e+00 : f32
    %add3A_217 = vector.broadcast %add3A_216 : f32 to vector<128xf32>
    %add3A_218 = arith.addf %add3A_215, %add3A_217 : vector<128xf32>
    %rsqrt3A_219 = math.rsqrt %add3A_218 : vector<128xf32>
    %broadcast_in_dim3A_220 = vector.shape_cast %rsqrt3A_219 : vector<128xf32> to vector<128x1xf32>
    %slice3A_221 = vector.extract_strided_slice %get3A_5 {offsets = [22, 0, 0], sizes = [1, 1, 128], strides = [1, 1, 1]} : vector<40x2x128xf32> to vector<1x1x128xf32>
    %squeeze3A_222 = vector.shape_cast %slice3A_221 : vector<1x1x128xf32> to vector<128xf32>
    %slice3A_223 = vector.extract_strided_slice %get3A_5 {offsets = [22, 1, 0], sizes = [1, 1, 128], strides = [1, 1, 1]} : vector<40x2x128xf32> to vector<1x1x128xf32>
    %squeeze3A_224 = vector.shape_cast %slice3A_223 : vector<1x1x128xf32> to vector<128xf32>
    %add3A_225 = arith.addf %squeeze3A_222, %squeeze3A_224 : vector<128xf32>
    %add3A_226 = arith.constant 1.000000e+00 : f32
    %add3A_227 = vector.broadcast %add3A_226 : f32 to vector<128xf32>
    %add3A_228 = arith.addf %add3A_225, %add3A_227 : vector<128xf32>
    %rsqrt3A_229 = math.rsqrt %add3A_228 : vector<128xf32>
    %broadcast_in_dim3A_230 = vector.shape_cast %rsqrt3A_229 : vector<128xf32> to vector<128x1xf32>
    %slice3A_231 = vector.extract_strided_slice %get3A_5 {offsets = [23, 0, 0], sizes = [1, 1, 128], strides = [1, 1, 1]} : vector<40x2x128xf32> to vector<1x1x128xf32>
    %squeeze3A_232 = vector.shape_cast %slice3A_231 : vector<1x1x128xf32> to vector<128xf32>
    %slice3A_233 = vector.extract_strided_slice %get3A_5 {offsets = [23, 1, 0], sizes = [1, 1, 128], strides = [1, 1, 1]} : vector<40x2x128xf32> to vector<1x1x128xf32>
    %squeeze3A_234 = vector.shape_cast %slice3A_233 : vector<1x1x128xf32> to vector<128xf32>
    %add3A_235 = arith.addf %squeeze3A_232, %squeeze3A_234 : vector<128xf32>
    %add3A_236 = arith.constant 1.000000e+00 : f32
    %add3A_237 = vector.broadcast %add3A_236 : f32 to vector<128xf32>
    %add3A_238 = arith.addf %add3A_235, %add3A_237 : vector<128xf32>
    %rsqrt3A_239 = math.rsqrt %add3A_238 : vector<128xf32>
    %broadcast_in_dim3A_240 = vector.shape_cast %rsqrt3A_239 : vector<128xf32> to vector<128x1xf32>
    %slice3A_241 = vector.extract_strided_slice %get3A_5 {offsets = [24, 0, 0], sizes = [1, 1, 128], strides = [1, 1, 1]} : vector<40x2x128xf32> to vector<1x1x128xf32>
    %squeeze3A_242 = vector.shape_cast %slice3A_241 : vector<1x1x128xf32> to vector<128xf32>
    %slice3A_243 = vector.extract_strided_slice %get3A_5 {offsets = [24, 1, 0], sizes = [1, 1, 128], strides = [1, 1, 1]} : vector<40x2x128xf32> to vector<1x1x128xf32>
    %squeeze3A_244 = vector.shape_cast %slice3A_243 : vector<1x1x128xf32> to vector<128xf32>
    %add3A_245 = arith.addf %squeeze3A_242, %squeeze3A_244 : vector<128xf32>
    %add3A_246 = arith.constant 1.000000e+00 : f32
    %add3A_247 = vector.broadcast %add3A_246 : f32 to vector<128xf32>
    %add3A_248 = arith.addf %add3A_245, %add3A_247 : vector<128xf32>
    %rsqrt3A_249 = math.rsqrt %add3A_248 : vector<128xf32>
    %broadcast_in_dim3A_250 = vector.shape_cast %rsqrt3A_249 : vector<128xf32> to vector<128x1xf32>
    %slice3A_251 = vector.extract_strided_slice %get3A_5 {offsets = [25, 0, 0], sizes = [1, 1, 128], strides = [1, 1, 1]} : vector<40x2x128xf32> to vector<1x1x128xf32>
    %squeeze3A_252 = vector.shape_cast %slice3A_251 : vector<1x1x128xf32> to vector<128xf32>
    %slice3A_253 = vector.extract_strided_slice %get3A_5 {offsets = [25, 1, 0], sizes = [1, 1, 128], strides = [1, 1, 1]} : vector<40x2x128xf32> to vector<1x1x128xf32>
    %squeeze3A_254 = vector.shape_cast %slice3A_253 : vector<1x1x128xf32> to vector<128xf32>
    %add3A_255 = arith.addf %squeeze3A_252, %squeeze3A_254 : vector<128xf32>
    %add3A_256 = arith.constant 1.000000e+00 : f32
    %add3A_257 = vector.broadcast %add3A_256 : f32 to vector<128xf32>
    %add3A_258 = arith.addf %add3A_255, %add3A_257 : vector<128xf32>
    %rsqrt3A_259 = math.rsqrt %add3A_258 : vector<128xf32>
    %broadcast_in_dim3A_260 = vector.shape_cast %rsqrt3A_259 : vector<128xf32> to vector<128x1xf32>
    %slice3A_261 = vector.extract_strided_slice %get3A_5 {offsets = [26, 0, 0], sizes = [1, 1, 128], strides = [1, 1, 1]} : vector<40x2x128xf32> to vector<1x1x128xf32>
    %squeeze3A_262 = vector.shape_cast %slice3A_261 : vector<1x1x128xf32> to vector<128xf32>
    %slice3A_263 = vector.extract_strided_slice %get3A_5 {offsets = [26, 1, 0], sizes = [1, 1, 128], strides = [1, 1, 1]} : vector<40x2x128xf32> to vector<1x1x128xf32>
    %squeeze3A_264 = vector.shape_cast %slice3A_263 : vector<1x1x128xf32> to vector<128xf32>
    %add3A_265 = arith.addf %squeeze3A_262, %squeeze3A_264 : vector<128xf32>
    %add3A_266 = arith.constant 1.000000e+00 : f32
    %add3A_267 = vector.broadcast %add3A_266 : f32 to vector<128xf32>
    %add3A_268 = arith.addf %add3A_265, %add3A_267 : vector<128xf32>
    %rsqrt3A_269 = math.rsqrt %add3A_268 : vector<128xf32>
    %broadcast_in_dim3A_270 = vector.shape_cast %rsqrt3A_269 : vector<128xf32> to vector<128x1xf32>
    %slice3A_271 = vector.extract_strided_slice %get3A_5 {offsets = [27, 0, 0], sizes = [1, 1, 128], strides = [1, 1, 1]} : vector<40x2x128xf32> to vector<1x1x128xf32>
    %squeeze3A_272 = vector.shape_cast %slice3A_271 : vector<1x1x128xf32> to vector<128xf32>
    %slice3A_273 = vector.extract_strided_slice %get3A_5 {offsets = [27, 1, 0], sizes = [1, 1, 128], strides = [1, 1, 1]} : vector<40x2x128xf32> to vector<1x1x128xf32>
    %squeeze3A_274 = vector.shape_cast %slice3A_273 : vector<1x1x128xf32> to vector<128xf32>
    %add3A_275 = arith.addf %squeeze3A_272, %squeeze3A_274 : vector<128xf32>
    %add3A_276 = arith.constant 1.000000e+00 : f32
    %add3A_277 = vector.broadcast %add3A_276 : f32 to vector<128xf32>
    %add3A_278 = arith.addf %add3A_275, %add3A_277 : vector<128xf32>
    %rsqrt3A_279 = math.rsqrt %add3A_278 : vector<128xf32>
    %broadcast_in_dim3A_280 = vector.shape_cast %rsqrt3A_279 : vector<128xf32> to vector<128x1xf32>
    %slice3A_281 = vector.extract_strided_slice %get3A_5 {offsets = [28, 0, 0], sizes = [1, 1, 128], strides = [1, 1, 1]} : vector<40x2x128xf32> to vector<1x1x128xf32>
    %squeeze3A_282 = vector.shape_cast %slice3A_281 : vector<1x1x128xf32> to vector<128xf32>
    %slice3A_283 = vector.extract_strided_slice %get3A_5 {offsets = [28, 1, 0], sizes = [1, 1, 128], strides = [1, 1, 1]} : vector<40x2x128xf32> to vector<1x1x128xf32>
    %squeeze3A_284 = vector.shape_cast %slice3A_283 : vector<1x1x128xf32> to vector<128xf32>
    %add3A_285 = arith.addf %squeeze3A_282, %squeeze3A_284 : vector<128xf32>
    %add3A_286 = arith.constant 1.000000e+00 : f32
    %add3A_287 = vector.broadcast %add3A_286 : f32 to vector<128xf32>
    %add3A_288 = arith.addf %add3A_285, %add3A_287 : vector<128xf32>
    %rsqrt3A_289 = math.rsqrt %add3A_288 : vector<128xf32>
    %broadcast_in_dim3A_290 = vector.shape_cast %rsqrt3A_289 : vector<128xf32> to vector<128x1xf32>
    %slice3A_291 = vector.extract_strided_slice %get3A_5 {offsets = [29, 0, 0], sizes = [1, 1, 128], strides = [1, 1, 1]} : vector<40x2x128xf32> to vector<1x1x128xf32>
    %squeeze3A_292 = vector.shape_cast %slice3A_291 : vector<1x1x128xf32> to vector<128xf32>
    %slice3A_293 = vector.extract_strided_slice %get3A_5 {offsets = [29, 1, 0], sizes = [1, 1, 128], strides = [1, 1, 1]} : vector<40x2x128xf32> to vector<1x1x128xf32>
    %squeeze3A_294 = vector.shape_cast %slice3A_293 : vector<1x1x128xf32> to vector<128xf32>
    %add3A_295 = arith.addf %squeeze3A_292, %squeeze3A_294 : vector<128xf32>
    %add3A_296 = arith.constant 1.000000e+00 : f32
    %add3A_297 = vector.broadcast %add3A_296 : f32 to vector<128xf32>
    %add3A_298 = arith.addf %add3A_295, %add3A_297 : vector<128xf32>
    %rsqrt3A_299 = math.rsqrt %add3A_298 : vector<128xf32>
    %broadcast_in_dim3A_300 = vector.shape_cast %rsqrt3A_299 : vector<128xf32> to vector<128x1xf32>
    %slice3A_301 = vector.extract_strided_slice %get3A_5 {offsets = [30, 0, 0], sizes = [1, 1, 128], strides = [1, 1, 1]} : vector<40x2x128xf32> to vector<1x1x128xf32>
    %squeeze3A_302 = vector.shape_cast %slice3A_301 : vector<1x1x128xf32> to vector<128xf32>
    %slice3A_303 = vector.extract_strided_slice %get3A_5 {offsets = [30, 1, 0], sizes = [1, 1, 128], strides = [1, 1, 1]} : vector<40x2x128xf32> to vector<1x1x128xf32>
    %squeeze3A_304 = vector.shape_cast %slice3A_303 : vector<1x1x128xf32> to vector<128xf32>
    %add3A_305 = arith.addf %squeeze3A_302, %squeeze3A_304 : vector<128xf32>
    %add3A_306 = arith.constant 1.000000e+00 : f32
    %add3A_307 = vector.broadcast %add3A_306 : f32 to vector<128xf32>
    %add3A_308 = arith.addf %add3A_305, %add3A_307 : vector<128xf32>
    %rsqrt3A_309 = math.rsqrt %add3A_308 : vector<128xf32>
    %broadcast_in_dim3A_310 = vector.shape_cast %rsqrt3A_309 : vector<128xf32> to vector<128x1xf32>
    %slice3A_311 = vector.extract_strided_slice %get3A_5 {offsets = [31, 0, 0], sizes = [1, 1, 128], strides = [1, 1, 1]} : vector<40x2x128xf32> to vector<1x1x128xf32>
    %squeeze3A_312 = vector.shape_cast %slice3A_311 : vector<1x1x128xf32> to vector<128xf32>
    %slice3A_313 = vector.extract_strided_slice %get3A_5 {offsets = [31, 1, 0], sizes = [1, 1, 128], strides = [1, 1, 1]} : vector<40x2x128xf32> to vector<1x1x128xf32>
    %squeeze3A_314 = vector.shape_cast %slice3A_313 : vector<1x1x128xf32> to vector<128xf32>
    %add3A_315 = arith.addf %squeeze3A_312, %squeeze3A_314 : vector<128xf32>
    %add3A_316 = arith.constant 1.000000e+00 : f32
    %add3A_317 = vector.broadcast %add3A_316 : f32 to vector<128xf32>
    %add3A_318 = arith.addf %add3A_315, %add3A_317 : vector<128xf32>
    %rsqrt3A_319 = math.rsqrt %add3A_318 : vector<128xf32>
    %broadcast_in_dim3A_320 = vector.shape_cast %rsqrt3A_319 : vector<128xf32> to vector<128x1xf32>
    %slice3A_321 = vector.extract_strided_slice %get3A_5 {offsets = [32, 0, 0], sizes = [1, 1, 128], strides = [1, 1, 1]} : vector<40x2x128xf32> to vector<1x1x128xf32>
    %squeeze3A_322 = vector.shape_cast %slice3A_321 : vector<1x1x128xf32> to vector<128xf32>
    %slice3A_323 = vector.extract_strided_slice %get3A_5 {offsets = [32, 1, 0], sizes = [1, 1, 128], strides = [1, 1, 1]} : vector<40x2x128xf32> to vector<1x1x128xf32>
    %squeeze3A_324 = vector.shape_cast %slice3A_323 : vector<1x1x128xf32> to vector<128xf32>
    %add3A_325 = arith.addf %squeeze3A_322, %squeeze3A_324 : vector<128xf32>
    %add3A_326 = arith.constant 1.000000e+00 : f32
    %add3A_327 = vector.broadcast %add3A_326 : f32 to vector<128xf32>
    %add3A_328 = arith.addf %add3A_325, %add3A_327 : vector<128xf32>
    %rsqrt3A_329 = math.rsqrt %add3A_328 : vector<128xf32>
    %broadcast_in_dim3A_330 = vector.shape_cast %rsqrt3A_329 : vector<128xf32> to vector<128x1xf32>
    %slice3A_331 = vector.extract_strided_slice %get3A_5 {offsets = [33, 0, 0], sizes = [1, 1, 128], strides = [1, 1, 1]} : vector<40x2x128xf32> to vector<1x1x128xf32>
    %squeeze3A_332 = vector.shape_cast %slice3A_331 : vector<1x1x128xf32> to vector<128xf32>
    %slice3A_333 = vector.extract_strided_slice %get3A_5 {offsets = [33, 1, 0], sizes = [1, 1, 128], strides = [1, 1, 1]} : vector<40x2x128xf32> to vector<1x1x128xf32>
    %squeeze3A_334 = vector.shape_cast %slice3A_333 : vector<1x1x128xf32> to vector<128xf32>
    %add3A_335 = arith.addf %squeeze3A_332, %squeeze3A_334 : vector<128xf32>
    %add3A_336 = arith.constant 1.000000e+00 : f32
    %add3A_337 = vector.broadcast %add3A_336 : f32 to vector<128xf32>
    %add3A_338 = arith.addf %add3A_335, %add3A_337 : vector<128xf32>
    %rsqrt3A_339 = math.rsqrt %add3A_338 : vector<128xf32>
    %broadcast_in_dim3A_340 = vector.shape_cast %rsqrt3A_339 : vector<128xf32> to vector<128x1xf32>
    %slice3A_341 = vector.extract_strided_slice %get3A_5 {offsets = [34, 0, 0], sizes = [1, 1, 128], strides = [1, 1, 1]} : vector<40x2x128xf32> to vector<1x1x128xf32>
    %squeeze3A_342 = vector.shape_cast %slice3A_341 : vector<1x1x128xf32> to vector<128xf32>
    %slice3A_343 = vector.extract_strided_slice %get3A_5 {offsets = [34, 1, 0], sizes = [1, 1, 128], strides = [1, 1, 1]} : vector<40x2x128xf32> to vector<1x1x128xf32>
    %squeeze3A_344 = vector.shape_cast %slice3A_343 : vector<1x1x128xf32> to vector<128xf32>
    %add3A_345 = arith.addf %squeeze3A_342, %squeeze3A_344 : vector<128xf32>
    %add3A_346 = arith.constant 1.000000e+00 : f32
    %add3A_347 = vector.broadcast %add3A_346 : f32 to vector<128xf32>
    %add3A_348 = arith.addf %add3A_345, %add3A_347 : vector<128xf32>
    %rsqrt3A_349 = math.rsqrt %add3A_348 : vector<128xf32>
    %broadcast_in_dim3A_350 = vector.shape_cast %rsqrt3A_349 : vector<128xf32> to vector<128x1xf32>
    %slice3A_351 = vector.extract_strided_slice %get3A_5 {offsets = [35, 0, 0], sizes = [1, 1, 128], strides = [1, 1, 1]} : vector<40x2x128xf32> to vector<1x1x128xf32>
    %squeeze3A_352 = vector.shape_cast %slice3A_351 : vector<1x1x128xf32> to vector<128xf32>
    %slice3A_353 = vector.extract_strided_slice %get3A_5 {offsets = [35, 1, 0], sizes = [1, 1, 128], strides = [1, 1, 1]} : vector<40x2x128xf32> to vector<1x1x128xf32>
    %squeeze3A_354 = vector.shape_cast %slice3A_353 : vector<1x1x128xf32> to vector<128xf32>
    %add3A_355 = arith.addf %squeeze3A_352, %squeeze3A_354 : vector<128xf32>
    %add3A_356 = arith.constant 1.000000e+00 : f32
    %add3A_357 = vector.broadcast %add3A_356 : f32 to vector<128xf32>
    %add3A_358 = arith.addf %add3A_355, %add3A_357 : vector<128xf32>
    %rsqrt3A_359 = math.rsqrt %add3A_358 : vector<128xf32>
    %broadcast_in_dim3A_360 = vector.shape_cast %rsqrt3A_359 : vector<128xf32> to vector<128x1xf32>
    %slice3A_361 = vector.extract_strided_slice %get3A_5 {offsets = [36, 0, 0], sizes = [1, 1, 128], strides = [1, 1, 1]} : vector<40x2x128xf32> to vector<1x1x128xf32>
    %squeeze3A_362 = vector.shape_cast %slice3A_361 : vector<1x1x128xf32> to vector<128xf32>
    %slice3A_363 = vector.extract_strided_slice %get3A_5 {offsets = [36, 1, 0], sizes = [1, 1, 128], strides = [1, 1, 1]} : vector<40x2x128xf32> to vector<1x1x128xf32>
    %squeeze3A_364 = vector.shape_cast %slice3A_363 : vector<1x1x128xf32> to vector<128xf32>
    %add3A_365 = arith.addf %squeeze3A_362, %squeeze3A_364 : vector<128xf32>
    %add3A_366 = arith.constant 1.000000e+00 : f32
    %add3A_367 = vector.broadcast %add3A_366 : f32 to vector<128xf32>
    %add3A_368 = arith.addf %add3A_365, %add3A_367 : vector<128xf32>
    %rsqrt3A_369 = math.rsqrt %add3A_368 : vector<128xf32>
    %broadcast_in_dim3A_370 = vector.shape_cast %rsqrt3A_369 : vector<128xf32> to vector<128x1xf32>
    %slice3A_371 = vector.extract_strided_slice %get3A_5 {offsets = [37, 0, 0], sizes = [1, 1, 128], strides = [1, 1, 1]} : vector<40x2x128xf32> to vector<1x1x128xf32>
    %squeeze3A_372 = vector.shape_cast %slice3A_371 : vector<1x1x128xf32> to vector<128xf32>
    %slice3A_373 = vector.extract_strided_slice %get3A_5 {offsets = [37, 1, 0], sizes = [1, 1, 128], strides = [1, 1, 1]} : vector<40x2x128xf32> to vector<1x1x128xf32>
    %squeeze3A_374 = vector.shape_cast %slice3A_373 : vector<1x1x128xf32> to vector<128xf32>
    %add3A_375 = arith.addf %squeeze3A_372, %squeeze3A_374 : vector<128xf32>
    %add3A_376 = arith.constant 1.000000e+00 : f32
    %add3A_377 = vector.broadcast %add3A_376 : f32 to vector<128xf32>
    %add3A_378 = arith.addf %add3A_375, %add3A_377 : vector<128xf32>
    %rsqrt3A_379 = math.rsqrt %add3A_378 : vector<128xf32>
    %broadcast_in_dim3A_380 = vector.shape_cast %rsqrt3A_379 : vector<128xf32> to vector<128x1xf32>
    %slice3A_381 = vector.extract_strided_slice %get3A_5 {offsets = [38, 0, 0], sizes = [1, 1, 128], strides = [1, 1, 1]} : vector<40x2x128xf32> to vector<1x1x128xf32>
    %squeeze3A_382 = vector.shape_cast %slice3A_381 : vector<1x1x128xf32> to vector<128xf32>
    %slice3A_383 = vector.extract_strided_slice %get3A_5 {offsets = [38, 1, 0], sizes = [1, 1, 128], strides = [1, 1, 1]} : vector<40x2x128xf32> to vector<1x1x128xf32>
    %squeeze3A_384 = vector.shape_cast %slice3A_383 : vector<1x1x128xf32> to vector<128xf32>
    %add3A_385 = arith.addf %squeeze3A_382, %squeeze3A_384 : vector<128xf32>
    %add3A_386 = arith.constant 1.000000e+00 : f32
    %add3A_387 = vector.broadcast %add3A_386 : f32 to vector<128xf32>
    %add3A_388 = arith.addf %add3A_385, %add3A_387 : vector<128xf32>
    %rsqrt3A_389 = math.rsqrt %add3A_388 : vector<128xf32>
    %broadcast_in_dim3A_390 = vector.shape_cast %rsqrt3A_389 : vector<128xf32> to vector<128x1xf32>
    %slice3A_391 = vector.extract_strided_slice %get3A_5 {offsets = [39, 0, 0], sizes = [1, 1, 128], strides = [1, 1, 1]} : vector<40x2x128xf32> to vector<1x1x128xf32>
    %squeeze3A_392 = vector.shape_cast %slice3A_391 : vector<1x1x128xf32> to vector<128xf32>
    %slice3A_393 = vector.extract_strided_slice %get3A_5 {offsets = [39, 1, 0], sizes = [1, 1, 128], strides = [1, 1, 1]} : vector<40x2x128xf32> to vector<1x1x128xf32>
    %squeeze3A_394 = vector.shape_cast %slice3A_393 : vector<1x1x128xf32> to vector<128xf32>
    %add3A_395 = arith.addf %squeeze3A_392, %squeeze3A_394 : vector<128xf32>
    %add3A_396 = arith.constant 1.000000e+00 : f32
    %add3A_397 = vector.broadcast %add3A_396 : f32 to vector<128xf32>
    %add3A_398 = arith.addf %add3A_395, %add3A_397 : vector<128xf32>
    %rsqrt3A_399 = math.rsqrt %add3A_398 : vector<128xf32>
    %broadcast_in_dim3A_400 = vector.shape_cast %rsqrt3A_399 : vector<128xf32> to vector<128x1xf32>
    %concatenate3A = tpu.concatenate %broadcast_in_dim3A, %broadcast_in_dim3A_20, %broadcast_in_dim3A_30, %broadcast_in_dim3A_40, %broadcast_in_dim3A_50, %broadcast_in_dim3A_60, %broadcast_in_dim3A_70, %broadcast_in_dim3A_80, %broadcast_in_dim3A_90, %broadcast_in_dim3A_100, %broadcast_in_dim3A_110, %broadcast_in_dim3A_120, %broadcast_in_dim3A_130, %broadcast_in_dim3A_140, %broadcast_in_dim3A_150, %broadcast_in_dim3A_160, %broadcast_in_dim3A_170, %broadcast_in_dim3A_180, %broadcast_in_dim3A_190, %broadcast_in_dim3A_200, %broadcast_in_dim3A_210, %broadcast_in_dim3A_220, %broadcast_in_dim3A_230, %broadcast_in_dim3A_240, %broadcast_in_dim3A_250, %broadcast_in_dim3A_260, %broadcast_in_dim3A_270, %broadcast_in_dim3A_280, %broadcast_in_dim3A_290, %broadcast_in_dim3A_300, %broadcast_in_dim3A_310, %broadcast_in_dim3A_320, %broadcast_in_dim3A_330, %broadcast_in_dim3A_340, %broadcast_in_dim3A_350, %broadcast_in_dim3A_360, %broadcast_in_dim3A_370, %broadcast_in_dim3A_380, %broadcast_in_dim3A_390, %broadcast_in_dim3A_400 in 0 : vector<128x1xf32>, vector<128x1xf32>, vector<128x1xf32>, vector<128x1xf32>, vector<128x1xf32>, vector<128x1xf32>, vector<128x1xf32>, vector<128x1xf32>, vector<128x1xf32>, vector<128x1xf32>, vector<128x1xf32>, vector<128x1xf32>, vector<128x1xf32>, vector<128x1xf32>, vector<128x1xf32>, vector<128x1xf32>, vector<128x1xf32>, vector<128x1xf32>, vector<128x1xf32>, vector<128x1xf32>, vector<128x1xf32>, vector<128x1xf32>, vector<128x1xf32>, vector<128x1xf32>, vector<128x1xf32>, vector<128x1xf32>, vector<128x1xf32>, vector<128x1xf32>, vector<128x1xf32>, vector<128x1xf32>, vector<128x1xf32>, vector<128x1xf32>, vector<128x1xf32>, vector<128x1xf32>, vector<128x1xf32>, vector<128x1xf32>, vector<128x1xf32>, vector<128x1xf32>, vector<128x1xf32>, vector<128x1xf32> -> vector<5120x1xf32>
    %mul3A = vector.broadcast %concatenate3A : vector<5120x1xf32> to vector<5120x128xf32>
    %mul3A_401 = arith.mulf %get3A_1, %mul3A : vector<5120x128xf32>
    %swap3A = arith.constant 0 : index
    %swap3A_402 = arith.constant 0 : index
    %swap3A_403 = vector.load %arg3[%swap3A, %swap3A_402] : memref<5120x128xf32, #tpu.memory_space<vmem>>, vector<5120x128xf32>
    tpu.vector_store %arg3[%swap3A, %swap3A_402], %mul3A_401 {strides = array<i32>} : memref<5120x128xf32, #tpu.memory_space<vmem>>, vector<5120x128xf32>,
    return
  }
  func.func @transform_0(%arg0: i32) -> (i32, i32) {
    %c0_i32 = arith.constant 0 : i32
    %c0_i32_0 = arith.constant 0 : i32
    return %arg0, %c0_i32 : i32, i32
  }
  func.func @transform_1(%arg0: i32) -> (i32, i32, i32) {
    %c0_i32 = arith.constant 0 : i32
    %c0_i32_0 = arith.constant 0 : i32
    %c0_i32_1 = arith.constant 0 : i32
    return %arg0, %c0_i32, %c0_i32_0 : i32, i32, i32
  }
  func.func @transform_2(%arg0: i32) -> (i32, i32) {
    %c0_i32 = arith.constant 0 : i32
    %c0_i32_0 = arith.constant 0 : i32
    return %arg0, %c0_i32 : i32, i32
  }
}

module attributes {stable_mosaic.version = 14 : i64} {
  func.func @_k2_body(%arg0: i32, %arg1: memref<2x5120x128xf32, #tpu.memory_space<vmem>>, %arg2: memref<5120x128xf32, #tpu.memory_space<vmem>>, %arg3: memref<40x2x128xf32, #tpu.memory_space<vmem>>, %arg4: memref<1x128xf32, #tpu.memory_space<vmem>>, %arg5: memref<128x128xf32, #tpu.memory_space<vmem>>, %arg6: memref<5120x128xf32, #tpu.memory_space<vmem>>) attributes {dimension_semantics = [#tpu.dimension_semantics<arbitrary>], iteration_bounds = array<i64: 2>, scalar_prefetch = 0 : i64, scratch_operands = 0 : i64, tpu.core_type = #tpu.core_type<tc>, window_params = [{transform_indices = @transform_0, window_bounds = array<i64: 2, 5120, 128>}, {transform_indices = @transform_1, window_bounds = array<i64: 5120, 128>}, {transform_indices = @transform_2, window_bounds = array<i64: 40, 2, 128>}, {pipeline_mode = #tpu.pipeline_mode<synchronous>, transform_indices = @transform_3, window_bounds = array<i64: 1, 128>}, {pipeline_mode = #tpu.pipeline_mode<synchronous>, transform_indices = @transform_4, window_bounds = array<i64: 128, 128>}, {transform_indices = @transform_5, window_bounds = array<i64: 5120, 128>}]} {
    %get3A = arith.constant 0 : index
    %get3A_0 = arith.constant 0 : index
    %get3A_1 = arith.constant 0 : index
    %get3A_2 = vector.load %arg3[%get3A, %get3A_0, %get3A_1] : memref<40x2x128xf32, #tpu.memory_space<vmem>>, vector<40x2x128xf32>
    %slice3A = vector.extract_strided_slice %get3A_2 {offsets = [0, 0, 0], sizes = [1, 1, 128], strides = [1, 1, 1]} : vector<40x2x128xf32> to vector<1x1x128xf32>
    %squeeze3A = vector.shape_cast %slice3A : vector<1x1x128xf32> to vector<128xf32>
    %slice3A_3 = vector.extract_strided_slice %get3A_2 {offsets = [0, 1, 0], sizes = [1, 1, 128], strides = [1, 1, 1]} : vector<40x2x128xf32> to vector<1x1x128xf32>
    %squeeze3A_4 = vector.shape_cast %slice3A_3 : vector<1x1x128xf32> to vector<128xf32>
    %add3A = arith.addf %squeeze3A, %squeeze3A_4 : vector<128xf32>
    %add3A_5 = arith.constant 1.000000e+00 : f32
    %add3A_6 = vector.broadcast %add3A_5 : f32 to vector<128xf32>
    %add3A_7 = arith.addf %add3A, %add3A_6 : vector<128xf32>
    %rsqrt3A = math.rsqrt %add3A_7 : vector<128xf32>
    %broadcast_in_dim3A = vector.shape_cast %rsqrt3A : vector<128xf32> to vector<128x1xf32>
    %slice3A_8 = vector.extract_strided_slice %get3A_2 {offsets = [1, 0, 0], sizes = [1, 1, 128], strides = [1, 1, 1]} : vector<40x2x128xf32> to vector<1x1x128xf32>
    %squeeze3A_9 = vector.shape_cast %slice3A_8 : vector<1x1x128xf32> to vector<128xf32>
    %slice3A_10 = vector.extract_strided_slice %get3A_2 {offsets = [1, 1, 0], sizes = [1, 1, 128], strides = [1, 1, 1]} : vector<40x2x128xf32> to vector<1x1x128xf32>
    %squeeze3A_11 = vector.shape_cast %slice3A_10 : vector<1x1x128xf32> to vector<128xf32>
    %add3A_12 = arith.addf %squeeze3A_9, %squeeze3A_11 : vector<128xf32>
    %add3A_13 = arith.constant 1.000000e+00 : f32
    %add3A_14 = vector.broadcast %add3A_13 : f32 to vector<128xf32>
    %add3A_15 = arith.addf %add3A_12, %add3A_14 : vector<128xf32>
    %rsqrt3A_16 = math.rsqrt %add3A_15 : vector<128xf32>
    %broadcast_in_dim3A_17 = vector.shape_cast %rsqrt3A_16 : vector<128xf32> to vector<128x1xf32>
    %slice3A_18 = vector.extract_strided_slice %get3A_2 {offsets = [2, 0, 0], sizes = [1, 1, 128], strides = [1, 1, 1]} : vector<40x2x128xf32> to vector<1x1x128xf32>
    %squeeze3A_19 = vector.shape_cast %slice3A_18 : vector<1x1x128xf32> to vector<128xf32>
    %slice3A_20 = vector.extract_strided_slice %get3A_2 {offsets = [2, 1, 0], sizes = [1, 1, 128], strides = [1, 1, 1]} : vector<40x2x128xf32> to vector<1x1x128xf32>
    %squeeze3A_21 = vector.shape_cast %slice3A_20 : vector<1x1x128xf32> to vector<128xf32>
    %add3A_22 = arith.addf %squeeze3A_19, %squeeze3A_21 : vector<128xf32>
    %add3A_23 = arith.constant 1.000000e+00 : f32
    %add3A_24 = vector.broadcast %add3A_23 : f32 to vector<128xf32>
    %add3A_25 = arith.addf %add3A_22, %add3A_24 : vector<128xf32>
    %rsqrt3A_26 = math.rsqrt %add3A_25 : vector<128xf32>
    %broadcast_in_dim3A_27 = vector.shape_cast %rsqrt3A_26 : vector<128xf32> to vector<128x1xf32>
    %slice3A_28 = vector.extract_strided_slice %get3A_2 {offsets = [3, 0, 0], sizes = [1, 1, 128], strides = [1, 1, 1]} : vector<40x2x128xf32> to vector<1x1x128xf32>
    %squeeze3A_29 = vector.shape_cast %slice3A_28 : vector<1x1x128xf32> to vector<128xf32>
    %slice3A_30 = vector.extract_strided_slice %get3A_2 {offsets = [3, 1, 0], sizes = [1, 1, 128], strides = [1, 1, 1]} : vector<40x2x128xf32> to vector<1x1x128xf32>
    %squeeze3A_31 = vector.shape_cast %slice3A_30 : vector<1x1x128xf32> to vector<128xf32>
    %add3A_32 = arith.addf %squeeze3A_29, %squeeze3A_31 : vector<128xf32>
    %add3A_33 = arith.constant 1.000000e+00 : f32
    %add3A_34 = vector.broadcast %add3A_33 : f32 to vector<128xf32>
    %add3A_35 = arith.addf %add3A_32, %add3A_34 : vector<128xf32>
    %rsqrt3A_36 = math.rsqrt %add3A_35 : vector<128xf32>
    %broadcast_in_dim3A_37 = vector.shape_cast %rsqrt3A_36 : vector<128xf32> to vector<128x1xf32>
    %slice3A_38 = vector.extract_strided_slice %get3A_2 {offsets = [4, 0, 0], sizes = [1, 1, 128], strides = [1, 1, 1]} : vector<40x2x128xf32> to vector<1x1x128xf32>
    %squeeze3A_39 = vector.shape_cast %slice3A_38 : vector<1x1x128xf32> to vector<128xf32>
    %slice3A_40 = vector.extract_strided_slice %get3A_2 {offsets = [4, 1, 0], sizes = [1, 1, 128], strides = [1, 1, 1]} : vector<40x2x128xf32> to vector<1x1x128xf32>
    %squeeze3A_41 = vector.shape_cast %slice3A_40 : vector<1x1x128xf32> to vector<128xf32>
    %add3A_42 = arith.addf %squeeze3A_39, %squeeze3A_41 : vector<128xf32>
    %add3A_43 = arith.constant 1.000000e+00 : f32
    %add3A_44 = vector.broadcast %add3A_43 : f32 to vector<128xf32>
    %add3A_45 = arith.addf %add3A_42, %add3A_44 : vector<128xf32>
    %rsqrt3A_46 = math.rsqrt %add3A_45 : vector<128xf32>
    %broadcast_in_dim3A_47 = vector.shape_cast %rsqrt3A_46 : vector<128xf32> to vector<128x1xf32>
    %slice3A_48 = vector.extract_strided_slice %get3A_2 {offsets = [5, 0, 0], sizes = [1, 1, 128], strides = [1, 1, 1]} : vector<40x2x128xf32> to vector<1x1x128xf32>
    %squeeze3A_49 = vector.shape_cast %slice3A_48 : vector<1x1x128xf32> to vector<128xf32>
    %slice3A_50 = vector.extract_strided_slice %get3A_2 {offsets = [5, 1, 0], sizes = [1, 1, 128], strides = [1, 1, 1]} : vector<40x2x128xf32> to vector<1x1x128xf32>
    %squeeze3A_51 = vector.shape_cast %slice3A_50 : vector<1x1x128xf32> to vector<128xf32>
    %add3A_52 = arith.addf %squeeze3A_49, %squeeze3A_51 : vector<128xf32>
    %add3A_53 = arith.constant 1.000000e+00 : f32
    %add3A_54 = vector.broadcast %add3A_53 : f32 to vector<128xf32>
    %add3A_55 = arith.addf %add3A_52, %add3A_54 : vector<128xf32>
    %rsqrt3A_56 = math.rsqrt %add3A_55 : vector<128xf32>
    %broadcast_in_dim3A_57 = vector.shape_cast %rsqrt3A_56 : vector<128xf32> to vector<128x1xf32>
    %slice3A_58 = vector.extract_strided_slice %get3A_2 {offsets = [6, 0, 0], sizes = [1, 1, 128], strides = [1, 1, 1]} : vector<40x2x128xf32> to vector<1x1x128xf32>
    %squeeze3A_59 = vector.shape_cast %slice3A_58 : vector<1x1x128xf32> to vector<128xf32>
    %slice3A_60 = vector.extract_strided_slice %get3A_2 {offsets = [6, 1, 0], sizes = [1, 1, 128], strides = [1, 1, 1]} : vector<40x2x128xf32> to vector<1x1x128xf32>
    %squeeze3A_61 = vector.shape_cast %slice3A_60 : vector<1x1x128xf32> to vector<128xf32>
    %add3A_62 = arith.addf %squeeze3A_59, %squeeze3A_61 : vector<128xf32>
    %add3A_63 = arith.constant 1.000000e+00 : f32
    %add3A_64 = vector.broadcast %add3A_63 : f32 to vector<128xf32>
    %add3A_65 = arith.addf %add3A_62, %add3A_64 : vector<128xf32>
    %rsqrt3A_66 = math.rsqrt %add3A_65 : vector<128xf32>
    %broadcast_in_dim3A_67 = vector.shape_cast %rsqrt3A_66 : vector<128xf32> to vector<128x1xf32>
    %slice3A_68 = vector.extract_strided_slice %get3A_2 {offsets = [7, 0, 0], sizes = [1, 1, 128], strides = [1, 1, 1]} : vector<40x2x128xf32> to vector<1x1x128xf32>
    %squeeze3A_69 = vector.shape_cast %slice3A_68 : vector<1x1x128xf32> to vector<128xf32>
    %slice3A_70 = vector.extract_strided_slice %get3A_2 {offsets = [7, 1, 0], sizes = [1, 1, 128], strides = [1, 1, 1]} : vector<40x2x128xf32> to vector<1x1x128xf32>
    %squeeze3A_71 = vector.shape_cast %slice3A_70 : vector<1x1x128xf32> to vector<128xf32>
    %add3A_72 = arith.addf %squeeze3A_69, %squeeze3A_71 : vector<128xf32>
    %add3A_73 = arith.constant 1.000000e+00 : f32
    %add3A_74 = vector.broadcast %add3A_73 : f32 to vector<128xf32>
    %add3A_75 = arith.addf %add3A_72, %add3A_74 : vector<128xf32>
    %rsqrt3A_76 = math.rsqrt %add3A_75 : vector<128xf32>
    %broadcast_in_dim3A_77 = vector.shape_cast %rsqrt3A_76 : vector<128xf32> to vector<128x1xf32>
    %slice3A_78 = vector.extract_strided_slice %get3A_2 {offsets = [8, 0, 0], sizes = [1, 1, 128], strides = [1, 1, 1]} : vector<40x2x128xf32> to vector<1x1x128xf32>
    %squeeze3A_79 = vector.shape_cast %slice3A_78 : vector<1x1x128xf32> to vector<128xf32>
    %slice3A_80 = vector.extract_strided_slice %get3A_2 {offsets = [8, 1, 0], sizes = [1, 1, 128], strides = [1, 1, 1]} : vector<40x2x128xf32> to vector<1x1x128xf32>
    %squeeze3A_81 = vector.shape_cast %slice3A_80 : vector<1x1x128xf32> to vector<128xf32>
    %add3A_82 = arith.addf %squeeze3A_79, %squeeze3A_81 : vector<128xf32>
    %add3A_83 = arith.constant 1.000000e+00 : f32
    %add3A_84 = vector.broadcast %add3A_83 : f32 to vector<128xf32>
    %add3A_85 = arith.addf %add3A_82, %add3A_84 : vector<128xf32>
    %rsqrt3A_86 = math.rsqrt %add3A_85 : vector<128xf32>
    %broadcast_in_dim3A_87 = vector.shape_cast %rsqrt3A_86 : vector<128xf32> to vector<128x1xf32>
    %slice3A_88 = vector.extract_strided_slice %get3A_2 {offsets = [9, 0, 0], sizes = [1, 1, 128], strides = [1, 1, 1]} : vector<40x2x128xf32> to vector<1x1x128xf32>
    %squeeze3A_89 = vector.shape_cast %slice3A_88 : vector<1x1x128xf32> to vector<128xf32>
    %slice3A_90 = vector.extract_strided_slice %get3A_2 {offsets = [9, 1, 0], sizes = [1, 1, 128], strides = [1, 1, 1]} : vector<40x2x128xf32> to vector<1x1x128xf32>
    %squeeze3A_91 = vector.shape_cast %slice3A_90 : vector<1x1x128xf32> to vector<128xf32>
    %add3A_92 = arith.addf %squeeze3A_89, %squeeze3A_91 : vector<128xf32>
    %add3A_93 = arith.constant 1.000000e+00 : f32
    %add3A_94 = vector.broadcast %add3A_93 : f32 to vector<128xf32>
    %add3A_95 = arith.addf %add3A_92, %add3A_94 : vector<128xf32>
    %rsqrt3A_96 = math.rsqrt %add3A_95 : vector<128xf32>
    %broadcast_in_dim3A_97 = vector.shape_cast %rsqrt3A_96 : vector<128xf32> to vector<128x1xf32>
    %slice3A_98 = vector.extract_strided_slice %get3A_2 {offsets = [10, 0, 0], sizes = [1, 1, 128], strides = [1, 1, 1]} : vector<40x2x128xf32> to vector<1x1x128xf32>
    %squeeze3A_99 = vector.shape_cast %slice3A_98 : vector<1x1x128xf32> to vector<128xf32>
    %slice3A_100 = vector.extract_strided_slice %get3A_2 {offsets = [10, 1, 0], sizes = [1, 1, 128], strides = [1, 1, 1]} : vector<40x2x128xf32> to vector<1x1x128xf32>
    %squeeze3A_101 = vector.shape_cast %slice3A_100 : vector<1x1x128xf32> to vector<128xf32>
    %add3A_102 = arith.addf %squeeze3A_99, %squeeze3A_101 : vector<128xf32>
    %add3A_103 = arith.constant 1.000000e+00 : f32
    %add3A_104 = vector.broadcast %add3A_103 : f32 to vector<128xf32>
    %add3A_105 = arith.addf %add3A_102, %add3A_104 : vector<128xf32>
    %rsqrt3A_106 = math.rsqrt %add3A_105 : vector<128xf32>
    %broadcast_in_dim3A_107 = vector.shape_cast %rsqrt3A_106 : vector<128xf32> to vector<128x1xf32>
    %slice3A_108 = vector.extract_strided_slice %get3A_2 {offsets = [11, 0, 0], sizes = [1, 1, 128], strides = [1, 1, 1]} : vector<40x2x128xf32> to vector<1x1x128xf32>
    %squeeze3A_109 = vector.shape_cast %slice3A_108 : vector<1x1x128xf32> to vector<128xf32>
    %slice3A_110 = vector.extract_strided_slice %get3A_2 {offsets = [11, 1, 0], sizes = [1, 1, 128], strides = [1, 1, 1]} : vector<40x2x128xf32> to vector<1x1x128xf32>
    %squeeze3A_111 = vector.shape_cast %slice3A_110 : vector<1x1x128xf32> to vector<128xf32>
    %add3A_112 = arith.addf %squeeze3A_109, %squeeze3A_111 : vector<128xf32>
    %add3A_113 = arith.constant 1.000000e+00 : f32
    %add3A_114 = vector.broadcast %add3A_113 : f32 to vector<128xf32>
    %add3A_115 = arith.addf %add3A_112, %add3A_114 : vector<128xf32>
    %rsqrt3A_116 = math.rsqrt %add3A_115 : vector<128xf32>
    %broadcast_in_dim3A_117 = vector.shape_cast %rsqrt3A_116 : vector<128xf32> to vector<128x1xf32>
    %slice3A_118 = vector.extract_strided_slice %get3A_2 {offsets = [12, 0, 0], sizes = [1, 1, 128], strides = [1, 1, 1]} : vector<40x2x128xf32> to vector<1x1x128xf32>
    %squeeze3A_119 = vector.shape_cast %slice3A_118 : vector<1x1x128xf32> to vector<128xf32>
    %slice3A_120 = vector.extract_strided_slice %get3A_2 {offsets = [12, 1, 0], sizes = [1, 1, 128], strides = [1, 1, 1]} : vector<40x2x128xf32> to vector<1x1x128xf32>
    %squeeze3A_121 = vector.shape_cast %slice3A_120 : vector<1x1x128xf32> to vector<128xf32>
    %add3A_122 = arith.addf %squeeze3A_119, %squeeze3A_121 : vector<128xf32>
    %add3A_123 = arith.constant 1.000000e+00 : f32
    %add3A_124 = vector.broadcast %add3A_123 : f32 to vector<128xf32>
    %add3A_125 = arith.addf %add3A_122, %add3A_124 : vector<128xf32>
    %rsqrt3A_126 = math.rsqrt %add3A_125 : vector<128xf32>
    %broadcast_in_dim3A_127 = vector.shape_cast %rsqrt3A_126 : vector<128xf32> to vector<128x1xf32>
    %slice3A_128 = vector.extract_strided_slice %get3A_2 {offsets = [13, 0, 0], sizes = [1, 1, 128], strides = [1, 1, 1]} : vector<40x2x128xf32> to vector<1x1x128xf32>
    %squeeze3A_129 = vector.shape_cast %slice3A_128 : vector<1x1x128xf32> to vector<128xf32>
    %slice3A_130 = vector.extract_strided_slice %get3A_2 {offsets = [13, 1, 0], sizes = [1, 1, 128], strides = [1, 1, 1]} : vector<40x2x128xf32> to vector<1x1x128xf32>
    %squeeze3A_131 = vector.shape_cast %slice3A_130 : vector<1x1x128xf32> to vector<128xf32>
    %add3A_132 = arith.addf %squeeze3A_129, %squeeze3A_131 : vector<128xf32>
    %add3A_133 = arith.constant 1.000000e+00 : f32
    %add3A_134 = vector.broadcast %add3A_133 : f32 to vector<128xf32>
    %add3A_135 = arith.addf %add3A_132, %add3A_134 : vector<128xf32>
    %rsqrt3A_136 = math.rsqrt %add3A_135 : vector<128xf32>
    %broadcast_in_dim3A_137 = vector.shape_cast %rsqrt3A_136 : vector<128xf32> to vector<128x1xf32>
    %slice3A_138 = vector.extract_strided_slice %get3A_2 {offsets = [14, 0, 0], sizes = [1, 1, 128], strides = [1, 1, 1]} : vector<40x2x128xf32> to vector<1x1x128xf32>
    %squeeze3A_139 = vector.shape_cast %slice3A_138 : vector<1x1x128xf32> to vector<128xf32>
    %slice3A_140 = vector.extract_strided_slice %get3A_2 {offsets = [14, 1, 0], sizes = [1, 1, 128], strides = [1, 1, 1]} : vector<40x2x128xf32> to vector<1x1x128xf32>
    %squeeze3A_141 = vector.shape_cast %slice3A_140 : vector<1x1x128xf32> to vector<128xf32>
    %add3A_142 = arith.addf %squeeze3A_139, %squeeze3A_141 : vector<128xf32>
    %add3A_143 = arith.constant 1.000000e+00 : f32
    %add3A_144 = vector.broadcast %add3A_143 : f32 to vector<128xf32>
    %add3A_145 = arith.addf %add3A_142, %add3A_144 : vector<128xf32>
    %rsqrt3A_146 = math.rsqrt %add3A_145 : vector<128xf32>
    %broadcast_in_dim3A_147 = vector.shape_cast %rsqrt3A_146 : vector<128xf32> to vector<128x1xf32>
    %slice3A_148 = vector.extract_strided_slice %get3A_2 {offsets = [15, 0, 0], sizes = [1, 1, 128], strides = [1, 1, 1]} : vector<40x2x128xf32> to vector<1x1x128xf32>
    %squeeze3A_149 = vector.shape_cast %slice3A_148 : vector<1x1x128xf32> to vector<128xf32>
    %slice3A_150 = vector.extract_strided_slice %get3A_2 {offsets = [15, 1, 0], sizes = [1, 1, 128], strides = [1, 1, 1]} : vector<40x2x128xf32> to vector<1x1x128xf32>
    %squeeze3A_151 = vector.shape_cast %slice3A_150 : vector<1x1x128xf32> to vector<128xf32>
    %add3A_152 = arith.addf %squeeze3A_149, %squeeze3A_151 : vector<128xf32>
    %add3A_153 = arith.constant 1.000000e+00 : f32
    %add3A_154 = vector.broadcast %add3A_153 : f32 to vector<128xf32>
    %add3A_155 = arith.addf %add3A_152, %add3A_154 : vector<128xf32>
    %rsqrt3A_156 = math.rsqrt %add3A_155 : vector<128xf32>
    %broadcast_in_dim3A_157 = vector.shape_cast %rsqrt3A_156 : vector<128xf32> to vector<128x1xf32>
    %slice3A_158 = vector.extract_strided_slice %get3A_2 {offsets = [16, 0, 0], sizes = [1, 1, 128], strides = [1, 1, 1]} : vector<40x2x128xf32> to vector<1x1x128xf32>
    %squeeze3A_159 = vector.shape_cast %slice3A_158 : vector<1x1x128xf32> to vector<128xf32>
    %slice3A_160 = vector.extract_strided_slice %get3A_2 {offsets = [16, 1, 0], sizes = [1, 1, 128], strides = [1, 1, 1]} : vector<40x2x128xf32> to vector<1x1x128xf32>
    %squeeze3A_161 = vector.shape_cast %slice3A_160 : vector<1x1x128xf32> to vector<128xf32>
    %add3A_162 = arith.addf %squeeze3A_159, %squeeze3A_161 : vector<128xf32>
    %add3A_163 = arith.constant 1.000000e+00 : f32
    %add3A_164 = vector.broadcast %add3A_163 : f32 to vector<128xf32>
    %add3A_165 = arith.addf %add3A_162, %add3A_164 : vector<128xf32>
    %rsqrt3A_166 = math.rsqrt %add3A_165 : vector<128xf32>
    %broadcast_in_dim3A_167 = vector.shape_cast %rsqrt3A_166 : vector<128xf32> to vector<128x1xf32>
    %slice3A_168 = vector.extract_strided_slice %get3A_2 {offsets = [17, 0, 0], sizes = [1, 1, 128], strides = [1, 1, 1]} : vector<40x2x128xf32> to vector<1x1x128xf32>
    %squeeze3A_169 = vector.shape_cast %slice3A_168 : vector<1x1x128xf32> to vector<128xf32>
    %slice3A_170 = vector.extract_strided_slice %get3A_2 {offsets = [17, 1, 0], sizes = [1, 1, 128], strides = [1, 1, 1]} : vector<40x2x128xf32> to vector<1x1x128xf32>
    %squeeze3A_171 = vector.shape_cast %slice3A_170 : vector<1x1x128xf32> to vector<128xf32>
    %add3A_172 = arith.addf %squeeze3A_169, %squeeze3A_171 : vector<128xf32>
    %add3A_173 = arith.constant 1.000000e+00 : f32
    %add3A_174 = vector.broadcast %add3A_173 : f32 to vector<128xf32>
    %add3A_175 = arith.addf %add3A_172, %add3A_174 : vector<128xf32>
    %rsqrt3A_176 = math.rsqrt %add3A_175 : vector<128xf32>
    %broadcast_in_dim3A_177 = vector.shape_cast %rsqrt3A_176 : vector<128xf32> to vector<128x1xf32>
    %slice3A_178 = vector.extract_strided_slice %get3A_2 {offsets = [18, 0, 0], sizes = [1, 1, 128], strides = [1, 1, 1]} : vector<40x2x128xf32> to vector<1x1x128xf32>
    %squeeze3A_179 = vector.shape_cast %slice3A_178 : vector<1x1x128xf32> to vector<128xf32>
    %slice3A_180 = vector.extract_strided_slice %get3A_2 {offsets = [18, 1, 0], sizes = [1, 1, 128], strides = [1, 1, 1]} : vector<40x2x128xf32> to vector<1x1x128xf32>
    %squeeze3A_181 = vector.shape_cast %slice3A_180 : vector<1x1x128xf32> to vector<128xf32>
    %add3A_182 = arith.addf %squeeze3A_179, %squeeze3A_181 : vector<128xf32>
    %add3A_183 = arith.constant 1.000000e+00 : f32
    %add3A_184 = vector.broadcast %add3A_183 : f32 to vector<128xf32>
    %add3A_185 = arith.addf %add3A_182, %add3A_184 : vector<128xf32>
    %rsqrt3A_186 = math.rsqrt %add3A_185 : vector<128xf32>
    %broadcast_in_dim3A_187 = vector.shape_cast %rsqrt3A_186 : vector<128xf32> to vector<128x1xf32>
    %slice3A_188 = vector.extract_strided_slice %get3A_2 {offsets = [19, 0, 0], sizes = [1, 1, 128], strides = [1, 1, 1]} : vector<40x2x128xf32> to vector<1x1x128xf32>
    %squeeze3A_189 = vector.shape_cast %slice3A_188 : vector<1x1x128xf32> to vector<128xf32>
    %slice3A_190 = vector.extract_strided_slice %get3A_2 {offsets = [19, 1, 0], sizes = [1, 1, 128], strides = [1, 1, 1]} : vector<40x2x128xf32> to vector<1x1x128xf32>
    %squeeze3A_191 = vector.shape_cast %slice3A_190 : vector<1x1x128xf32> to vector<128xf32>
    %add3A_192 = arith.addf %squeeze3A_189, %squeeze3A_191 : vector<128xf32>
    %add3A_193 = arith.constant 1.000000e+00 : f32
    %add3A_194 = vector.broadcast %add3A_193 : f32 to vector<128xf32>
    %add3A_195 = arith.addf %add3A_192, %add3A_194 : vector<128xf32>
    %rsqrt3A_196 = math.rsqrt %add3A_195 : vector<128xf32>
    %broadcast_in_dim3A_197 = vector.shape_cast %rsqrt3A_196 : vector<128xf32> to vector<128x1xf32>
    %slice3A_198 = vector.extract_strided_slice %get3A_2 {offsets = [20, 0, 0], sizes = [1, 1, 128], strides = [1, 1, 1]} : vector<40x2x128xf32> to vector<1x1x128xf32>
    %squeeze3A_199 = vector.shape_cast %slice3A_198 : vector<1x1x128xf32> to vector<128xf32>
    %slice3A_200 = vector.extract_strided_slice %get3A_2 {offsets = [20, 1, 0], sizes = [1, 1, 128], strides = [1, 1, 1]} : vector<40x2x128xf32> to vector<1x1x128xf32>
    %squeeze3A_201 = vector.shape_cast %slice3A_200 : vector<1x1x128xf32> to vector<128xf32>
    %add3A_202 = arith.addf %squeeze3A_199, %squeeze3A_201 : vector<128xf32>
    %add3A_203 = arith.constant 1.000000e+00 : f32
    %add3A_204 = vector.broadcast %add3A_203 : f32 to vector<128xf32>
    %add3A_205 = arith.addf %add3A_202, %add3A_204 : vector<128xf32>
    %rsqrt3A_206 = math.rsqrt %add3A_205 : vector<128xf32>
    %broadcast_in_dim3A_207 = vector.shape_cast %rsqrt3A_206 : vector<128xf32> to vector<128x1xf32>
    %slice3A_208 = vector.extract_strided_slice %get3A_2 {offsets = [21, 0, 0], sizes = [1, 1, 128], strides = [1, 1, 1]} : vector<40x2x128xf32> to vector<1x1x128xf32>
    %squeeze3A_209 = vector.shape_cast %slice3A_208 : vector<1x1x128xf32> to vector<128xf32>
    %slice3A_210 = vector.extract_strided_slice %get3A_2 {offsets = [21, 1, 0], sizes = [1, 1, 128], strides = [1, 1, 1]} : vector<40x2x128xf32> to vector<1x1x128xf32>
    %squeeze3A_211 = vector.shape_cast %slice3A_210 : vector<1x1x128xf32> to vector<128xf32>
    %add3A_212 = arith.addf %squeeze3A_209, %squeeze3A_211 : vector<128xf32>
    %add3A_213 = arith.constant 1.000000e+00 : f32
    %add3A_214 = vector.broadcast %add3A_213 : f32 to vector<128xf32>
    %add3A_215 = arith.addf %add3A_212, %add3A_214 : vector<128xf32>
    %rsqrt3A_216 = math.rsqrt %add3A_215 : vector<128xf32>
    %broadcast_in_dim3A_217 = vector.shape_cast %rsqrt3A_216 : vector<128xf32> to vector<128x1xf32>
    %slice3A_218 = vector.extract_strided_slice %get3A_2 {offsets = [22, 0, 0], sizes = [1, 1, 128], strides = [1, 1, 1]} : vector<40x2x128xf32> to vector<1x1x128xf32>
    %squeeze3A_219 = vector.shape_cast %slice3A_218 : vector<1x1x128xf32> to vector<128xf32>
    %slice3A_220 = vector.extract_strided_slice %get3A_2 {offsets = [22, 1, 0], sizes = [1, 1, 128], strides = [1, 1, 1]} : vector<40x2x128xf32> to vector<1x1x128xf32>
    %squeeze3A_221 = vector.shape_cast %slice3A_220 : vector<1x1x128xf32> to vector<128xf32>
    %add3A_222 = arith.addf %squeeze3A_219, %squeeze3A_221 : vector<128xf32>
    %add3A_223 = arith.constant 1.000000e+00 : f32
    %add3A_224 = vector.broadcast %add3A_223 : f32 to vector<128xf32>
    %add3A_225 = arith.addf %add3A_222, %add3A_224 : vector<128xf32>
    %rsqrt3A_226 = math.rsqrt %add3A_225 : vector<128xf32>
    %broadcast_in_dim3A_227 = vector.shape_cast %rsqrt3A_226 : vector<128xf32> to vector<128x1xf32>
    %slice3A_228 = vector.extract_strided_slice %get3A_2 {offsets = [23, 0, 0], sizes = [1, 1, 128], strides = [1, 1, 1]} : vector<40x2x128xf32> to vector<1x1x128xf32>
    %squeeze3A_229 = vector.shape_cast %slice3A_228 : vector<1x1x128xf32> to vector<128xf32>
    %slice3A_230 = vector.extract_strided_slice %get3A_2 {offsets = [23, 1, 0], sizes = [1, 1, 128], strides = [1, 1, 1]} : vector<40x2x128xf32> to vector<1x1x128xf32>
    %squeeze3A_231 = vector.shape_cast %slice3A_230 : vector<1x1x128xf32> to vector<128xf32>
    %add3A_232 = arith.addf %squeeze3A_229, %squeeze3A_231 : vector<128xf32>
    %add3A_233 = arith.constant 1.000000e+00 : f32
    %add3A_234 = vector.broadcast %add3A_233 : f32 to vector<128xf32>
    %add3A_235 = arith.addf %add3A_232, %add3A_234 : vector<128xf32>
    %rsqrt3A_236 = math.rsqrt %add3A_235 : vector<128xf32>
    %broadcast_in_dim3A_237 = vector.shape_cast %rsqrt3A_236 : vector<128xf32> to vector<128x1xf32>
    %slice3A_238 = vector.extract_strided_slice %get3A_2 {offsets = [24, 0, 0], sizes = [1, 1, 128], strides = [1, 1, 1]} : vector<40x2x128xf32> to vector<1x1x128xf32>
    %squeeze3A_239 = vector.shape_cast %slice3A_238 : vector<1x1x128xf32> to vector<128xf32>
    %slice3A_240 = vector.extract_strided_slice %get3A_2 {offsets = [24, 1, 0], sizes = [1, 1, 128], strides = [1, 1, 1]} : vector<40x2x128xf32> to vector<1x1x128xf32>
    %squeeze3A_241 = vector.shape_cast %slice3A_240 : vector<1x1x128xf32> to vector<128xf32>
    %add3A_242 = arith.addf %squeeze3A_239, %squeeze3A_241 : vector<128xf32>
    %add3A_243 = arith.constant 1.000000e+00 : f32
    %add3A_244 = vector.broadcast %add3A_243 : f32 to vector<128xf32>
    %add3A_245 = arith.addf %add3A_242, %add3A_244 : vector<128xf32>
    %rsqrt3A_246 = math.rsqrt %add3A_245 : vector<128xf32>
    %broadcast_in_dim3A_247 = vector.shape_cast %rsqrt3A_246 : vector<128xf32> to vector<128x1xf32>
    %slice3A_248 = vector.extract_strided_slice %get3A_2 {offsets = [25, 0, 0], sizes = [1, 1, 128], strides = [1, 1, 1]} : vector<40x2x128xf32> to vector<1x1x128xf32>
    %squeeze3A_249 = vector.shape_cast %slice3A_248 : vector<1x1x128xf32> to vector<128xf32>
    %slice3A_250 = vector.extract_strided_slice %get3A_2 {offsets = [25, 1, 0], sizes = [1, 1, 128], strides = [1, 1, 1]} : vector<40x2x128xf32> to vector<1x1x128xf32>
    %squeeze3A_251 = vector.shape_cast %slice3A_250 : vector<1x1x128xf32> to vector<128xf32>
    %add3A_252 = arith.addf %squeeze3A_249, %squeeze3A_251 : vector<128xf32>
    %add3A_253 = arith.constant 1.000000e+00 : f32
    %add3A_254 = vector.broadcast %add3A_253 : f32 to vector<128xf32>
    %add3A_255 = arith.addf %add3A_252, %add3A_254 : vector<128xf32>
    %rsqrt3A_256 = math.rsqrt %add3A_255 : vector<128xf32>
    %broadcast_in_dim3A_257 = vector.shape_cast %rsqrt3A_256 : vector<128xf32> to vector<128x1xf32>
    %slice3A_258 = vector.extract_strided_slice %get3A_2 {offsets = [26, 0, 0], sizes = [1, 1, 128], strides = [1, 1, 1]} : vector<40x2x128xf32> to vector<1x1x128xf32>
    %squeeze3A_259 = vector.shape_cast %slice3A_258 : vector<1x1x128xf32> to vector<128xf32>
    %slice3A_260 = vector.extract_strided_slice %get3A_2 {offsets = [26, 1, 0], sizes = [1, 1, 128], strides = [1, 1, 1]} : vector<40x2x128xf32> to vector<1x1x128xf32>
    %squeeze3A_261 = vector.shape_cast %slice3A_260 : vector<1x1x128xf32> to vector<128xf32>
    %add3A_262 = arith.addf %squeeze3A_259, %squeeze3A_261 : vector<128xf32>
    %add3A_263 = arith.constant 1.000000e+00 : f32
    %add3A_264 = vector.broadcast %add3A_263 : f32 to vector<128xf32>
    %add3A_265 = arith.addf %add3A_262, %add3A_264 : vector<128xf32>
    %rsqrt3A_266 = math.rsqrt %add3A_265 : vector<128xf32>
    %broadcast_in_dim3A_267 = vector.shape_cast %rsqrt3A_266 : vector<128xf32> to vector<128x1xf32>
    %slice3A_268 = vector.extract_strided_slice %get3A_2 {offsets = [27, 0, 0], sizes = [1, 1, 128], strides = [1, 1, 1]} : vector<40x2x128xf32> to vector<1x1x128xf32>
    %squeeze3A_269 = vector.shape_cast %slice3A_268 : vector<1x1x128xf32> to vector<128xf32>
    %slice3A_270 = vector.extract_strided_slice %get3A_2 {offsets = [27, 1, 0], sizes = [1, 1, 128], strides = [1, 1, 1]} : vector<40x2x128xf32> to vector<1x1x128xf32>
    %squeeze3A_271 = vector.shape_cast %slice3A_270 : vector<1x1x128xf32> to vector<128xf32>
    %add3A_272 = arith.addf %squeeze3A_269, %squeeze3A_271 : vector<128xf32>
    %add3A_273 = arith.constant 1.000000e+00 : f32
    %add3A_274 = vector.broadcast %add3A_273 : f32 to vector<128xf32>
    %add3A_275 = arith.addf %add3A_272, %add3A_274 : vector<128xf32>
    %rsqrt3A_276 = math.rsqrt %add3A_275 : vector<128xf32>
    %broadcast_in_dim3A_277 = vector.shape_cast %rsqrt3A_276 : vector<128xf32> to vector<128x1xf32>
    %slice3A_278 = vector.extract_strided_slice %get3A_2 {offsets = [28, 0, 0], sizes = [1, 1, 128], strides = [1, 1, 1]} : vector<40x2x128xf32> to vector<1x1x128xf32>
    %squeeze3A_279 = vector.shape_cast %slice3A_278 : vector<1x1x128xf32> to vector<128xf32>
    %slice3A_280 = vector.extract_strided_slice %get3A_2 {offsets = [28, 1, 0], sizes = [1, 1, 128], strides = [1, 1, 1]} : vector<40x2x128xf32> to vector<1x1x128xf32>
    %squeeze3A_281 = vector.shape_cast %slice3A_280 : vector<1x1x128xf32> to vector<128xf32>
    %add3A_282 = arith.addf %squeeze3A_279, %squeeze3A_281 : vector<128xf32>
    %add3A_283 = arith.constant 1.000000e+00 : f32
    %add3A_284 = vector.broadcast %add3A_283 : f32 to vector<128xf32>
    %add3A_285 = arith.addf %add3A_282, %add3A_284 : vector<128xf32>
    %rsqrt3A_286 = math.rsqrt %add3A_285 : vector<128xf32>
    %broadcast_in_dim3A_287 = vector.shape_cast %rsqrt3A_286 : vector<128xf32> to vector<128x1xf32>
    %slice3A_288 = vector.extract_strided_slice %get3A_2 {offsets = [29, 0, 0], sizes = [1, 1, 128], strides = [1, 1, 1]} : vector<40x2x128xf32> to vector<1x1x128xf32>
    %squeeze3A_289 = vector.shape_cast %slice3A_288 : vector<1x1x128xf32> to vector<128xf32>
    %slice3A_290 = vector.extract_strided_slice %get3A_2 {offsets = [29, 1, 0], sizes = [1, 1, 128], strides = [1, 1, 1]} : vector<40x2x128xf32> to vector<1x1x128xf32>
    %squeeze3A_291 = vector.shape_cast %slice3A_290 : vector<1x1x128xf32> to vector<128xf32>
    %add3A_292 = arith.addf %squeeze3A_289, %squeeze3A_291 : vector<128xf32>
    %add3A_293 = arith.constant 1.000000e+00 : f32
    %add3A_294 = vector.broadcast %add3A_293 : f32 to vector<128xf32>
    %add3A_295 = arith.addf %add3A_292, %add3A_294 : vector<128xf32>
    %rsqrt3A_296 = math.rsqrt %add3A_295 : vector<128xf32>
    %broadcast_in_dim3A_297 = vector.shape_cast %rsqrt3A_296 : vector<128xf32> to vector<128x1xf32>
    %slice3A_298 = vector.extract_strided_slice %get3A_2 {offsets = [30, 0, 0], sizes = [1, 1, 128], strides = [1, 1, 1]} : vector<40x2x128xf32> to vector<1x1x128xf32>
    %squeeze3A_299 = vector.shape_cast %slice3A_298 : vector<1x1x128xf32> to vector<128xf32>
    %slice3A_300 = vector.extract_strided_slice %get3A_2 {offsets = [30, 1, 0], sizes = [1, 1, 128], strides = [1, 1, 1]} : vector<40x2x128xf32> to vector<1x1x128xf32>
    %squeeze3A_301 = vector.shape_cast %slice3A_300 : vector<1x1x128xf32> to vector<128xf32>
    %add3A_302 = arith.addf %squeeze3A_299, %squeeze3A_301 : vector<128xf32>
    %add3A_303 = arith.constant 1.000000e+00 : f32
    %add3A_304 = vector.broadcast %add3A_303 : f32 to vector<128xf32>
    %add3A_305 = arith.addf %add3A_302, %add3A_304 : vector<128xf32>
    %rsqrt3A_306 = math.rsqrt %add3A_305 : vector<128xf32>
    %broadcast_in_dim3A_307 = vector.shape_cast %rsqrt3A_306 : vector<128xf32> to vector<128x1xf32>
    %slice3A_308 = vector.extract_strided_slice %get3A_2 {offsets = [31, 0, 0], sizes = [1, 1, 128], strides = [1, 1, 1]} : vector<40x2x128xf32> to vector<1x1x128xf32>
    %squeeze3A_309 = vector.shape_cast %slice3A_308 : vector<1x1x128xf32> to vector<128xf32>
    %slice3A_310 = vector.extract_strided_slice %get3A_2 {offsets = [31, 1, 0], sizes = [1, 1, 128], strides = [1, 1, 1]} : vector<40x2x128xf32> to vector<1x1x128xf32>
    %squeeze3A_311 = vector.shape_cast %slice3A_310 : vector<1x1x128xf32> to vector<128xf32>
    %add3A_312 = arith.addf %squeeze3A_309, %squeeze3A_311 : vector<128xf32>
    %add3A_313 = arith.constant 1.000000e+00 : f32
    %add3A_314 = vector.broadcast %add3A_313 : f32 to vector<128xf32>
    %add3A_315 = arith.addf %add3A_312, %add3A_314 : vector<128xf32>
    %rsqrt3A_316 = math.rsqrt %add3A_315 : vector<128xf32>
    %broadcast_in_dim3A_317 = vector.shape_cast %rsqrt3A_316 : vector<128xf32> to vector<128x1xf32>
    %slice3A_318 = vector.extract_strided_slice %get3A_2 {offsets = [32, 0, 0], sizes = [1, 1, 128], strides = [1, 1, 1]} : vector<40x2x128xf32> to vector<1x1x128xf32>
    %squeeze3A_319 = vector.shape_cast %slice3A_318 : vector<1x1x128xf32> to vector<128xf32>
    %slice3A_320 = vector.extract_strided_slice %get3A_2 {offsets = [32, 1, 0], sizes = [1, 1, 128], strides = [1, 1, 1]} : vector<40x2x128xf32> to vector<1x1x128xf32>
    %squeeze3A_321 = vector.shape_cast %slice3A_320 : vector<1x1x128xf32> to vector<128xf32>
    %add3A_322 = arith.addf %squeeze3A_319, %squeeze3A_321 : vector<128xf32>
    %add3A_323 = arith.constant 1.000000e+00 : f32
    %add3A_324 = vector.broadcast %add3A_323 : f32 to vector<128xf32>
    %add3A_325 = arith.addf %add3A_322, %add3A_324 : vector<128xf32>
    %rsqrt3A_326 = math.rsqrt %add3A_325 : vector<128xf32>
    %broadcast_in_dim3A_327 = vector.shape_cast %rsqrt3A_326 : vector<128xf32> to vector<128x1xf32>
    %slice3A_328 = vector.extract_strided_slice %get3A_2 {offsets = [33, 0, 0], sizes = [1, 1, 128], strides = [1, 1, 1]} : vector<40x2x128xf32> to vector<1x1x128xf32>
    %squeeze3A_329 = vector.shape_cast %slice3A_328 : vector<1x1x128xf32> to vector<128xf32>
    %slice3A_330 = vector.extract_strided_slice %get3A_2 {offsets = [33, 1, 0], sizes = [1, 1, 128], strides = [1, 1, 1]} : vector<40x2x128xf32> to vector<1x1x128xf32>
    %squeeze3A_331 = vector.shape_cast %slice3A_330 : vector<1x1x128xf32> to vector<128xf32>
    %add3A_332 = arith.addf %squeeze3A_329, %squeeze3A_331 : vector<128xf32>
    %add3A_333 = arith.constant 1.000000e+00 : f32
    %add3A_334 = vector.broadcast %add3A_333 : f32 to vector<128xf32>
    %add3A_335 = arith.addf %add3A_332, %add3A_334 : vector<128xf32>
    %rsqrt3A_336 = math.rsqrt %add3A_335 : vector<128xf32>
    %broadcast_in_dim3A_337 = vector.shape_cast %rsqrt3A_336 : vector<128xf32> to vector<128x1xf32>
    %slice3A_338 = vector.extract_strided_slice %get3A_2 {offsets = [34, 0, 0], sizes = [1, 1, 128], strides = [1, 1, 1]} : vector<40x2x128xf32> to vector<1x1x128xf32>
    %squeeze3A_339 = vector.shape_cast %slice3A_338 : vector<1x1x128xf32> to vector<128xf32>
    %slice3A_340 = vector.extract_strided_slice %get3A_2 {offsets = [34, 1, 0], sizes = [1, 1, 128], strides = [1, 1, 1]} : vector<40x2x128xf32> to vector<1x1x128xf32>
    %squeeze3A_341 = vector.shape_cast %slice3A_340 : vector<1x1x128xf32> to vector<128xf32>
    %add3A_342 = arith.addf %squeeze3A_339, %squeeze3A_341 : vector<128xf32>
    %add3A_343 = arith.constant 1.000000e+00 : f32
    %add3A_344 = vector.broadcast %add3A_343 : f32 to vector<128xf32>
    %add3A_345 = arith.addf %add3A_342, %add3A_344 : vector<128xf32>
    %rsqrt3A_346 = math.rsqrt %add3A_345 : vector<128xf32>
    %broadcast_in_dim3A_347 = vector.shape_cast %rsqrt3A_346 : vector<128xf32> to vector<128x1xf32>
    %slice3A_348 = vector.extract_strided_slice %get3A_2 {offsets = [35, 0, 0], sizes = [1, 1, 128], strides = [1, 1, 1]} : vector<40x2x128xf32> to vector<1x1x128xf32>
    %squeeze3A_349 = vector.shape_cast %slice3A_348 : vector<1x1x128xf32> to vector<128xf32>
    %slice3A_350 = vector.extract_strided_slice %get3A_2 {offsets = [35, 1, 0], sizes = [1, 1, 128], strides = [1, 1, 1]} : vector<40x2x128xf32> to vector<1x1x128xf32>
    %squeeze3A_351 = vector.shape_cast %slice3A_350 : vector<1x1x128xf32> to vector<128xf32>
    %add3A_352 = arith.addf %squeeze3A_349, %squeeze3A_351 : vector<128xf32>
    %add3A_353 = arith.constant 1.000000e+00 : f32
    %add3A_354 = vector.broadcast %add3A_353 : f32 to vector<128xf32>
    %add3A_355 = arith.addf %add3A_352, %add3A_354 : vector<128xf32>
    %rsqrt3A_356 = math.rsqrt %add3A_355 : vector<128xf32>
    %broadcast_in_dim3A_357 = vector.shape_cast %rsqrt3A_356 : vector<128xf32> to vector<128x1xf32>
    %slice3A_358 = vector.extract_strided_slice %get3A_2 {offsets = [36, 0, 0], sizes = [1, 1, 128], strides = [1, 1, 1]} : vector<40x2x128xf32> to vector<1x1x128xf32>
    %squeeze3A_359 = vector.shape_cast %slice3A_358 : vector<1x1x128xf32> to vector<128xf32>
    %slice3A_360 = vector.extract_strided_slice %get3A_2 {offsets = [36, 1, 0], sizes = [1, 1, 128], strides = [1, 1, 1]} : vector<40x2x128xf32> to vector<1x1x128xf32>
    %squeeze3A_361 = vector.shape_cast %slice3A_360 : vector<1x1x128xf32> to vector<128xf32>
    %add3A_362 = arith.addf %squeeze3A_359, %squeeze3A_361 : vector<128xf32>
    %add3A_363 = arith.constant 1.000000e+00 : f32
    %add3A_364 = vector.broadcast %add3A_363 : f32 to vector<128xf32>
    %add3A_365 = arith.addf %add3A_362, %add3A_364 : vector<128xf32>
    %rsqrt3A_366 = math.rsqrt %add3A_365 : vector<128xf32>
    %broadcast_in_dim3A_367 = vector.shape_cast %rsqrt3A_366 : vector<128xf32> to vector<128x1xf32>
    %slice3A_368 = vector.extract_strided_slice %get3A_2 {offsets = [37, 0, 0], sizes = [1, 1, 128], strides = [1, 1, 1]} : vector<40x2x128xf32> to vector<1x1x128xf32>
    %squeeze3A_369 = vector.shape_cast %slice3A_368 : vector<1x1x128xf32> to vector<128xf32>
    %slice3A_370 = vector.extract_strided_slice %get3A_2 {offsets = [37, 1, 0], sizes = [1, 1, 128], strides = [1, 1, 1]} : vector<40x2x128xf32> to vector<1x1x128xf32>
    %squeeze3A_371 = vector.shape_cast %slice3A_370 : vector<1x1x128xf32> to vector<128xf32>
    %add3A_372 = arith.addf %squeeze3A_369, %squeeze3A_371 : vector<128xf32>
    %add3A_373 = arith.constant 1.000000e+00 : f32
    %add3A_374 = vector.broadcast %add3A_373 : f32 to vector<128xf32>
    %add3A_375 = arith.addf %add3A_372, %add3A_374 : vector<128xf32>
    %rsqrt3A_376 = math.rsqrt %add3A_375 : vector<128xf32>
    %broadcast_in_dim3A_377 = vector.shape_cast %rsqrt3A_376 : vector<128xf32> to vector<128x1xf32>
    %slice3A_378 = vector.extract_strided_slice %get3A_2 {offsets = [38, 0, 0], sizes = [1, 1, 128], strides = [1, 1, 1]} : vector<40x2x128xf32> to vector<1x1x128xf32>
    %squeeze3A_379 = vector.shape_cast %slice3A_378 : vector<1x1x128xf32> to vector<128xf32>
    %slice3A_380 = vector.extract_strided_slice %get3A_2 {offsets = [38, 1, 0], sizes = [1, 1, 128], strides = [1, 1, 1]} : vector<40x2x128xf32> to vector<1x1x128xf32>
    %squeeze3A_381 = vector.shape_cast %slice3A_380 : vector<1x1x128xf32> to vector<128xf32>
    %add3A_382 = arith.addf %squeeze3A_379, %squeeze3A_381 : vector<128xf32>
    %add3A_383 = arith.constant 1.000000e+00 : f32
    %add3A_384 = vector.broadcast %add3A_383 : f32 to vector<128xf32>
    %add3A_385 = arith.addf %add3A_382, %add3A_384 : vector<128xf32>
    %rsqrt3A_386 = math.rsqrt %add3A_385 : vector<128xf32>
    %broadcast_in_dim3A_387 = vector.shape_cast %rsqrt3A_386 : vector<128xf32> to vector<128x1xf32>
    %slice3A_388 = vector.extract_strided_slice %get3A_2 {offsets = [39, 0, 0], sizes = [1, 1, 128], strides = [1, 1, 1]} : vector<40x2x128xf32> to vector<1x1x128xf32>
    %squeeze3A_389 = vector.shape_cast %slice3A_388 : vector<1x1x128xf32> to vector<128xf32>
    %slice3A_390 = vector.extract_strided_slice %get3A_2 {offsets = [39, 1, 0], sizes = [1, 1, 128], strides = [1, 1, 1]} : vector<40x2x128xf32> to vector<1x1x128xf32>
    %squeeze3A_391 = vector.shape_cast %slice3A_390 : vector<1x1x128xf32> to vector<128xf32>
    %add3A_392 = arith.addf %squeeze3A_389, %squeeze3A_391 : vector<128xf32>
    %add3A_393 = arith.constant 1.000000e+00 : f32
    %add3A_394 = vector.broadcast %add3A_393 : f32 to vector<128xf32>
    %add3A_395 = arith.addf %add3A_392, %add3A_394 : vector<128xf32>
    %rsqrt3A_396 = math.rsqrt %add3A_395 : vector<128xf32>
    %broadcast_in_dim3A_397 = vector.shape_cast %rsqrt3A_396 : vector<128xf32> to vector<128x1xf32>
    %concatenate3A = tpu.concatenate %broadcast_in_dim3A, %broadcast_in_dim3A_17, %broadcast_in_dim3A_27, %broadcast_in_dim3A_37, %broadcast_in_dim3A_47, %broadcast_in_dim3A_57, %broadcast_in_dim3A_67, %broadcast_in_dim3A_77, %broadcast_in_dim3A_87, %broadcast_in_dim3A_97, %broadcast_in_dim3A_107, %broadcast_in_dim3A_117, %broadcast_in_dim3A_127, %broadcast_in_dim3A_137, %broadcast_in_dim3A_147, %broadcast_in_dim3A_157, %broadcast_in_dim3A_167, %broadcast_in_dim3A_177, %broadcast_in_dim3A_187, %broadcast_in_dim3A_197, %broadcast_in_dim3A_207, %broadcast_in_dim3A_217, %broadcast_in_dim3A_227, %broadcast_in_dim3A_237, %broadcast_in_dim3A_247, %broadcast_in_dim3A_257, %broadcast_in_dim3A_267, %broadcast_in_dim3A_277, %broadcast_in_dim3A_287, %broadcast_in_dim3A_297, %broadcast_in_dim3A_307, %broadcast_in_dim3A_317, %broadcast_in_dim3A_327, %broadcast_in_dim3A_337, %broadcast_in_dim3A_347, %broadcast_in_dim3A_357, %broadcast_in_dim3A_367, %broadcast_in_dim3A_377, %broadcast_in_dim3A_387, %broadcast_in_dim3A_397 in 0 : vector<128x1xf32>, vector<128x1xf32>, vector<128x1xf32>, vector<128x1xf32>, vector<128x1xf32>, vector<128x1xf32>, vector<128x1xf32>, vector<128x1xf32>, vector<128x1xf32>, vector<128x1xf32>, vector<128x1xf32>, vector<128x1xf32>, vector<128x1xf32>, vector<128x1xf32>, vector<128x1xf32>, vector<128x1xf32>, vector<128x1xf32>, vector<128x1xf32>, vector<128x1xf32>, vector<128x1xf32>, vector<128x1xf32>, vector<128x1xf32>, vector<128x1xf32>, vector<128x1xf32>, vector<128x1xf32>, vector<128x1xf32>, vector<128x1xf32>, vector<128x1xf32>, vector<128x1xf32>, vector<128x1xf32>, vector<128x1xf32>, vector<128x1xf32>, vector<128x1xf32>, vector<128x1xf32>, vector<128x1xf32>, vector<128x1xf32>, vector<128x1xf32>, vector<128x1xf32>, vector<128x1xf32>, vector<128x1xf32> -> vector<5120x1xf32>
    %get3A_398 = arith.constant 0 : index
    %get3A_399 = arith.constant 0 : index
    %get3A_400 = arith.constant 0 : index
    %get3A_401 = vector.load %arg1[%get3A_398, %get3A_399, %get3A_400] : memref<2x5120x128xf32, #tpu.memory_space<vmem>>, vector<1x5120x128xf32>
    %get3A_402 = vector.shape_cast %get3A_401 : vector<1x5120x128xf32> to vector<5120x128xf32>
    %get3A_403 = arith.constant 1 : index
    %get3A_404 = arith.constant 0 : index
    %get3A_405 = arith.constant 0 : index
    %get3A_406 = vector.load %arg1[%get3A_403, %get3A_404, %get3A_405] : memref<2x5120x128xf32, #tpu.memory_space<vmem>>, vector<1x5120x128xf32>
    %get3A_407 = vector.shape_cast %get3A_406 : vector<1x5120x128xf32> to vector<5120x128xf32>
    %add3A_408 = arith.addf %get3A_402, %get3A_407 : vector<5120x128xf32>
    %get3A_409 = arith.constant 0 : index
    %get3A_410 = arith.constant 0 : index
    %get3A_411 = vector.load %arg2[%get3A_409, %get3A_410] : memref<5120x128xf32, #tpu.memory_space<vmem>>, vector<5120x128xf32>
    %add3A_412 = arith.addf %add3A_408, %get3A_411 : vector<5120x128xf32>
    %mul3A = vector.broadcast %concatenate3A : vector<5120x1xf32> to vector<5120x128xf32>
    %mul3A_413 = arith.mulf %add3A_412, %mul3A : vector<5120x128xf32>
    %get3A_414 = arith.constant 0 : index
    %get3A_415 = arith.constant 0 : index
    %get3A_416 = vector.load %arg4[%get3A_414, %get3A_415] : memref<1x128xf32, #tpu.memory_space<vmem>>, vector<1x128xf32>
    %add3A_417 = vector.broadcast %get3A_416 : vector<1x128xf32> to vector<5120x128xf32>
    %add3A_418 = arith.addf %mul3A_413, %add3A_417 : vector<5120x128xf32>
    %max3A = arith.constant 0.000000e+00 : f32
    %max3A_419 = vector.broadcast %max3A : f32 to vector<5120x128xf32>
    %max3A_420 = arith.maximumf %add3A_418, %max3A_419 : vector<5120x128xf32>
    %get3A_421 = arith.constant 0 : index
    %get3A_422 = arith.constant 0 : index
    %get3A_423 = vector.load %arg5[%get3A_421, %get3A_422] : memref<128x128xf32, #tpu.memory_space<vmem>>, vector<128x128xf32>
    %dot_general3A = arith.constant dense<0.000000e+00> : vector<5120x128xf32>
    %dot_general3A_424 = tpu.matmul %max3A_420, %get3A_423, %dot_general3A {dimension_numbers = #tpu.dot_dimension_numbers<[1], [0], [0], [1], [0, 0, 1, 1], [], []>, transpose_lhs_hint = false} : vector<5120x128xf32>, vector<128x128xf32>, vector<5120x128xf32> -> vector<5120x128xf32>
    %mul3A_425 = vector.broadcast %concatenate3A : vector<5120x1xf32> to vector<5120x128xf32>
    %mul3A_426 = arith.mulf %dot_general3A_424, %mul3A_425 : vector<5120x128xf32>
    %mul3A_427 = arith.constant 5120 : i32
    %mul3A_428 = arith.muli %arg0, %mul3A_427 : i32
    %iota3A = tpu.iota {dimensions = array<i32: 0>} : vector<5120x1xi32>
    %add3A_429 = vector.broadcast %mul3A_428 : i32 to vector<5120x1xi32>
    %add3A_430 = arith.addi %add3A_429, %iota3A : vector<5120x1xi32>
    %lt3A = arith.constant 10000 : i32
    %lt3A_431 = vector.broadcast %lt3A : i32 to vector<5120x1xi32>
    %lt3A_432 = arith.cmpi slt, %add3A_430, %lt3A_431 : vector<5120x1xi32>
    %jit3A = arith.constant 0.000000e+00 : f32
    %broadcast_in_dim3A_433 = vector.shape_cast %lt3A_432 : vector<5120x1xi1> to vector<5120x1xi1>
    %broadcast_in_dim3A_434 = vector.broadcast %broadcast_in_dim3A_433 : vector<5120x1xi1> to vector<5120x128xi1>
    %broadcast_in_dim3A_435 = vector.broadcast %jit3A : f32 to vector<5120x128xf32>
    %select_n3A = arith.select %broadcast_in_dim3A_434, %mul3A_426, %broadcast_in_dim3A_435 : vector<5120x128xi1>, vector<5120x128xf32>
    %swap3A = arith.constant 0 : index
    %swap3A_436 = arith.constant 0 : index
    %swap3A_437 = vector.load %arg6[%swap3A, %swap3A_436] : memref<5120x128xf32, #tpu.memory_space<vmem>>, vector<5120x128xf32>
    tpu.vector_store %arg6[%swap3A, %swap3A_436], %select_n3A {strides = array<i32>} : memref<5120x128xf32, #tpu.memory_space<vmem>>, vector<5120x128xf32>,
    return
  }
  func.func @transform_0(%arg0: i32) -> (i32, i32, i32) {
    %c0_i32 = arith.constant 0 : i32
    %c0_i32_0 = arith.constant 0 : i32
    %c0_i32_1 = arith.constant 0 : i32
    return %c0_i32, %arg0, %c0_i32_0 : i32, i32, i32
  }
  func.func @transform_1(%arg0: i32) -> (i32, i32) {
    %c0_i32 = arith.constant 0 : i32
    %c0_i32_0 = arith.constant 0 : i32
    return %arg0, %c0_i32 : i32, i32
  }
  func.func @transform_2(%arg0: i32) -> (i32, i32, i32) {
    %c0_i32 = arith.constant 0 : i32
    %c0_i32_0 = arith.constant 0 : i32
    %c0_i32_1 = arith.constant 0 : i32
    return %arg0, %c0_i32, %c0_i32_0 : i32, i32, i32
  }
  func.func @transform_3(%arg0: i32) -> (i32, i32) {
    %c0_i32 = arith.constant 0 : i32
    %c0_i32_0 = arith.constant 0 : i32
    %c0_i32_1 = arith.constant 0 : i32
    return %c0_i32, %c0_i32_0 : i32, i32
  }
  func.func @transform_4(%arg0: i32) -> (i32, i32) {
    %c0_i32 = arith.constant 0 : i32
    %c0_i32_0 = arith.constant 0 : i32
    %c0_i32_1 = arith.constant 0 : i32
    return %c0_i32, %c0_i32_0 : i32, i32
  }
  func.func @transform_5(%arg0: i32) -> (i32, i32) {
    %c0_i32 = arith.constant 0 : i32
    %c0_i32_0 = arith.constant 0 : i32
    return %arg0, %c0_i32 : i32, i32
  }
}

module attributes {stable_mosaic.version = 14 : i64} {
  func.func @_k3_body(%arg0: i32, %arg1: memref<2x5120x128xf32, #tpu.memory_space<vmem>>, %arg2: memref<5120x128xf32, #tpu.memory_space<vmem>>, %arg3: memref<40x2x128xf32, #tpu.memory_space<vmem>>, %arg4: memref<1x128xf32, #tpu.memory_space<vmem>>, %arg5: memref<5120x64xf32, #tpu.memory_space<vmem>>, %arg6: memref<5120x64xf32, #tpu.memory_space<vmem>>) attributes {dimension_semantics = [#tpu.dimension_semantics<arbitrary>], iteration_bounds = array<i64: 2>, scalar_prefetch = 0 : i64, scratch_operands = 0 : i64, tpu.core_type = #tpu.core_type<tc>, window_params = [{transform_indices = @transform_0, window_bounds = array<i64: 2, 5120, 128>}, {transform_indices = @transform_1, window_bounds = array<i64: 5120, 128>}, {transform_indices = @transform_2, window_bounds = array<i64: 40, 2, 128>}, {pipeline_mode = #tpu.pipeline_mode<synchronous>, transform_indices = @transform_3, window_bounds = array<i64: 1, 128>}, {transform_indices = @transform_4, window_bounds = array<i64: 5120, 64>}, {transform_indices = @transform_5, window_bounds = array<i64: 5120, 64>}]} {
    %get3A = arith.constant 0 : index
    %get3A_0 = arith.constant 0 : index
    %get3A_1 = arith.constant 0 : index
    %get3A_2 = vector.load %arg3[%get3A, %get3A_0, %get3A_1] : memref<40x2x128xf32, #tpu.memory_space<vmem>>, vector<40x2x128xf32>
    %slice3A = vector.extract_strided_slice %get3A_2 {offsets = [0, 0, 0], sizes = [1, 1, 128], strides = [1, 1, 1]} : vector<40x2x128xf32> to vector<1x1x128xf32>
    %squeeze3A = vector.shape_cast %slice3A : vector<1x1x128xf32> to vector<128xf32>
    %slice3A_3 = vector.extract_strided_slice %get3A_2 {offsets = [0, 1, 0], sizes = [1, 1, 128], strides = [1, 1, 1]} : vector<40x2x128xf32> to vector<1x1x128xf32>
    %squeeze3A_4 = vector.shape_cast %slice3A_3 : vector<1x1x128xf32> to vector<128xf32>
    %add3A = arith.addf %squeeze3A, %squeeze3A_4 : vector<128xf32>
    %add3A_5 = arith.constant 1.000000e+00 : f32
    %add3A_6 = vector.broadcast %add3A_5 : f32 to vector<128xf32>
    %add3A_7 = arith.addf %add3A, %add3A_6 : vector<128xf32>
    %rsqrt3A = math.rsqrt %add3A_7 : vector<128xf32>
    %broadcast_in_dim3A = vector.shape_cast %rsqrt3A : vector<128xf32> to vector<128x1xf32>
    %slice3A_8 = vector.extract_strided_slice %get3A_2 {offsets = [1, 0, 0], sizes = [1, 1, 128], strides = [1, 1, 1]} : vector<40x2x128xf32> to vector<1x1x128xf32>
    %squeeze3A_9 = vector.shape_cast %slice3A_8 : vector<1x1x128xf32> to vector<128xf32>
    %slice3A_10 = vector.extract_strided_slice %get3A_2 {offsets = [1, 1, 0], sizes = [1, 1, 128], strides = [1, 1, 1]} : vector<40x2x128xf32> to vector<1x1x128xf32>
    %squeeze3A_11 = vector.shape_cast %slice3A_10 : vector<1x1x128xf32> to vector<128xf32>
    %add3A_12 = arith.addf %squeeze3A_9, %squeeze3A_11 : vector<128xf32>
    %add3A_13 = arith.constant 1.000000e+00 : f32
    %add3A_14 = vector.broadcast %add3A_13 : f32 to vector<128xf32>
    %add3A_15 = arith.addf %add3A_12, %add3A_14 : vector<128xf32>
    %rsqrt3A_16 = math.rsqrt %add3A_15 : vector<128xf32>
    %broadcast_in_dim3A_17 = vector.shape_cast %rsqrt3A_16 : vector<128xf32> to vector<128x1xf32>
    %slice3A_18 = vector.extract_strided_slice %get3A_2 {offsets = [2, 0, 0], sizes = [1, 1, 128], strides = [1, 1, 1]} : vector<40x2x128xf32> to vector<1x1x128xf32>
    %squeeze3A_19 = vector.shape_cast %slice3A_18 : vector<1x1x128xf32> to vector<128xf32>
    %slice3A_20 = vector.extract_strided_slice %get3A_2 {offsets = [2, 1, 0], sizes = [1, 1, 128], strides = [1, 1, 1]} : vector<40x2x128xf32> to vector<1x1x128xf32>
    %squeeze3A_21 = vector.shape_cast %slice3A_20 : vector<1x1x128xf32> to vector<128xf32>
    %add3A_22 = arith.addf %squeeze3A_19, %squeeze3A_21 : vector<128xf32>
    %add3A_23 = arith.constant 1.000000e+00 : f32
    %add3A_24 = vector.broadcast %add3A_23 : f32 to vector<128xf32>
    %add3A_25 = arith.addf %add3A_22, %add3A_24 : vector<128xf32>
    %rsqrt3A_26 = math.rsqrt %add3A_25 : vector<128xf32>
    %broadcast_in_dim3A_27 = vector.shape_cast %rsqrt3A_26 : vector<128xf32> to vector<128x1xf32>
    %slice3A_28 = vector.extract_strided_slice %get3A_2 {offsets = [3, 0, 0], sizes = [1, 1, 128], strides = [1, 1, 1]} : vector<40x2x128xf32> to vector<1x1x128xf32>
    %squeeze3A_29 = vector.shape_cast %slice3A_28 : vector<1x1x128xf32> to vector<128xf32>
    %slice3A_30 = vector.extract_strided_slice %get3A_2 {offsets = [3, 1, 0], sizes = [1, 1, 128], strides = [1, 1, 1]} : vector<40x2x128xf32> to vector<1x1x128xf32>
    %squeeze3A_31 = vector.shape_cast %slice3A_30 : vector<1x1x128xf32> to vector<128xf32>
    %add3A_32 = arith.addf %squeeze3A_29, %squeeze3A_31 : vector<128xf32>
    %add3A_33 = arith.constant 1.000000e+00 : f32
    %add3A_34 = vector.broadcast %add3A_33 : f32 to vector<128xf32>
    %add3A_35 = arith.addf %add3A_32, %add3A_34 : vector<128xf32>
    %rsqrt3A_36 = math.rsqrt %add3A_35 : vector<128xf32>
    %broadcast_in_dim3A_37 = vector.shape_cast %rsqrt3A_36 : vector<128xf32> to vector<128x1xf32>
    %slice3A_38 = vector.extract_strided_slice %get3A_2 {offsets = [4, 0, 0], sizes = [1, 1, 128], strides = [1, 1, 1]} : vector<40x2x128xf32> to vector<1x1x128xf32>
    %squeeze3A_39 = vector.shape_cast %slice3A_38 : vector<1x1x128xf32> to vector<128xf32>
    %slice3A_40 = vector.extract_strided_slice %get3A_2 {offsets = [4, 1, 0], sizes = [1, 1, 128], strides = [1, 1, 1]} : vector<40x2x128xf32> to vector<1x1x128xf32>
    %squeeze3A_41 = vector.shape_cast %slice3A_40 : vector<1x1x128xf32> to vector<128xf32>
    %add3A_42 = arith.addf %squeeze3A_39, %squeeze3A_41 : vector<128xf32>
    %add3A_43 = arith.constant 1.000000e+00 : f32
    %add3A_44 = vector.broadcast %add3A_43 : f32 to vector<128xf32>
    %add3A_45 = arith.addf %add3A_42, %add3A_44 : vector<128xf32>
    %rsqrt3A_46 = math.rsqrt %add3A_45 : vector<128xf32>
    %broadcast_in_dim3A_47 = vector.shape_cast %rsqrt3A_46 : vector<128xf32> to vector<128x1xf32>
    %slice3A_48 = vector.extract_strided_slice %get3A_2 {offsets = [5, 0, 0], sizes = [1, 1, 128], strides = [1, 1, 1]} : vector<40x2x128xf32> to vector<1x1x128xf32>
    %squeeze3A_49 = vector.shape_cast %slice3A_48 : vector<1x1x128xf32> to vector<128xf32>
    %slice3A_50 = vector.extract_strided_slice %get3A_2 {offsets = [5, 1, 0], sizes = [1, 1, 128], strides = [1, 1, 1]} : vector<40x2x128xf32> to vector<1x1x128xf32>
    %squeeze3A_51 = vector.shape_cast %slice3A_50 : vector<1x1x128xf32> to vector<128xf32>
    %add3A_52 = arith.addf %squeeze3A_49, %squeeze3A_51 : vector<128xf32>
    %add3A_53 = arith.constant 1.000000e+00 : f32
    %add3A_54 = vector.broadcast %add3A_53 : f32 to vector<128xf32>
    %add3A_55 = arith.addf %add3A_52, %add3A_54 : vector<128xf32>
    %rsqrt3A_56 = math.rsqrt %add3A_55 : vector<128xf32>
    %broadcast_in_dim3A_57 = vector.shape_cast %rsqrt3A_56 : vector<128xf32> to vector<128x1xf32>
    %slice3A_58 = vector.extract_strided_slice %get3A_2 {offsets = [6, 0, 0], sizes = [1, 1, 128], strides = [1, 1, 1]} : vector<40x2x128xf32> to vector<1x1x128xf32>
    %squeeze3A_59 = vector.shape_cast %slice3A_58 : vector<1x1x128xf32> to vector<128xf32>
    %slice3A_60 = vector.extract_strided_slice %get3A_2 {offsets = [6, 1, 0], sizes = [1, 1, 128], strides = [1, 1, 1]} : vector<40x2x128xf32> to vector<1x1x128xf32>
    %squeeze3A_61 = vector.shape_cast %slice3A_60 : vector<1x1x128xf32> to vector<128xf32>
    %add3A_62 = arith.addf %squeeze3A_59, %squeeze3A_61 : vector<128xf32>
    %add3A_63 = arith.constant 1.000000e+00 : f32
    %add3A_64 = vector.broadcast %add3A_63 : f32 to vector<128xf32>
    %add3A_65 = arith.addf %add3A_62, %add3A_64 : vector<128xf32>
    %rsqrt3A_66 = math.rsqrt %add3A_65 : vector<128xf32>
    %broadcast_in_dim3A_67 = vector.shape_cast %rsqrt3A_66 : vector<128xf32> to vector<128x1xf32>
    %slice3A_68 = vector.extract_strided_slice %get3A_2 {offsets = [7, 0, 0], sizes = [1, 1, 128], strides = [1, 1, 1]} : vector<40x2x128xf32> to vector<1x1x128xf32>
    %squeeze3A_69 = vector.shape_cast %slice3A_68 : vector<1x1x128xf32> to vector<128xf32>
    %slice3A_70 = vector.extract_strided_slice %get3A_2 {offsets = [7, 1, 0], sizes = [1, 1, 128], strides = [1, 1, 1]} : vector<40x2x128xf32> to vector<1x1x128xf32>
    %squeeze3A_71 = vector.shape_cast %slice3A_70 : vector<1x1x128xf32> to vector<128xf32>
    %add3A_72 = arith.addf %squeeze3A_69, %squeeze3A_71 : vector<128xf32>
    %add3A_73 = arith.constant 1.000000e+00 : f32
    %add3A_74 = vector.broadcast %add3A_73 : f32 to vector<128xf32>
    %add3A_75 = arith.addf %add3A_72, %add3A_74 : vector<128xf32>
    %rsqrt3A_76 = math.rsqrt %add3A_75 : vector<128xf32>
    %broadcast_in_dim3A_77 = vector.shape_cast %rsqrt3A_76 : vector<128xf32> to vector<128x1xf32>
    %slice3A_78 = vector.extract_strided_slice %get3A_2 {offsets = [8, 0, 0], sizes = [1, 1, 128], strides = [1, 1, 1]} : vector<40x2x128xf32> to vector<1x1x128xf32>
    %squeeze3A_79 = vector.shape_cast %slice3A_78 : vector<1x1x128xf32> to vector<128xf32>
    %slice3A_80 = vector.extract_strided_slice %get3A_2 {offsets = [8, 1, 0], sizes = [1, 1, 128], strides = [1, 1, 1]} : vector<40x2x128xf32> to vector<1x1x128xf32>
    %squeeze3A_81 = vector.shape_cast %slice3A_80 : vector<1x1x128xf32> to vector<128xf32>
    %add3A_82 = arith.addf %squeeze3A_79, %squeeze3A_81 : vector<128xf32>
    %add3A_83 = arith.constant 1.000000e+00 : f32
    %add3A_84 = vector.broadcast %add3A_83 : f32 to vector<128xf32>
    %add3A_85 = arith.addf %add3A_82, %add3A_84 : vector<128xf32>
    %rsqrt3A_86 = math.rsqrt %add3A_85 : vector<128xf32>
    %broadcast_in_dim3A_87 = vector.shape_cast %rsqrt3A_86 : vector<128xf32> to vector<128x1xf32>
    %slice3A_88 = vector.extract_strided_slice %get3A_2 {offsets = [9, 0, 0], sizes = [1, 1, 128], strides = [1, 1, 1]} : vector<40x2x128xf32> to vector<1x1x128xf32>
    %squeeze3A_89 = vector.shape_cast %slice3A_88 : vector<1x1x128xf32> to vector<128xf32>
    %slice3A_90 = vector.extract_strided_slice %get3A_2 {offsets = [9, 1, 0], sizes = [1, 1, 128], strides = [1, 1, 1]} : vector<40x2x128xf32> to vector<1x1x128xf32>
    %squeeze3A_91 = vector.shape_cast %slice3A_90 : vector<1x1x128xf32> to vector<128xf32>
    %add3A_92 = arith.addf %squeeze3A_89, %squeeze3A_91 : vector<128xf32>
    %add3A_93 = arith.constant 1.000000e+00 : f32
    %add3A_94 = vector.broadcast %add3A_93 : f32 to vector<128xf32>
    %add3A_95 = arith.addf %add3A_92, %add3A_94 : vector<128xf32>
    %rsqrt3A_96 = math.rsqrt %add3A_95 : vector<128xf32>
    %broadcast_in_dim3A_97 = vector.shape_cast %rsqrt3A_96 : vector<128xf32> to vector<128x1xf32>
    %slice3A_98 = vector.extract_strided_slice %get3A_2 {offsets = [10, 0, 0], sizes = [1, 1, 128], strides = [1, 1, 1]} : vector<40x2x128xf32> to vector<1x1x128xf32>
    %squeeze3A_99 = vector.shape_cast %slice3A_98 : vector<1x1x128xf32> to vector<128xf32>
    %slice3A_100 = vector.extract_strided_slice %get3A_2 {offsets = [10, 1, 0], sizes = [1, 1, 128], strides = [1, 1, 1]} : vector<40x2x128xf32> to vector<1x1x128xf32>
    %squeeze3A_101 = vector.shape_cast %slice3A_100 : vector<1x1x128xf32> to vector<128xf32>
    %add3A_102 = arith.addf %squeeze3A_99, %squeeze3A_101 : vector<128xf32>
    %add3A_103 = arith.constant 1.000000e+00 : f32
    %add3A_104 = vector.broadcast %add3A_103 : f32 to vector<128xf32>
    %add3A_105 = arith.addf %add3A_102, %add3A_104 : vector<128xf32>
    %rsqrt3A_106 = math.rsqrt %add3A_105 : vector<128xf32>
    %broadcast_in_dim3A_107 = vector.shape_cast %rsqrt3A_106 : vector<128xf32> to vector<128x1xf32>
    %slice3A_108 = vector.extract_strided_slice %get3A_2 {offsets = [11, 0, 0], sizes = [1, 1, 128], strides = [1, 1, 1]} : vector<40x2x128xf32> to vector<1x1x128xf32>
    %squeeze3A_109 = vector.shape_cast %slice3A_108 : vector<1x1x128xf32> to vector<128xf32>
    %slice3A_110 = vector.extract_strided_slice %get3A_2 {offsets = [11, 1, 0], sizes = [1, 1, 128], strides = [1, 1, 1]} : vector<40x2x128xf32> to vector<1x1x128xf32>
    %squeeze3A_111 = vector.shape_cast %slice3A_110 : vector<1x1x128xf32> to vector<128xf32>
    %add3A_112 = arith.addf %squeeze3A_109, %squeeze3A_111 : vector<128xf32>
    %add3A_113 = arith.constant 1.000000e+00 : f32
    %add3A_114 = vector.broadcast %add3A_113 : f32 to vector<128xf32>
    %add3A_115 = arith.addf %add3A_112, %add3A_114 : vector<128xf32>
    %rsqrt3A_116 = math.rsqrt %add3A_115 : vector<128xf32>
    %broadcast_in_dim3A_117 = vector.shape_cast %rsqrt3A_116 : vector<128xf32> to vector<128x1xf32>
    %slice3A_118 = vector.extract_strided_slice %get3A_2 {offsets = [12, 0, 0], sizes = [1, 1, 128], strides = [1, 1, 1]} : vector<40x2x128xf32> to vector<1x1x128xf32>
    %squeeze3A_119 = vector.shape_cast %slice3A_118 : vector<1x1x128xf32> to vector<128xf32>
    %slice3A_120 = vector.extract_strided_slice %get3A_2 {offsets = [12, 1, 0], sizes = [1, 1, 128], strides = [1, 1, 1]} : vector<40x2x128xf32> to vector<1x1x128xf32>
    %squeeze3A_121 = vector.shape_cast %slice3A_120 : vector<1x1x128xf32> to vector<128xf32>
    %add3A_122 = arith.addf %squeeze3A_119, %squeeze3A_121 : vector<128xf32>
    %add3A_123 = arith.constant 1.000000e+00 : f32
    %add3A_124 = vector.broadcast %add3A_123 : f32 to vector<128xf32>
    %add3A_125 = arith.addf %add3A_122, %add3A_124 : vector<128xf32>
    %rsqrt3A_126 = math.rsqrt %add3A_125 : vector<128xf32>
    %broadcast_in_dim3A_127 = vector.shape_cast %rsqrt3A_126 : vector<128xf32> to vector<128x1xf32>
    %slice3A_128 = vector.extract_strided_slice %get3A_2 {offsets = [13, 0, 0], sizes = [1, 1, 128], strides = [1, 1, 1]} : vector<40x2x128xf32> to vector<1x1x128xf32>
    %squeeze3A_129 = vector.shape_cast %slice3A_128 : vector<1x1x128xf32> to vector<128xf32>
    %slice3A_130 = vector.extract_strided_slice %get3A_2 {offsets = [13, 1, 0], sizes = [1, 1, 128], strides = [1, 1, 1]} : vector<40x2x128xf32> to vector<1x1x128xf32>
    %squeeze3A_131 = vector.shape_cast %slice3A_130 : vector<1x1x128xf32> to vector<128xf32>
    %add3A_132 = arith.addf %squeeze3A_129, %squeeze3A_131 : vector<128xf32>
    %add3A_133 = arith.constant 1.000000e+00 : f32
    %add3A_134 = vector.broadcast %add3A_133 : f32 to vector<128xf32>
    %add3A_135 = arith.addf %add3A_132, %add3A_134 : vector<128xf32>
    %rsqrt3A_136 = math.rsqrt %add3A_135 : vector<128xf32>
    %broadcast_in_dim3A_137 = vector.shape_cast %rsqrt3A_136 : vector<128xf32> to vector<128x1xf32>
    %slice3A_138 = vector.extract_strided_slice %get3A_2 {offsets = [14, 0, 0], sizes = [1, 1, 128], strides = [1, 1, 1]} : vector<40x2x128xf32> to vector<1x1x128xf32>
    %squeeze3A_139 = vector.shape_cast %slice3A_138 : vector<1x1x128xf32> to vector<128xf32>
    %slice3A_140 = vector.extract_strided_slice %get3A_2 {offsets = [14, 1, 0], sizes = [1, 1, 128], strides = [1, 1, 1]} : vector<40x2x128xf32> to vector<1x1x128xf32>
    %squeeze3A_141 = vector.shape_cast %slice3A_140 : vector<1x1x128xf32> to vector<128xf32>
    %add3A_142 = arith.addf %squeeze3A_139, %squeeze3A_141 : vector<128xf32>
    %add3A_143 = arith.constant 1.000000e+00 : f32
    %add3A_144 = vector.broadcast %add3A_143 : f32 to vector<128xf32>
    %add3A_145 = arith.addf %add3A_142, %add3A_144 : vector<128xf32>
    %rsqrt3A_146 = math.rsqrt %add3A_145 : vector<128xf32>
    %broadcast_in_dim3A_147 = vector.shape_cast %rsqrt3A_146 : vector<128xf32> to vector<128x1xf32>
    %slice3A_148 = vector.extract_strided_slice %get3A_2 {offsets = [15, 0, 0], sizes = [1, 1, 128], strides = [1, 1, 1]} : vector<40x2x128xf32> to vector<1x1x128xf32>
    %squeeze3A_149 = vector.shape_cast %slice3A_148 : vector<1x1x128xf32> to vector<128xf32>
    %slice3A_150 = vector.extract_strided_slice %get3A_2 {offsets = [15, 1, 0], sizes = [1, 1, 128], strides = [1, 1, 1]} : vector<40x2x128xf32> to vector<1x1x128xf32>
    %squeeze3A_151 = vector.shape_cast %slice3A_150 : vector<1x1x128xf32> to vector<128xf32>
    %add3A_152 = arith.addf %squeeze3A_149, %squeeze3A_151 : vector<128xf32>
    %add3A_153 = arith.constant 1.000000e+00 : f32
    %add3A_154 = vector.broadcast %add3A_153 : f32 to vector<128xf32>
    %add3A_155 = arith.addf %add3A_152, %add3A_154 : vector<128xf32>
    %rsqrt3A_156 = math.rsqrt %add3A_155 : vector<128xf32>
    %broadcast_in_dim3A_157 = vector.shape_cast %rsqrt3A_156 : vector<128xf32> to vector<128x1xf32>
    %slice3A_158 = vector.extract_strided_slice %get3A_2 {offsets = [16, 0, 0], sizes = [1, 1, 128], strides = [1, 1, 1]} : vector<40x2x128xf32> to vector<1x1x128xf32>
    %squeeze3A_159 = vector.shape_cast %slice3A_158 : vector<1x1x128xf32> to vector<128xf32>
    %slice3A_160 = vector.extract_strided_slice %get3A_2 {offsets = [16, 1, 0], sizes = [1, 1, 128], strides = [1, 1, 1]} : vector<40x2x128xf32> to vector<1x1x128xf32>
    %squeeze3A_161 = vector.shape_cast %slice3A_160 : vector<1x1x128xf32> to vector<128xf32>
    %add3A_162 = arith.addf %squeeze3A_159, %squeeze3A_161 : vector<128xf32>
    %add3A_163 = arith.constant 1.000000e+00 : f32
    %add3A_164 = vector.broadcast %add3A_163 : f32 to vector<128xf32>
    %add3A_165 = arith.addf %add3A_162, %add3A_164 : vector<128xf32>
    %rsqrt3A_166 = math.rsqrt %add3A_165 : vector<128xf32>
    %broadcast_in_dim3A_167 = vector.shape_cast %rsqrt3A_166 : vector<128xf32> to vector<128x1xf32>
    %slice3A_168 = vector.extract_strided_slice %get3A_2 {offsets = [17, 0, 0], sizes = [1, 1, 128], strides = [1, 1, 1]} : vector<40x2x128xf32> to vector<1x1x128xf32>
    %squeeze3A_169 = vector.shape_cast %slice3A_168 : vector<1x1x128xf32> to vector<128xf32>
    %slice3A_170 = vector.extract_strided_slice %get3A_2 {offsets = [17, 1, 0], sizes = [1, 1, 128], strides = [1, 1, 1]} : vector<40x2x128xf32> to vector<1x1x128xf32>
    %squeeze3A_171 = vector.shape_cast %slice3A_170 : vector<1x1x128xf32> to vector<128xf32>
    %add3A_172 = arith.addf %squeeze3A_169, %squeeze3A_171 : vector<128xf32>
    %add3A_173 = arith.constant 1.000000e+00 : f32
    %add3A_174 = vector.broadcast %add3A_173 : f32 to vector<128xf32>
    %add3A_175 = arith.addf %add3A_172, %add3A_174 : vector<128xf32>
    %rsqrt3A_176 = math.rsqrt %add3A_175 : vector<128xf32>
    %broadcast_in_dim3A_177 = vector.shape_cast %rsqrt3A_176 : vector<128xf32> to vector<128x1xf32>
    %slice3A_178 = vector.extract_strided_slice %get3A_2 {offsets = [18, 0, 0], sizes = [1, 1, 128], strides = [1, 1, 1]} : vector<40x2x128xf32> to vector<1x1x128xf32>
    %squeeze3A_179 = vector.shape_cast %slice3A_178 : vector<1x1x128xf32> to vector<128xf32>
    %slice3A_180 = vector.extract_strided_slice %get3A_2 {offsets = [18, 1, 0], sizes = [1, 1, 128], strides = [1, 1, 1]} : vector<40x2x128xf32> to vector<1x1x128xf32>
    %squeeze3A_181 = vector.shape_cast %slice3A_180 : vector<1x1x128xf32> to vector<128xf32>
    %add3A_182 = arith.addf %squeeze3A_179, %squeeze3A_181 : vector<128xf32>
    %add3A_183 = arith.constant 1.000000e+00 : f32
    %add3A_184 = vector.broadcast %add3A_183 : f32 to vector<128xf32>
    %add3A_185 = arith.addf %add3A_182, %add3A_184 : vector<128xf32>
    %rsqrt3A_186 = math.rsqrt %add3A_185 : vector<128xf32>
    %broadcast_in_dim3A_187 = vector.shape_cast %rsqrt3A_186 : vector<128xf32> to vector<128x1xf32>
    %slice3A_188 = vector.extract_strided_slice %get3A_2 {offsets = [19, 0, 0], sizes = [1, 1, 128], strides = [1, 1, 1]} : vector<40x2x128xf32> to vector<1x1x128xf32>
    %squeeze3A_189 = vector.shape_cast %slice3A_188 : vector<1x1x128xf32> to vector<128xf32>
    %slice3A_190 = vector.extract_strided_slice %get3A_2 {offsets = [19, 1, 0], sizes = [1, 1, 128], strides = [1, 1, 1]} : vector<40x2x128xf32> to vector<1x1x128xf32>
    %squeeze3A_191 = vector.shape_cast %slice3A_190 : vector<1x1x128xf32> to vector<128xf32>
    %add3A_192 = arith.addf %squeeze3A_189, %squeeze3A_191 : vector<128xf32>
    %add3A_193 = arith.constant 1.000000e+00 : f32
    %add3A_194 = vector.broadcast %add3A_193 : f32 to vector<128xf32>
    %add3A_195 = arith.addf %add3A_192, %add3A_194 : vector<128xf32>
    %rsqrt3A_196 = math.rsqrt %add3A_195 : vector<128xf32>
    %broadcast_in_dim3A_197 = vector.shape_cast %rsqrt3A_196 : vector<128xf32> to vector<128x1xf32>
    %slice3A_198 = vector.extract_strided_slice %get3A_2 {offsets = [20, 0, 0], sizes = [1, 1, 128], strides = [1, 1, 1]} : vector<40x2x128xf32> to vector<1x1x128xf32>
    %squeeze3A_199 = vector.shape_cast %slice3A_198 : vector<1x1x128xf32> to vector<128xf32>
    %slice3A_200 = vector.extract_strided_slice %get3A_2 {offsets = [20, 1, 0], sizes = [1, 1, 128], strides = [1, 1, 1]} : vector<40x2x128xf32> to vector<1x1x128xf32>
    %squeeze3A_201 = vector.shape_cast %slice3A_200 : vector<1x1x128xf32> to vector<128xf32>
    %add3A_202 = arith.addf %squeeze3A_199, %squeeze3A_201 : vector<128xf32>
    %add3A_203 = arith.constant 1.000000e+00 : f32
    %add3A_204 = vector.broadcast %add3A_203 : f32 to vector<128xf32>
    %add3A_205 = arith.addf %add3A_202, %add3A_204 : vector<128xf32>
    %rsqrt3A_206 = math.rsqrt %add3A_205 : vector<128xf32>
    %broadcast_in_dim3A_207 = vector.shape_cast %rsqrt3A_206 : vector<128xf32> to vector<128x1xf32>
    %slice3A_208 = vector.extract_strided_slice %get3A_2 {offsets = [21, 0, 0], sizes = [1, 1, 128], strides = [1, 1, 1]} : vector<40x2x128xf32> to vector<1x1x128xf32>
    %squeeze3A_209 = vector.shape_cast %slice3A_208 : vector<1x1x128xf32> to vector<128xf32>
    %slice3A_210 = vector.extract_strided_slice %get3A_2 {offsets = [21, 1, 0], sizes = [1, 1, 128], strides = [1, 1, 1]} : vector<40x2x128xf32> to vector<1x1x128xf32>
    %squeeze3A_211 = vector.shape_cast %slice3A_210 : vector<1x1x128xf32> to vector<128xf32>
    %add3A_212 = arith.addf %squeeze3A_209, %squeeze3A_211 : vector<128xf32>
    %add3A_213 = arith.constant 1.000000e+00 : f32
    %add3A_214 = vector.broadcast %add3A_213 : f32 to vector<128xf32>
    %add3A_215 = arith.addf %add3A_212, %add3A_214 : vector<128xf32>
    %rsqrt3A_216 = math.rsqrt %add3A_215 : vector<128xf32>
    %broadcast_in_dim3A_217 = vector.shape_cast %rsqrt3A_216 : vector<128xf32> to vector<128x1xf32>
    %slice3A_218 = vector.extract_strided_slice %get3A_2 {offsets = [22, 0, 0], sizes = [1, 1, 128], strides = [1, 1, 1]} : vector<40x2x128xf32> to vector<1x1x128xf32>
    %squeeze3A_219 = vector.shape_cast %slice3A_218 : vector<1x1x128xf32> to vector<128xf32>
    %slice3A_220 = vector.extract_strided_slice %get3A_2 {offsets = [22, 1, 0], sizes = [1, 1, 128], strides = [1, 1, 1]} : vector<40x2x128xf32> to vector<1x1x128xf32>
    %squeeze3A_221 = vector.shape_cast %slice3A_220 : vector<1x1x128xf32> to vector<128xf32>
    %add3A_222 = arith.addf %squeeze3A_219, %squeeze3A_221 : vector<128xf32>
    %add3A_223 = arith.constant 1.000000e+00 : f32
    %add3A_224 = vector.broadcast %add3A_223 : f32 to vector<128xf32>
    %add3A_225 = arith.addf %add3A_222, %add3A_224 : vector<128xf32>
    %rsqrt3A_226 = math.rsqrt %add3A_225 : vector<128xf32>
    %broadcast_in_dim3A_227 = vector.shape_cast %rsqrt3A_226 : vector<128xf32> to vector<128x1xf32>
    %slice3A_228 = vector.extract_strided_slice %get3A_2 {offsets = [23, 0, 0], sizes = [1, 1, 128], strides = [1, 1, 1]} : vector<40x2x128xf32> to vector<1x1x128xf32>
    %squeeze3A_229 = vector.shape_cast %slice3A_228 : vector<1x1x128xf32> to vector<128xf32>
    %slice3A_230 = vector.extract_strided_slice %get3A_2 {offsets = [23, 1, 0], sizes = [1, 1, 128], strides = [1, 1, 1]} : vector<40x2x128xf32> to vector<1x1x128xf32>
    %squeeze3A_231 = vector.shape_cast %slice3A_230 : vector<1x1x128xf32> to vector<128xf32>
    %add3A_232 = arith.addf %squeeze3A_229, %squeeze3A_231 : vector<128xf32>
    %add3A_233 = arith.constant 1.000000e+00 : f32
    %add3A_234 = vector.broadcast %add3A_233 : f32 to vector<128xf32>
    %add3A_235 = arith.addf %add3A_232, %add3A_234 : vector<128xf32>
    %rsqrt3A_236 = math.rsqrt %add3A_235 : vector<128xf32>
    %broadcast_in_dim3A_237 = vector.shape_cast %rsqrt3A_236 : vector<128xf32> to vector<128x1xf32>
    %slice3A_238 = vector.extract_strided_slice %get3A_2 {offsets = [24, 0, 0], sizes = [1, 1, 128], strides = [1, 1, 1]} : vector<40x2x128xf32> to vector<1x1x128xf32>
    %squeeze3A_239 = vector.shape_cast %slice3A_238 : vector<1x1x128xf32> to vector<128xf32>
    %slice3A_240 = vector.extract_strided_slice %get3A_2 {offsets = [24, 1, 0], sizes = [1, 1, 128], strides = [1, 1, 1]} : vector<40x2x128xf32> to vector<1x1x128xf32>
    %squeeze3A_241 = vector.shape_cast %slice3A_240 : vector<1x1x128xf32> to vector<128xf32>
    %add3A_242 = arith.addf %squeeze3A_239, %squeeze3A_241 : vector<128xf32>
    %add3A_243 = arith.constant 1.000000e+00 : f32
    %add3A_244 = vector.broadcast %add3A_243 : f32 to vector<128xf32>
    %add3A_245 = arith.addf %add3A_242, %add3A_244 : vector<128xf32>
    %rsqrt3A_246 = math.rsqrt %add3A_245 : vector<128xf32>
    %broadcast_in_dim3A_247 = vector.shape_cast %rsqrt3A_246 : vector<128xf32> to vector<128x1xf32>
    %slice3A_248 = vector.extract_strided_slice %get3A_2 {offsets = [25, 0, 0], sizes = [1, 1, 128], strides = [1, 1, 1]} : vector<40x2x128xf32> to vector<1x1x128xf32>
    %squeeze3A_249 = vector.shape_cast %slice3A_248 : vector<1x1x128xf32> to vector<128xf32>
    %slice3A_250 = vector.extract_strided_slice %get3A_2 {offsets = [25, 1, 0], sizes = [1, 1, 128], strides = [1, 1, 1]} : vector<40x2x128xf32> to vector<1x1x128xf32>
    %squeeze3A_251 = vector.shape_cast %slice3A_250 : vector<1x1x128xf32> to vector<128xf32>
    %add3A_252 = arith.addf %squeeze3A_249, %squeeze3A_251 : vector<128xf32>
    %add3A_253 = arith.constant 1.000000e+00 : f32
    %add3A_254 = vector.broadcast %add3A_253 : f32 to vector<128xf32>
    %add3A_255 = arith.addf %add3A_252, %add3A_254 : vector<128xf32>
    %rsqrt3A_256 = math.rsqrt %add3A_255 : vector<128xf32>
    %broadcast_in_dim3A_257 = vector.shape_cast %rsqrt3A_256 : vector<128xf32> to vector<128x1xf32>
    %slice3A_258 = vector.extract_strided_slice %get3A_2 {offsets = [26, 0, 0], sizes = [1, 1, 128], strides = [1, 1, 1]} : vector<40x2x128xf32> to vector<1x1x128xf32>
    %squeeze3A_259 = vector.shape_cast %slice3A_258 : vector<1x1x128xf32> to vector<128xf32>
    %slice3A_260 = vector.extract_strided_slice %get3A_2 {offsets = [26, 1, 0], sizes = [1, 1, 128], strides = [1, 1, 1]} : vector<40x2x128xf32> to vector<1x1x128xf32>
    %squeeze3A_261 = vector.shape_cast %slice3A_260 : vector<1x1x128xf32> to vector<128xf32>
    %add3A_262 = arith.addf %squeeze3A_259, %squeeze3A_261 : vector<128xf32>
    %add3A_263 = arith.constant 1.000000e+00 : f32
    %add3A_264 = vector.broadcast %add3A_263 : f32 to vector<128xf32>
    %add3A_265 = arith.addf %add3A_262, %add3A_264 : vector<128xf32>
    %rsqrt3A_266 = math.rsqrt %add3A_265 : vector<128xf32>
    %broadcast_in_dim3A_267 = vector.shape_cast %rsqrt3A_266 : vector<128xf32> to vector<128x1xf32>
    %slice3A_268 = vector.extract_strided_slice %get3A_2 {offsets = [27, 0, 0], sizes = [1, 1, 128], strides = [1, 1, 1]} : vector<40x2x128xf32> to vector<1x1x128xf32>
    %squeeze3A_269 = vector.shape_cast %slice3A_268 : vector<1x1x128xf32> to vector<128xf32>
    %slice3A_270 = vector.extract_strided_slice %get3A_2 {offsets = [27, 1, 0], sizes = [1, 1, 128], strides = [1, 1, 1]} : vector<40x2x128xf32> to vector<1x1x128xf32>
    %squeeze3A_271 = vector.shape_cast %slice3A_270 : vector<1x1x128xf32> to vector<128xf32>
    %add3A_272 = arith.addf %squeeze3A_269, %squeeze3A_271 : vector<128xf32>
    %add3A_273 = arith.constant 1.000000e+00 : f32
    %add3A_274 = vector.broadcast %add3A_273 : f32 to vector<128xf32>
    %add3A_275 = arith.addf %add3A_272, %add3A_274 : vector<128xf32>
    %rsqrt3A_276 = math.rsqrt %add3A_275 : vector<128xf32>
    %broadcast_in_dim3A_277 = vector.shape_cast %rsqrt3A_276 : vector<128xf32> to vector<128x1xf32>
    %slice3A_278 = vector.extract_strided_slice %get3A_2 {offsets = [28, 0, 0], sizes = [1, 1, 128], strides = [1, 1, 1]} : vector<40x2x128xf32> to vector<1x1x128xf32>
    %squeeze3A_279 = vector.shape_cast %slice3A_278 : vector<1x1x128xf32> to vector<128xf32>
    %slice3A_280 = vector.extract_strided_slice %get3A_2 {offsets = [28, 1, 0], sizes = [1, 1, 128], strides = [1, 1, 1]} : vector<40x2x128xf32> to vector<1x1x128xf32>
    %squeeze3A_281 = vector.shape_cast %slice3A_280 : vector<1x1x128xf32> to vector<128xf32>
    %add3A_282 = arith.addf %squeeze3A_279, %squeeze3A_281 : vector<128xf32>
    %add3A_283 = arith.constant 1.000000e+00 : f32
    %add3A_284 = vector.broadcast %add3A_283 : f32 to vector<128xf32>
    %add3A_285 = arith.addf %add3A_282, %add3A_284 : vector<128xf32>
    %rsqrt3A_286 = math.rsqrt %add3A_285 : vector<128xf32>
    %broadcast_in_dim3A_287 = vector.shape_cast %rsqrt3A_286 : vector<128xf32> to vector<128x1xf32>
    %slice3A_288 = vector.extract_strided_slice %get3A_2 {offsets = [29, 0, 0], sizes = [1, 1, 128], strides = [1, 1, 1]} : vector<40x2x128xf32> to vector<1x1x128xf32>
    %squeeze3A_289 = vector.shape_cast %slice3A_288 : vector<1x1x128xf32> to vector<128xf32>
    %slice3A_290 = vector.extract_strided_slice %get3A_2 {offsets = [29, 1, 0], sizes = [1, 1, 128], strides = [1, 1, 1]} : vector<40x2x128xf32> to vector<1x1x128xf32>
    %squeeze3A_291 = vector.shape_cast %slice3A_290 : vector<1x1x128xf32> to vector<128xf32>
    %add3A_292 = arith.addf %squeeze3A_289, %squeeze3A_291 : vector<128xf32>
    %add3A_293 = arith.constant 1.000000e+00 : f32
    %add3A_294 = vector.broadcast %add3A_293 : f32 to vector<128xf32>
    %add3A_295 = arith.addf %add3A_292, %add3A_294 : vector<128xf32>
    %rsqrt3A_296 = math.rsqrt %add3A_295 : vector<128xf32>
    %broadcast_in_dim3A_297 = vector.shape_cast %rsqrt3A_296 : vector<128xf32> to vector<128x1xf32>
    %slice3A_298 = vector.extract_strided_slice %get3A_2 {offsets = [30, 0, 0], sizes = [1, 1, 128], strides = [1, 1, 1]} : vector<40x2x128xf32> to vector<1x1x128xf32>
    %squeeze3A_299 = vector.shape_cast %slice3A_298 : vector<1x1x128xf32> to vector<128xf32>
    %slice3A_300 = vector.extract_strided_slice %get3A_2 {offsets = [30, 1, 0], sizes = [1, 1, 128], strides = [1, 1, 1]} : vector<40x2x128xf32> to vector<1x1x128xf32>
    %squeeze3A_301 = vector.shape_cast %slice3A_300 : vector<1x1x128xf32> to vector<128xf32>
    %add3A_302 = arith.addf %squeeze3A_299, %squeeze3A_301 : vector<128xf32>
    %add3A_303 = arith.constant 1.000000e+00 : f32
    %add3A_304 = vector.broadcast %add3A_303 : f32 to vector<128xf32>
    %add3A_305 = arith.addf %add3A_302, %add3A_304 : vector<128xf32>
    %rsqrt3A_306 = math.rsqrt %add3A_305 : vector<128xf32>
    %broadcast_in_dim3A_307 = vector.shape_cast %rsqrt3A_306 : vector<128xf32> to vector<128x1xf32>
    %slice3A_308 = vector.extract_strided_slice %get3A_2 {offsets = [31, 0, 0], sizes = [1, 1, 128], strides = [1, 1, 1]} : vector<40x2x128xf32> to vector<1x1x128xf32>
    %squeeze3A_309 = vector.shape_cast %slice3A_308 : vector<1x1x128xf32> to vector<128xf32>
    %slice3A_310 = vector.extract_strided_slice %get3A_2 {offsets = [31, 1, 0], sizes = [1, 1, 128], strides = [1, 1, 1]} : vector<40x2x128xf32> to vector<1x1x128xf32>
    %squeeze3A_311 = vector.shape_cast %slice3A_310 : vector<1x1x128xf32> to vector<128xf32>
    %add3A_312 = arith.addf %squeeze3A_309, %squeeze3A_311 : vector<128xf32>
    %add3A_313 = arith.constant 1.000000e+00 : f32
    %add3A_314 = vector.broadcast %add3A_313 : f32 to vector<128xf32>
    %add3A_315 = arith.addf %add3A_312, %add3A_314 : vector<128xf32>
    %rsqrt3A_316 = math.rsqrt %add3A_315 : vector<128xf32>
    %broadcast_in_dim3A_317 = vector.shape_cast %rsqrt3A_316 : vector<128xf32> to vector<128x1xf32>
    %slice3A_318 = vector.extract_strided_slice %get3A_2 {offsets = [32, 0, 0], sizes = [1, 1, 128], strides = [1, 1, 1]} : vector<40x2x128xf32> to vector<1x1x128xf32>
    %squeeze3A_319 = vector.shape_cast %slice3A_318 : vector<1x1x128xf32> to vector<128xf32>
    %slice3A_320 = vector.extract_strided_slice %get3A_2 {offsets = [32, 1, 0], sizes = [1, 1, 128], strides = [1, 1, 1]} : vector<40x2x128xf32> to vector<1x1x128xf32>
    %squeeze3A_321 = vector.shape_cast %slice3A_320 : vector<1x1x128xf32> to vector<128xf32>
    %add3A_322 = arith.addf %squeeze3A_319, %squeeze3A_321 : vector<128xf32>
    %add3A_323 = arith.constant 1.000000e+00 : f32
    %add3A_324 = vector.broadcast %add3A_323 : f32 to vector<128xf32>
    %add3A_325 = arith.addf %add3A_322, %add3A_324 : vector<128xf32>
    %rsqrt3A_326 = math.rsqrt %add3A_325 : vector<128xf32>
    %broadcast_in_dim3A_327 = vector.shape_cast %rsqrt3A_326 : vector<128xf32> to vector<128x1xf32>
    %slice3A_328 = vector.extract_strided_slice %get3A_2 {offsets = [33, 0, 0], sizes = [1, 1, 128], strides = [1, 1, 1]} : vector<40x2x128xf32> to vector<1x1x128xf32>
    %squeeze3A_329 = vector.shape_cast %slice3A_328 : vector<1x1x128xf32> to vector<128xf32>
    %slice3A_330 = vector.extract_strided_slice %get3A_2 {offsets = [33, 1, 0], sizes = [1, 1, 128], strides = [1, 1, 1]} : vector<40x2x128xf32> to vector<1x1x128xf32>
    %squeeze3A_331 = vector.shape_cast %slice3A_330 : vector<1x1x128xf32> to vector<128xf32>
    %add3A_332 = arith.addf %squeeze3A_329, %squeeze3A_331 : vector<128xf32>
    %add3A_333 = arith.constant 1.000000e+00 : f32
    %add3A_334 = vector.broadcast %add3A_333 : f32 to vector<128xf32>
    %add3A_335 = arith.addf %add3A_332, %add3A_334 : vector<128xf32>
    %rsqrt3A_336 = math.rsqrt %add3A_335 : vector<128xf32>
    %broadcast_in_dim3A_337 = vector.shape_cast %rsqrt3A_336 : vector<128xf32> to vector<128x1xf32>
    %slice3A_338 = vector.extract_strided_slice %get3A_2 {offsets = [34, 0, 0], sizes = [1, 1, 128], strides = [1, 1, 1]} : vector<40x2x128xf32> to vector<1x1x128xf32>
    %squeeze3A_339 = vector.shape_cast %slice3A_338 : vector<1x1x128xf32> to vector<128xf32>
    %slice3A_340 = vector.extract_strided_slice %get3A_2 {offsets = [34, 1, 0], sizes = [1, 1, 128], strides = [1, 1, 1]} : vector<40x2x128xf32> to vector<1x1x128xf32>
    %squeeze3A_341 = vector.shape_cast %slice3A_340 : vector<1x1x128xf32> to vector<128xf32>
    %add3A_342 = arith.addf %squeeze3A_339, %squeeze3A_341 : vector<128xf32>
    %add3A_343 = arith.constant 1.000000e+00 : f32
    %add3A_344 = vector.broadcast %add3A_343 : f32 to vector<128xf32>
    %add3A_345 = arith.addf %add3A_342, %add3A_344 : vector<128xf32>
    %rsqrt3A_346 = math.rsqrt %add3A_345 : vector<128xf32>
    %broadcast_in_dim3A_347 = vector.shape_cast %rsqrt3A_346 : vector<128xf32> to vector<128x1xf32>
    %slice3A_348 = vector.extract_strided_slice %get3A_2 {offsets = [35, 0, 0], sizes = [1, 1, 128], strides = [1, 1, 1]} : vector<40x2x128xf32> to vector<1x1x128xf32>
    %squeeze3A_349 = vector.shape_cast %slice3A_348 : vector<1x1x128xf32> to vector<128xf32>
    %slice3A_350 = vector.extract_strided_slice %get3A_2 {offsets = [35, 1, 0], sizes = [1, 1, 128], strides = [1, 1, 1]} : vector<40x2x128xf32> to vector<1x1x128xf32>
    %squeeze3A_351 = vector.shape_cast %slice3A_350 : vector<1x1x128xf32> to vector<128xf32>
    %add3A_352 = arith.addf %squeeze3A_349, %squeeze3A_351 : vector<128xf32>
    %add3A_353 = arith.constant 1.000000e+00 : f32
    %add3A_354 = vector.broadcast %add3A_353 : f32 to vector<128xf32>
    %add3A_355 = arith.addf %add3A_352, %add3A_354 : vector<128xf32>
    %rsqrt3A_356 = math.rsqrt %add3A_355 : vector<128xf32>
    %broadcast_in_dim3A_357 = vector.shape_cast %rsqrt3A_356 : vector<128xf32> to vector<128x1xf32>
    %slice3A_358 = vector.extract_strided_slice %get3A_2 {offsets = [36, 0, 0], sizes = [1, 1, 128], strides = [1, 1, 1]} : vector<40x2x128xf32> to vector<1x1x128xf32>
    %squeeze3A_359 = vector.shape_cast %slice3A_358 : vector<1x1x128xf32> to vector<128xf32>
    %slice3A_360 = vector.extract_strided_slice %get3A_2 {offsets = [36, 1, 0], sizes = [1, 1, 128], strides = [1, 1, 1]} : vector<40x2x128xf32> to vector<1x1x128xf32>
    %squeeze3A_361 = vector.shape_cast %slice3A_360 : vector<1x1x128xf32> to vector<128xf32>
    %add3A_362 = arith.addf %squeeze3A_359, %squeeze3A_361 : vector<128xf32>
    %add3A_363 = arith.constant 1.000000e+00 : f32
    %add3A_364 = vector.broadcast %add3A_363 : f32 to vector<128xf32>
    %add3A_365 = arith.addf %add3A_362, %add3A_364 : vector<128xf32>
    %rsqrt3A_366 = math.rsqrt %add3A_365 : vector<128xf32>
    %broadcast_in_dim3A_367 = vector.shape_cast %rsqrt3A_366 : vector<128xf32> to vector<128x1xf32>
    %slice3A_368 = vector.extract_strided_slice %get3A_2 {offsets = [37, 0, 0], sizes = [1, 1, 128], strides = [1, 1, 1]} : vector<40x2x128xf32> to vector<1x1x128xf32>
    %squeeze3A_369 = vector.shape_cast %slice3A_368 : vector<1x1x128xf32> to vector<128xf32>
    %slice3A_370 = vector.extract_strided_slice %get3A_2 {offsets = [37, 1, 0], sizes = [1, 1, 128], strides = [1, 1, 1]} : vector<40x2x128xf32> to vector<1x1x128xf32>
    %squeeze3A_371 = vector.shape_cast %slice3A_370 : vector<1x1x128xf32> to vector<128xf32>
    %add3A_372 = arith.addf %squeeze3A_369, %squeeze3A_371 : vector<128xf32>
    %add3A_373 = arith.constant 1.000000e+00 : f32
    %add3A_374 = vector.broadcast %add3A_373 : f32 to vector<128xf32>
    %add3A_375 = arith.addf %add3A_372, %add3A_374 : vector<128xf32>
    %rsqrt3A_376 = math.rsqrt %add3A_375 : vector<128xf32>
    %broadcast_in_dim3A_377 = vector.shape_cast %rsqrt3A_376 : vector<128xf32> to vector<128x1xf32>
    %slice3A_378 = vector.extract_strided_slice %get3A_2 {offsets = [38, 0, 0], sizes = [1, 1, 128], strides = [1, 1, 1]} : vector<40x2x128xf32> to vector<1x1x128xf32>
    %squeeze3A_379 = vector.shape_cast %slice3A_378 : vector<1x1x128xf32> to vector<128xf32>
    %slice3A_380 = vector.extract_strided_slice %get3A_2 {offsets = [38, 1, 0], sizes = [1, 1, 128], strides = [1, 1, 1]} : vector<40x2x128xf32> to vector<1x1x128xf32>
    %squeeze3A_381 = vector.shape_cast %slice3A_380 : vector<1x1x128xf32> to vector<128xf32>
    %add3A_382 = arith.addf %squeeze3A_379, %squeeze3A_381 : vector<128xf32>
    %add3A_383 = arith.constant 1.000000e+00 : f32
    %add3A_384 = vector.broadcast %add3A_383 : f32 to vector<128xf32>
    %add3A_385 = arith.addf %add3A_382, %add3A_384 : vector<128xf32>
    %rsqrt3A_386 = math.rsqrt %add3A_385 : vector<128xf32>
    %broadcast_in_dim3A_387 = vector.shape_cast %rsqrt3A_386 : vector<128xf32> to vector<128x1xf32>
    %slice3A_388 = vector.extract_strided_slice %get3A_2 {offsets = [39, 0, 0], sizes = [1, 1, 128], strides = [1, 1, 1]} : vector<40x2x128xf32> to vector<1x1x128xf32>
    %squeeze3A_389 = vector.shape_cast %slice3A_388 : vector<1x1x128xf32> to vector<128xf32>
    %slice3A_390 = vector.extract_strided_slice %get3A_2 {offsets = [39, 1, 0], sizes = [1, 1, 128], strides = [1, 1, 1]} : vector<40x2x128xf32> to vector<1x1x128xf32>
    %squeeze3A_391 = vector.shape_cast %slice3A_390 : vector<1x1x128xf32> to vector<128xf32>
    %add3A_392 = arith.addf %squeeze3A_389, %squeeze3A_391 : vector<128xf32>
    %add3A_393 = arith.constant 1.000000e+00 : f32
    %add3A_394 = vector.broadcast %add3A_393 : f32 to vector<128xf32>
    %add3A_395 = arith.addf %add3A_392, %add3A_394 : vector<128xf32>
    %rsqrt3A_396 = math.rsqrt %add3A_395 : vector<128xf32>
    %broadcast_in_dim3A_397 = vector.shape_cast %rsqrt3A_396 : vector<128xf32> to vector<128x1xf32>
    %concatenate3A = tpu.concatenate %broadcast_in_dim3A, %broadcast_in_dim3A_17, %broadcast_in_dim3A_27, %broadcast_in_dim3A_37, %broadcast_in_dim3A_47, %broadcast_in_dim3A_57, %broadcast_in_dim3A_67, %broadcast_in_dim3A_77, %broadcast_in_dim3A_87, %broadcast_in_dim3A_97, %broadcast_in_dim3A_107, %broadcast_in_dim3A_117, %broadcast_in_dim3A_127, %broadcast_in_dim3A_137, %broadcast_in_dim3A_147, %broadcast_in_dim3A_157, %broadcast_in_dim3A_167, %broadcast_in_dim3A_177, %broadcast_in_dim3A_187, %broadcast_in_dim3A_197, %broadcast_in_dim3A_207, %broadcast_in_dim3A_217, %broadcast_in_dim3A_227, %broadcast_in_dim3A_237, %broadcast_in_dim3A_247, %broadcast_in_dim3A_257, %broadcast_in_dim3A_267, %broadcast_in_dim3A_277, %broadcast_in_dim3A_287, %broadcast_in_dim3A_297, %broadcast_in_dim3A_307, %broadcast_in_dim3A_317, %broadcast_in_dim3A_327, %broadcast_in_dim3A_337, %broadcast_in_dim3A_347, %broadcast_in_dim3A_357, %broadcast_in_dim3A_367, %broadcast_in_dim3A_377, %broadcast_in_dim3A_387, %broadcast_in_dim3A_397 in 0 : vector<128x1xf32>, vector<128x1xf32>, vector<128x1xf32>, vector<128x1xf32>, vector<128x1xf32>, vector<128x1xf32>, vector<128x1xf32>, vector<128x1xf32>, vector<128x1xf32>, vector<128x1xf32>, vector<128x1xf32>, vector<128x1xf32>, vector<128x1xf32>, vector<128x1xf32>, vector<128x1xf32>, vector<128x1xf32>, vector<128x1xf32>, vector<128x1xf32>, vector<128x1xf32>, vector<128x1xf32>, vector<128x1xf32>, vector<128x1xf32>, vector<128x1xf32>, vector<128x1xf32>, vector<128x1xf32>, vector<128x1xf32>, vector<128x1xf32>, vector<128x1xf32>, vector<128x1xf32>, vector<128x1xf32>, vector<128x1xf32>, vector<128x1xf32>, vector<128x1xf32>, vector<128x1xf32>, vector<128x1xf32>, vector<128x1xf32>, vector<128x1xf32>, vector<128x1xf32>, vector<128x1xf32>, vector<128x1xf32> -> vector<5120x1xf32>
    %get3A_398 = arith.constant 0 : index
    %get3A_399 = arith.constant 0 : index
    %get3A_400 = arith.constant 0 : index
    %get3A_401 = vector.load %arg1[%get3A_398, %get3A_399, %get3A_400] : memref<2x5120x128xf32, #tpu.memory_space<vmem>>, vector<1x5120x128xf32>
    %get3A_402 = vector.shape_cast %get3A_401 : vector<1x5120x128xf32> to vector<5120x128xf32>
    %get3A_403 = arith.constant 1 : index
    %get3A_404 = arith.constant 0 : index
    %get3A_405 = arith.constant 0 : index
    %get3A_406 = vector.load %arg1[%get3A_403, %get3A_404, %get3A_405] : memref<2x5120x128xf32, #tpu.memory_space<vmem>>, vector<1x5120x128xf32>
    %get3A_407 = vector.shape_cast %get3A_406 : vector<1x5120x128xf32> to vector<5120x128xf32>
    %add3A_408 = arith.addf %get3A_402, %get3A_407 : vector<5120x128xf32>
    %get3A_409 = arith.constant 0 : index
    %get3A_410 = arith.constant 0 : index
    %get3A_411 = vector.load %arg2[%get3A_409, %get3A_410] : memref<5120x128xf32, #tpu.memory_space<vmem>>, vector<5120x128xf32>
    %add3A_412 = arith.addf %add3A_408, %get3A_411 : vector<5120x128xf32>
    %mul3A = vector.broadcast %concatenate3A : vector<5120x1xf32> to vector<5120x128xf32>
    %mul3A_413 = arith.mulf %add3A_412, %mul3A : vector<5120x128xf32>
    %get3A_414 = arith.constant 0 : index
    %get3A_415 = arith.constant 0 : index
    %get3A_416 = vector.load %arg4[%get3A_414, %get3A_415] : memref<1x128xf32, #tpu.memory_space<vmem>>, vector<1x128xf32>
    %add3A_417 = vector.broadcast %get3A_416 : vector<1x128xf32> to vector<5120x128xf32>
    %add3A_418 = arith.addf %mul3A_413, %add3A_417 : vector<5120x128xf32>
    %slice3A_419 = vector.extract_strided_slice %add3A_418 {offsets = [0, 0], sizes = [5120, 64], strides = [1, 1]} : vector<5120x128xf32> to vector<5120x64xf32>
    %swap3A = arith.constant 0 : index
    %swap3A_420 = arith.constant 0 : index
    %swap3A_421 = vector.load %arg5[%swap3A, %swap3A_420] : memref<5120x64xf32, #tpu.memory_space<vmem>>, vector<5120x64xf32>
    tpu.vector_store %arg5[%swap3A, %swap3A_420], %slice3A_419 {strides = array<i32>} : memref<5120x64xf32, #tpu.memory_space<vmem>>, vector<5120x64xf32>,
    %slice3A_422 = vector.extract_strided_slice %add3A_418 {offsets = [0, 64], sizes = [5120, 64], strides = [1, 1]} : vector<5120x128xf32> to vector<5120x64xf32>
    %swap3A_423 = arith.constant 0 : index
    %swap3A_424 = arith.constant 0 : index
    %swap3A_425 = vector.load %arg6[%swap3A_423, %swap3A_424] : memref<5120x64xf32, #tpu.memory_space<vmem>>, vector<5120x64xf32>
    tpu.vector_store %arg6[%swap3A_423, %swap3A_424], %slice3A_422 {strides = array<i32>} : memref<5120x64xf32, #tpu.memory_space<vmem>>, vector<5120x64xf32>,
    return
  }
  func.func @transform_0(%arg0: i32) -> (i32, i32, i32) {
    %c0_i32 = arith.constant 0 : i32
    %c0_i32_0 = arith.constant 0 : i32
    %c0_i32_1 = arith.constant 0 : i32
    return %c0_i32, %arg0, %c0_i32_0 : i32, i32, i32
  }
  func.func @transform_1(%arg0: i32) -> (i32, i32) {
    %c0_i32 = arith.constant 0 : i32
    %c0_i32_0 = arith.constant 0 : i32
    return %arg0, %c0_i32 : i32, i32
  }
  func.func @transform_2(%arg0: i32) -> (i32, i32, i32) {
    %c0_i32 = arith.constant 0 : i32
    %c0_i32_0 = arith.constant 0 : i32
    %c0_i32_1 = arith.constant 0 : i32
    return %arg0, %c0_i32, %c0_i32_0 : i32, i32, i32
  }
  func.func @transform_3(%arg0: i32) -> (i32, i32) {
    %c0_i32 = arith.constant 0 : i32
    %c0_i32_0 = arith.constant 0 : i32
    %c0_i32_1 = arith.constant 0 : i32
    return %c0_i32, %c0_i32_0 : i32, i32
  }
  func.func @transform_4(%arg0: i32) -> (i32, i32) {
    %c0_i32 = arith.constant 0 : i32
    %c0_i32_0 = arith.constant 0 : i32
    return %arg0, %c0_i32 : i32, i32
  }
  func.func @transform_5(%arg0: i32) -> (i32, i32) {
    %c0_i32 = arith.constant 0 : i32
    %c0_i32_0 = arith.constant 0 : i32
    return %arg0, %c0_i32 : i32, i32
  }
}

</mosaic_0001>

<sc_bundles>
// kernel: kernel.12.cloned.1.call-start
scs
__scs_entry_jumppad:
0x0: {  	(pc) =	sbr.rel $0x88, $3  }
0x1: {  	(tag) =	ssettag $0x0;
	lr =	simm.s32 $0x1  }
0x2: {  	[smem:$0x3F99] =	sst lr;
	_ =	strace $0xD0000000  }
0x3: {  	_ = 	snop  }
0x4: {  	_ = 	snop  }
0x5: {  	_ = 	snop  }
0x6: {  	_ = 	snop  }
0x7: {  	_ = 	snop  }
__scs_overlays_trampoline_lowered:
0x8: {  	[smem:$0x3FA8] =	sst s0  }
0x9: {  	[smem:$0x3FA9] =	sst s1  }
0xa: {  	[smem:$0x3FAA] =	sst s2  }
0xb: {  	[smem:$0x3FAB] =	sst s3  }
0xc: {  	[smem:$0x3FAC] =	sst s4  }
0xd: {  	[smem:$0x3FAD] =	sst s5  }
0xe: {  	[smem:$0x3FAE] =	sst s6  }
0xf: {  	[smem:$0x3FAF] =	sst s7  }
0x10: {  	[smem:$0x3FB0] =	sst s8  }
0x11: {  	[smem:$0x3FB1] =	sst s9;
	s0 =	simm.s32 @!p0 $0x0  }
0x12: {  	s1 =	sld [smem:$0x3F97];
	s0 =	simm.s32 @p0 $0x1  }
0x13: {  	[smem:$0x3FB2] =	sst s0;
	s0 =	simm.s32 @!p1 $0x0  }
0x14: {  	s2 =	sld [smem:$0x3F96];
	s0 =	simm.s32 @p1 $0x1  }
0x15: {  	[smem:$0x3FB3] =	sst s0;
	s0 =	simm.s32 @!p2 $0x0  }
0x16: {  	s3 =	sld [smem:$0x3FDB];
	s0 =	simm.s32 @p2 $0x1  }
0x17: {  	s4 =	simm.s32 $0x1BF5;
	[smem:$0x3FB5] =	sst s0  }
0x18: {  	s0 =	sld [smem:$0x3F98];
	_ =	swait.ge [sflag:s4], $0x0  }
0x19: {  	s7 =	sld [smem:$0x3F99]  }
0x1a: {  	s8 =	sadd.s32 $0xFFFFE003, lr  }
0x1b: {  	s9 =	sadd.s32 $0xFFFFFEF7, lr;
	s5 =	simm.s32 $0xFFFFFFFF;
	p2 =	slt.u32 s8, $0xFFFFF086  }
0x1c: {  	p1 =	slt.u32 s9, $0xF7A;
	s5 =	simm.s32 @!p2 $0x0  }
0x1d: {  	s5 =	simm.s32 @p1 $0x1;
	p0 =	seq.s32 s7, s2  }
0x1e: {  	s7 =	smul.u32 @!p0 $0xF7A, s2;
	p2 =	seq.s32 @!p0 s5, $0x0  }
0x1f: {  	s9 =	smul.u32 $0xF7A, s1;
	s8 =	simm.s32 @!p0 $0x1BF5;
	p2 =	por !p2, p0  }
0x20: {  	[sflag:s8] =	ssyncset.s32 @!p0 $0xFFFFF086;
	s6 =	sadd.s32 @!p0 s3, s7;
	s7 =	simm.s32 @!p0 $0x108  }
0x21: {  	s3 =	sadd.s32 s3, s9;
	s6 =	sadd.s32 @!p0 $0x88, s6;
	s7 =	simm.s32 @p2 $0x1082  }
0x22: {  	[simem:s7], [sflag:s8] =	dma.local @!p0 [hbm:s6], $0xF7A  }
0x23: {  	s9 =	sor.u32 $0xD0000000, s2;
	s6 =	simm.s32 $0x108;
	_ =	swait.ge @!p0 [sflag:s8], $0x0  }
0x24: {  	s3 =	sadd.s32 $0x88, s3;
	s6 =	simm.s32 @!p1 $0x1082;
	[sflag:s4] =	ssyncset.s32 $0xFFFFF086  }
0x25: {  	[simem:s6], [sflag:s4] =	dma.local [hbm:s3], $0xF7A  }
0x26: {  	[smem:$0x3F99] =	sst s1;
	(tag) =	ssettag s2;
	_ =	strace s9  }
0x27: {  	s1 =	sld [smem:$0x3FA9]  }
0x28: {  	s2 =	sld [smem:$0x3FAA]  }
0x29: {  	s4 =	sld [smem:$0x3FAC]  }
0x2a: {  	p0 =	seq.s32 s5, $0x0;
	s5 =	sld [smem:$0x3FAD]  }
0x2b: {  	s6 =	sld [smem:$0x3FAE]  }
0x2c: {  	s7 =	sld [smem:$0x3FAF]  }
0x2d: {  	s3 =	simm.s32 $0x108;
	s8 =	sld [smem:$0x3FB0]  }
0x2e: {  	s3 =	simm.s32 @!p0 $0x1082;
	s9 =	sld [smem:$0x3FB1]  }
0x2f: {  	lr =	sadd.s32 s0, s3;
	s0 =	sld [smem:$0x3FA8]  }
0x30: {  	s3 =	sld [smem:$0x3FAB]  }
0x31: {  	[smem:$0x3FB4] =	sst s10  }
0x32: {  	s10 =	sld [smem:$0x3FB2];
	_ =	sdelay $0x3  }
0x33: {  	p0 =	seq.s32 s10, $0x1;
	s10 =	sld [smem:$0x3FB4];
	_ =	sdelay $0x3  }
0x34: {  	[smem:$0x3FB4] =	sst s10  }
0x35: {  	s10 =	sld [smem:$0x3FB3];
	_ =	sdelay $0x3  }
0x36: {  	p1 =	seq.s32 s10, $0x1;
	s10 =	sld [smem:$0x3FB4];
	_ =	sdelay $0x3  }
0x37: {  	[smem:$0x3FB4] =	sst s10  }
0x38: {  	s10 =	sld [smem:$0x3FB5]  }
0x39: {  	_ = 	snop;
	(pc) =	sbr.ind lr, $3  }
0x3a: {  	_ = 	snop  }
0x3b: {  	_ = 	snop  }
0x3c: {  	p2 =	seq.s32 s10, $0x1;
	s10 =	sld [smem:$0x3FB4]  }
0x3d: {  	_ =	shalt  }
0x3e: {  	_ =	shalt  }
0x3f: {  	_ =	shalt  }
0x40: {  	_ =	shalt  }
0x41: {  	_ =	shalt  }
0x42: {  	_ =	shalt  }
0x43: {  	_ =	shalt  }
0x44: {  	_ =	shalt  }
0x45: {  	_ =	shalt  }
0x46: {  	_ =	shalt  }
0x47: {  	_ =	shalt  }
0x48: {  	_ =	shalt  }
0x49: {  	_ =	shalt  }
0x4a: {  	_ =	shalt  }
0x4b: {  	_ =	shalt  }
0x4c: {  	_ =	shalt  }
0x4d: {  	_ =	shalt  }
0x4e: {  	_ =	shalt  }
0x4f: {  	_ =	shalt  }
0x50: {  	_ =	shalt  }
0x51: {  	_ =	shalt  }
0x52: {  	_ =	shalt  }
0x53: {  	_ =	shalt  }
0x54: {  	_ =	shalt  }
0x55: {  	_ =	shalt  }
0x56: {  	_ =	shalt  }
0x57: {  	_ =	shalt  }
0x58: {  	_ =	shalt  }
0x59: {  	_ =	shalt  }
0x5a: {  	_ =	shalt  }
0x5b: {  	_ =	shalt  }
0x5c: {  	_ =	shalt  }
0x5d: {  	_ =	shalt  }
0x5e: {  	_ =	shalt  }
0x5f: {  	_ =	shalt  }
0x60: {  	_ =	shalt  }
0x61: {  	_ =	shalt  }
0x62: {  	_ =	shalt  }
0x63: {  	_ =	shalt  }
0x64: {  	_ =	shalt  }
0x65: {  	_ =	shalt  }
0x66: {  	_ =	shalt  }
0x67: {  	_ =	shalt  }
0x68: {  	_ =	shalt  }
0x69: {  	_ =	shalt  }
0x6a: {  	_ =	shalt  }
0x6b: {  	_ =	shalt  }
0x6c: {  	_ =	shalt  }
0x6d: {  	_ =	shalt  }
0x6e: {  	_ =	shalt  }
0x6f: {  	_ =	shalt  }
0x70: {  	_ =	shalt  }
0x71: {  	_ =	shalt  }
0x72: {  	_ =	shalt  }
0x73: {  	_ =	shalt  }
0x74: {  	_ =	shalt  }
0x75: {  	_ =	shalt  }
0x76: {  	_ =	shalt  }
0x77: {  	_ =	shalt  }
0x78: {  	_ =	shalt  }
0x79: {  	_ =	shalt  }
0x7a: {  	_ =	shalt  }
0x7b: {  	_ =	shalt  }
0x7c: {  	_ =	shalt  }
0x7d: {  	_ =	shalt  }
0x7e: {  	_ =	shalt  }
0x7f: {  	_ =	shalt  }
0x80: {  	_ =	shalt  }
0x81: {  	_ =	shalt  }
0x82: {  	_ =	shalt  }
0x83: {  	_ =	shalt  }
0x84: {  	_ =	shalt  }
0x85: {  	_ =	shalt  }
0x86: {  	_ =	shalt  }
0x87: {  	_ =	shalt  }
.Lfunc_end0:
.L_simem_size_0:
called_computation.1_lowered:
.L_overlay_start_0:
0x88: {  	s2 =	sld [smem:$0x3FD9]  }
0x89: {  	s3 =	sld [smem:$0x3FFE];
	_ =	sdelay $0x1  }
0x8a: {  	s1 =	srdreg.scid  }
0x8b: {  	s0 =	sand.u32 $0x1, s1  }
0x8c: {  	s14 =	sshll.u32 s0, $0xA;
	s2 =	sadd.s32 s3, s2  }
0x8d: {  	s2 =	sadd.s32 s2, s14  }
0x8e: {  	[smem:$0x3FC0] =	sst s2  }
0x8f: {  	_ = 	snop  }
0x90: {  	s2 =	sld [smem:$0x3FD0];
	_ =	sdelay $0x2  }
0x91: {  	s15 =	simm.s32 $0xA;
	s4 =	simm.s32 $0x10  }
0x92: {  	[smem:s4], [sflag:s15] =	dma.local [hbm:s2], $0x1  }
0x93: {  	_ =	swait.eq [sflag:s15], $0x1  }
0x94: {  	[sflag:s15] =	ssyncset.done $0x0  }
0x95: {  	[sflag:s15] =	ssyncadd.s32 $0xFFFFFFFF  }
0x96: {  	s16 =	sld [smem:$0x11];
	(tm) =	ssettm $0x1  }
0x97: {  	s17 =	sld [smem:$0x3FFB];
	_ =	sdelay $0x3  }
0x98: {  	_ =	strace s17  }
0x99: {  	s3 =	sld [smem:$0x3FFC];
	_ =	sdelay $0x3  }
0x9a: {  	_ =	strace s3  }
0x9b: {  	s3 =	sld [smem:$0x3FFD];
	_ =	sdelay $0x3  }
0x9c: {  	_ =	strace s3  }
0x9d: {  	_ =	strace $0x8FFFFFFF  }
0x9e: {  	s18 =	sld [smem:$0x3FDB];
	_ =	sdelay $0x1  }
0x9f: {  	s19 =	simm.s32 $_scs_section_size  }
0xa0: {  	s5 =	simm.s32 $_size__tile_overlayer_lowered;
	s6 =	simm.s32 $_tile_overlayer_lowered  }
0xa1: {  	s22 =	simm.s32 $0x1BFF;
	s21 =	sshll.u32 s6, $0x1;
	s3 =	sadd.s32 s19, s18  }
0xa2: {  	s7 =	simm.s32 $0x0;
	s20 =	sshll.u32 s5, $0x1;
	s5 =	sadd.s32 s21, s3  }
0xa3: {  	[timem:s7], [sflag:s22] =	dma.local [hbm:s5], s20  }
0xa4: {  	_ =	swait.ge [sflag:s22], s20  }
0xa5: {  	s4 =	ssub.s32 $0x0, s20;
	[sflag:s22] =	ssyncset.done $0x0  }
0xa6: {  	[sflag:s22] =	ssyncadd.s32 s4;
	_ =	sdelay $0x1  }
0xa7: {  	s23 =	simm.s32 $0x1B8B  }
0xa8: {  	_ =	swait.ge [sflag:s23], $0x1  }
0xa9: {  	[sflag:s23] =	ssyncset.done $0x0  }
0xaa: {  	s25 =	simm.s32 $0x1B8E;
	s24 =	sld [smem:$0x3FFE];
	[sflag:s23] =	ssyncadd.s32 $0xFFFFFFFF  }
0xab: {  	s26 =	simm.s32 $execute0_lowered;
	[smem:$0x3FD2] =	sst s25  }
0xac: {  	s5 =	sshll.u32 s26, $0x1;
	_ =	strace $0x80000049;
	[dreg:$0x1] =	wrdreg $0xFFFFFFFF  }
0xad: {  	s28 =	simm.s32 $_size_execute0_lowered;
	s3 =	sadd.s32 s3, s5;
	[dreg:$0x0] =	wrdreg $0x0  }
0xae: {  	s5 =	sshll.u32 s28, $0x1;
	[dreg:$0x2] =	wrdreg s3  }
0xaf: {  	[dreg:$0x3] =	wrdreg s5  }
0xb0: {  	[dreg:$0x4] =	wrdreg $0xC0  }
0xb1: {  	_ =	task [dreg:s7], $0x5FFFF  }
0xb2: {  	[dreg:$0x1] =	wrdreg $0xFFFFFFFF  }
0xb3: {  	[dreg:$0x0] =	wrdreg $0x60  }
0xb4: {  	[dreg:$0x2] =	wrdreg s24  }
0xb5: {  	[dreg:$0x3] =	wrdreg s16  }
0xb6: {  	[dreg:$0x4] =	wrdreg $0xA8000  }
0xb7: {  	[dreg:$0x5] =	wrdreg $0x9  }
0xb8: {  	_ =	task.clear_ibuf [dreg:s7], $0x6FFFF;
	_ =	strace $0x90000049  }
0xb9: {  	s29 =	simm.s32 $0x9;
	_ =	strace $0x8000004B  }
0xba: {  	_ =	swait.ge [sflag:s29], $0x1  }
0xbb: {  	[sflag:s29] =	ssyncadd.s32 $0xFFFFFFFF  }
0xbc: {  	_ =	strace $0x9000004B  }
0xbd: {  	_ =	sfence  }
0xbe: {  	s30 =	sld [smem:$0x0];
	_ =	sdelay $0x2  }
0xbf: {  	s31 =	sshll.u32 s1, $0xD;
	s1 =	sshrl.u32 s1, $0x2  }
0xc0: {  	s3 =	sand.u32 $0x4000, s31;
	s1 =	sadd.s32 s1, s30  }
0xc1: {  	s0 =	sor.u32 s3, s0;
	s1 =	sshll.u32 s1, $0x11  }
0xc2: {  	s0 =	sor.u32 s1, s0  }
0xc3: {  	s0 =	sadd.s32 $0x8F2B, s0  }
0xc4: {  	[sflag:s0] =	ssyncadd.remote.s32 $0x1  }
0xc5: {  	_ =	sfence.sel $0xFFFF  }
0xc6: {  	[dreg:$0x0] =	wrdreg $0xFFFFFFFF;
	(pc) =	sbr.abs _section_cstart, $3  }
0xc7: {  	[dreg:$0x1] =	wrdreg $0xFFFFFFFF  }
0xc8: {  	_ =	task.clear_ibuf [dreg:s7], $0x2FFFF;
	_ =	strace $0x9FFFFFFF  }
0xc9: {  	(tm) =	ssettm $0x7FFFFFFF  }
tec
execute0_lowered:
.L_overlay_start_1:
0x0: {  	(tag) =	ssettag $0x1  }
0x1: {  	s6 =	rddreg [dreg:$0x0]  }
0x2: {  	s1 =	rddreg [dreg:$0x1]  }
0x3: {  	s3 =	rddreg [dreg:$0x2]  }
0x4: {  	s2 =	srdreg.scid;
	s0 =	rddreg [dreg:$0x3]  }
0x5: {  	s4 =	simm.s32 $0x0;
	s15 =	simm.s32 $0x1400;
	s16 =	simm.s32 $0x80  }
0x6: {  	s17 =	simm.s32 $0x2800;
	s18 =	simm.s32 $0x1;
	s19 =	simm.s32 $0x6800  }
0x7: {  	s20 =	simm.s32 $0x2;
	s21 =	simm.s32 $0x1380;
	s22 =	simm.s32 $0x2700  }
0x8: {  	s23 =	simm.s32 $0x2780;
	s7 =	sand.u32 $0x1, s2;
	s2 =	stileid.u32  }
0x9: {  	s24 =	simm.s32 $0x0;
	[smem:$0x7FF] =	sst s4;
	s8 =	smul.u32 $0x140000, s7  }
0xa: {  	s5 =	sshll.u32 s7, $0x4;
	s9 =	smul.u32 $0x14000, s2;
	_ =	strace $0x8000004A  }
0xb: {  	s28 =	smul.u32 $0x50000, s2;
	s29 =	ssub.s32 $0x2, s7;
	s5 =	sor.u32 s2, s5  }
0xc: {  	s31 =	sshll.u32 s2, $0x6;
	s7 =	sshrl.u32 s29, $0x1;
	s10 =	smul.u32 $0x2800, s5  }
0xd: {  	s5 =	sadd.s32 $0x17200, s6;
	s8 =	sadd.s32 s9, s8;
	s30 =	sshrl.u32 s28, $0x2  }
0xe: {  	s13 =	ssub.s32 s29, s7;
	s8 =	sshrl.u32 s8, $0x3;
	s26 =	sshrl.u32 s10, $0x3  }
0xf: {  	s14 =	sadd.s32 s30, s3;
	s12 =	sadd.s32 s8, s6;
	s11 =	sadd.s32 s26, s6  }
0x10: {  	s6 =	sor.u32 $0x1C03, s31;
	s7 =	sadd.s32 $0x3200, s11;
	s8 =	sadd.s32 $0xD200, s11  }
0x11: {  	s9 =	sadd.s32 $0x3480, s11;
	s10 =	sadd.s32 $0xD480, s11;
	s11 =	sadd.s32 $0x3F200, s12  }
0x12: {  	s12 =	smax.u32 s13, $0x1;
	s13 =	sshrl.u32 s14, $0x3;
	s14 =	simm.s32 $0x3  }
.LBB2_1:
0x13: {  	[spmem:s13], [sflag:s6] =	dma.local [hbm:s1], $0x2800  }
0x14: {  	_ =	swait.ge [sflag:s14], $0x2800  }
0x15: {  	[sflag:s14] =	ssyncset.done $0x0  }
0x16: {  	[sflag:s14] =	ssyncadd.s32 $0xFFFFD800  }
0x17: {  	[bflag:$0x0] =	sbarrier.arrive $0xFFFF  }
0x18: {  	[tilespmem:s4], [sflag:$0x3] =	stream.linear.gather [hbm4b:s7+s4], $0x1400, $0x38;
	[tilespmem:$0x1E800] =	vst v63  }
0x19: {  	_ =	swait.ge [sflag:s14], $0x1400  }
0x1a: {  	[sflag:s14] =	ssyncset.done $0x0  }
0x1b: {  	[sflag:s14] =	ssyncadd.s32 $0xFFFFEC00  }
0x1c: {  	[tilespmem:s15], [sflag:$0x3] =	stream.linear.gather [hbm4b:s8+s4], $0x1400, $0x38;
	[tilespmem:$0x1E800] =	vst v63  }
0x1d: {  	_ =	swait.ge [sflag:s14], $0x1400  }
0x1e: {  	[sflag:s14] =	ssyncset.done $0x0  }
0x1f: {  	[sflag:s14] =	ssyncadd.s32 $0xFFFFEC00  }
0x20: {  	[tilespmem:s17], [sflag:$0x1] =	stream.indirect.gather [hbm4b:s5+s16], $0x80, s4, s16, $0xb8;
	[tilespmem:$0x1E800] =	vst v63  }
0x21: {  	_ =	swait.ge [sflag:s18], $0x4000  }
0x22: {  	[sflag:s18] =	ssyncset.done $0x0  }
0x23: {  	s25 =	simm.s32 $0x80;
	[sflag:s18] =	ssyncadd.s32 $0xFFFFC000  }
0x24: {  	[tilespmem:s19], [sflag:$0x2] =	stream.indirect.gather [hbm4b:s5+s16], $0x80, s25, s16, $0xb8;
	[tilespmem:$0x1E800] =	vst v63  }
0x25: {  	s29 =	simm.s32 $0x1400  }
0x26: {  	[spmem:s3] =	stream.indirect.scatter.add.f32 [tilespmem:s17], [sflag:$0x3], $0x80, s29, s16, $0xb8;
	[tilespmem:$0x1E800] =	vst v63  }
0x27: {  	_ =	swait.ge [sflag:s14], $0x4000  }
0x28: {  	[sflag:s14] =	ssyncset.done $0x0  }
0x29: {  	[sflag:s14] =	ssyncadd.s32 $0xFFFFC000  }
0x2a: {  	_ =	swait.ge [sflag:s20], $0x4000  }
0x2b: {  	[sflag:s20] =	ssyncset.done $0x0  }
0x2c: {  	s30 =	simm.s32 $0x100;
	[sflag:s20] =	ssyncadd.s32 $0xFFFFC000  }
0x2d: {  	[tilespmem:s17], [sflag:$0x1] =	stream.indirect.gather [hbm4b:s5+s16], $0x80, s30, s16, $0xb8;
	[tilespmem:$0x1E800] =	vst v63  }
0x2e: {  	s31 =	simm.s32 $0x1480  }
0x2f: {  	[spmem:s3] =	stream.indirect.scatter.add.f32 [tilespmem:s19], [sflag:$0x3], $0x80, s31, s16, $0xb8;
	[tilespmem:$0x1E800] =	vst v63  }
0x30: {  	_ =	swait.ge [sflag:s14], $0x4000  }
0x31: {  	s25 =	simm.s32 $0x400;
	[sflag:s14] =	ssyncset.done $0x0  }
.LBB2_2:
0x32: {  	p0 =	sne.s32 s25, $0x4800  }
0x33: {  	[sflag:s14] =	ssyncadd.s32 $0xFFFFC000;
	s26 =	smov.u32 s25;
	s25 =	sadd.s32 $0x400, s25  }
0x34: {  	_ = 	snop  }
0x35: {  	_ =	swait.ge [sflag:s18], $0x4000  }
0x36: {  	s26 =	sshra.s32 s26, $0x2;
	[sflag:s18] =	ssyncset.done $0x0  }
0x37: {  	s28 =	sadd.s32 $0x80, s26;
	[sflag:s18] =	ssyncadd.s32 $0xFFFFC000  }
0x38: {  	[tilespmem:s19], [sflag:$0x2] =	stream.indirect.gather [hbm4b:s5+s16], $0x80, s28, s16, $0xb8;
	[tilespmem:$0x1E800] =	vst v63  }
0x39: {  	s28 =	sadd.s32 $0x1400, s26  }
0x3a: {  	[spmem:s3] =	stream.indirect.scatter.add.f32 [tilespmem:s17], [sflag:$0x3], $0x80, s28, s16, $0xb8;
	[tilespmem:$0x1E800] =	vst v63  }
0x3b: {  	_ =	swait.ge [sflag:s14], $0x4000  }
0x3c: {  	[sflag:s14] =	ssyncset.done $0x0  }
0x3d: {  	[sflag:s14] =	ssyncadd.s32 $0xFFFFC000  }
0x3e: {  	_ =	swait.ge [sflag:s20], $0x4000  }
0x3f: {  	[sflag:s20] =	ssyncset.done $0x0  }
0x40: {  	s28 =	sadd.s32 $0x100, s26;
	[sflag:s20] =	ssyncadd.s32 $0xFFFFC000  }
0x41: {  	[tilespmem:s17], [sflag:$0x1] =	stream.indirect.gather [hbm4b:s5+s16], $0x80, s28, s16, $0xb8;
	[tilespmem:$0x1E800] =	vst v63  }
.Ltmp0:
0x42: {  	_ = 	snop;
	(pc) =	sbr.rel @p0 .LBB2_2-.Ltmp0, $4  }
0x43: {  	s26 =	sadd.s32 $0x1480, s26  }
0x44: {  	[spmem:s3] =	stream.indirect.scatter.add.f32 [tilespmem:s19], [sflag:$0x3], $0x80, s26, s16, $0xb8;
	[tilespmem:$0x1E800] =	vst v63  }
0x45: {  	_ =	swait.ge [sflag:s14], $0x4000  }
0x46: {  	[sflag:s14] =	ssyncset.done $0x0  }
0x47: {  	[sflag:s14] =	ssyncadd.s32 $0xFFFFC000  }
0x48: {  	_ =	swait.ge [sflag:s18], $0x4000  }
0x49: {  	[sflag:s18] =	ssyncset.done $0x0  }
0x4a: {  	[sflag:s18] =	ssyncadd.s32 $0xFFFFC000  }
0x4b: {  	[tilespmem:s19], [sflag:$0x2] =	stream.indirect.gather [hbm4b:s5+s16], $0x80, s21, s16, $0xb8;
	[tilespmem:$0x1E800] =	vst v63  }
0x4c: {  	_ = 	snop  }
0x4d: {  	[spmem:s3] =	stream.indirect.scatter.add.f32 [tilespmem:s17], [sflag:$0x3], $0x80, s22, s16, $0xb8;
	[tilespmem:$0x1E800] =	vst v63  }
0x4e: {  	_ =	swait.ge [sflag:s14], $0x4000  }
0x4f: {  	[sflag:s14] =	ssyncset.done $0x0  }
0x50: {  	[sflag:s14] =	ssyncadd.s32 $0xFFFFC000  }
0x51: {  	_ =	swait.ge [sflag:s20], $0x4000  }
0x52: {  	[sflag:s20] =	ssyncset.done $0x0  }
0x53: {  	[sflag:s20] =	ssyncadd.s32 $0xFFFFC000  }
0x54: {  	[spmem:s3] =	stream.indirect.scatter.add.f32 [tilespmem:s19], [sflag:$0x3], $0x80, s23, s16, $0xb8;
	[tilespmem:$0x1E800] =	vst v63  }
0x55: {  	_ =	swait.ge [sflag:s14], $0x4000  }
0x56: {  	[sflag:s14] =	ssyncset.done $0x0  }
0x57: {  	s25 =	simm.s32 $0x0;
	[sflag:s14] =	ssyncadd.s32 $0xFFFFC000  }
0x58: {  	[tilespmem:s25], [sflag:$0x3] =	stream.linear.gather [hbm4b:s9+s25], $0x1400, $0x38;
	[tilespmem:$0x1E800] =	vst v63  }
0x59: {  	_ =	swait.ge [sflag:s14], $0x1400  }
0x5a: {  	[sflag:s14] =	ssyncset.done $0x0  }
0x5b: {  	[sflag:s14] =	ssyncadd.s32 $0xFFFFEC00  }
0x5c: {  	[tilespmem:s15], [sflag:$0x3] =	stream.linear.gather [hbm4b:s10+s25], $0x1400, $0x38;
	[tilespmem:$0x1E800] =	vst v63  }
0x5d: {  	_ =	swait.ge [sflag:s14], $0x1400  }
0x5e: {  	[sflag:s14] =	ssyncset.done $0x0  }
0x5f: {  	[sflag:s14] =	ssyncadd.s32 $0xFFFFEC00  }
0x60: {  	[tilespmem:s17], [sflag:$0x1] =	stream.indirect.gather [hbm4b:s5+s16], $0x80, s25, s16, $0xb8;
	[tilespmem:$0x1E800] =	vst v63  }
0x61: {  	_ =	swait.ge [sflag:s18], $0x4000  }
0x62: {  	[sflag:s18] =	ssyncset.done $0x0  }
0x63: {  	s28 =	simm.s32 $0x80;
	[sflag:s18] =	ssyncadd.s32 $0xFFFFC000  }
0x64: {  	[tilespmem:s19], [sflag:$0x2] =	stream.indirect.gather [hbm4b:s5+s16], $0x80, s28, s16, $0xb8;
	[tilespmem:$0x1E800] =	vst v63  }
0x65: {  	s29 =	simm.s32 $0x1400  }
0x66: {  	[spmem:s3] =	stream.indirect.scatter.add.f32 [tilespmem:s17], [sflag:$0x3], $0x80, s29, s16, $0xb8;
	[tilespmem:$0x1E800] =	vst v63  }
0x67: {  	_ =	swait.ge [sflag:s14], $0x4000  }
0x68: {  	[sflag:s14] =	ssyncset.done $0x0  }
0x69: {  	[sflag:s14] =	ssyncadd.s32 $0xFFFFC000  }
0x6a: {  	_ =	swait.ge [sflag:s20], $0x4000  }
0x6b: {  	[sflag:s20] =	ssyncset.done $0x0  }
0x6c: {  	s30 =	simm.s32 $0x100;
	[sflag:s20] =	ssyncadd.s32 $0xFFFFC000  }
0x6d: {  	[tilespmem:s17], [sflag:$0x1] =	stream.indirect.gather [hbm4b:s5+s16], $0x80, s30, s16, $0xb8;
	[tilespmem:$0x1E800] =	vst v63  }
0x6e: {  	s31 =	simm.s32 $0x1480  }
0x6f: {  	[spmem:s3] =	stream.indirect.scatter.add.f32 [tilespmem:s19], [sflag:$0x3], $0x80, s31, s16, $0xb8;
	[tilespmem:$0x1E800] =	vst v63  }
0x70: {  	_ =	swait.ge [sflag:s14], $0x4000  }
0x71: {  	s25 =	simm.s32 $0x400;
	[sflag:s14] =	ssyncset.done $0x0  }
.LBB2_4:
0x72: {  	p0 =	sne.s32 s25, $0x4800  }
0x73: {  	[sflag:s14] =	ssyncadd.s32 $0xFFFFC000;
	s26 =	smov.u32 s25;
	s25 =	sadd.s32 $0x400, s25  }
0x74: {  	_ = 	snop  }
0x75: {  	_ =	swait.ge [sflag:s18], $0x4000  }
0x76: {  	s26 =	sshra.s32 s26, $0x2;
	[sflag:s18] =	ssyncset.done $0x0  }
0x77: {  	s28 =	sadd.s32 $0x80, s26;
	[sflag:s18] =	ssyncadd.s32 $0xFFFFC000  }
0x78: {  	[tilespmem:s19], [sflag:$0x2] =	stream.indirect.gather [hbm4b:s5+s16], $0x80, s28, s16, $0xb8;
	[tilespmem:$0x1E800] =	vst v63  }
0x79: {  	s28 =	sadd.s32 $0x1400, s26  }
0x7a: {  	[spmem:s3] =	stream.indirect.scatter.add.f32 [tilespmem:s17], [sflag:$0x3], $0x80, s28, s16, $0xb8;
	[tilespmem:$0x1E800] =	vst v63  }
0x7b: {  	_ =	swait.ge [sflag:s14], $0x4000  }
0x7c: {  	[sflag:s14] =	ssyncset.done $0x0  }
0x7d: {  	[sflag:s14] =	ssyncadd.s32 $0xFFFFC000  }
0x7e: {  	_ =	swait.ge [sflag:s20], $0x4000  }
0x7f: {  	[sflag:s20] =	ssyncset.done $0x0  }
0x80: {  	s28 =	sadd.s32 $0x100, s26;
	[sflag:s20] =	ssyncadd.s32 $0xFFFFC000  }
0x81: {  	[tilespmem:s17], [sflag:$0x1] =	stream.indirect.gather [hbm4b:s5+s16], $0x80, s28, s16, $0xb8;
	[tilespmem:$0x1E800] =	vst v63  }
.Ltmp1:
0x82: {  	_ = 	snop;
	(pc) =	sbr.rel @p0 .LBB2_4-.Ltmp1, $4  }
0x83: {  	s26 =	sadd.s32 $0x1480, s26  }
0x84: {  	[spmem:s3] =	stream.indirect.scatter.add.f32 [tilespmem:s19], [sflag:$0x3], $0x80, s26, s16, $0xb8;
	[tilespmem:$0x1E800] =	vst v63  }
0x85: {  	_ =	swait.ge [sflag:s14], $0x4000  }
0x86: {  	[sflag:s14] =	ssyncset.done $0x0  }
0x87: {  	[sflag:s14] =	ssyncadd.s32 $0xFFFFC000  }
0x88: {  	_ =	swait.ge [sflag:s18], $0x4000  }
0x89: {  	[sflag:s18] =	ssyncset.done $0x0  }
0x8a: {  	[sflag:s18] =	ssyncadd.s32 $0xFFFFC000  }
0x8b: {  	[tilespmem:s19], [sflag:$0x2] =	stream.indirect.gather [hbm4b:s5+s16], $0x80, s21, s16, $0xb8;
	[tilespmem:$0x1E800] =	vst v63  }
0x8c: {  	_ = 	snop  }
0x8d: {  	[spmem:s3] =	stream.indirect.scatter.add.f32 [tilespmem:s17], [sflag:$0x3], $0x80, s22, s16, $0xb8;
	[tilespmem:$0x1E800] =	vst v63  }
0x8e: {  	_ =	swait.ge [sflag:s14], $0x4000  }
0x8f: {  	[sflag:s14] =	ssyncset.done $0x0  }
0x90: {  	[sflag:s14] =	ssyncadd.s32 $0xFFFFC000  }
0x91: {  	_ =	swait.ge [sflag:s20], $0x4000  }
0x92: {  	[sflag:s20] =	ssyncset.done $0x0  }
0x93: {  	[sflag:s20] =	ssyncadd.s32 $0xFFFFC000  }
0x94: {  	[spmem:s3] =	stream.indirect.scatter.add.f32 [tilespmem:s19], [sflag:$0x3], $0x80, s23, s16, $0xb8;
	[tilespmem:$0x1E800] =	vst v63  }
0x95: {  	_ =	swait.ge [sflag:s14], $0x4000  }
0x96: {  	s24 =	sadd.s32 $0x1, s24;
	[sflag:s14] =	ssyncset.done $0x0  }
0x97: {  	p0 =	sne.s32 s24, s12;
	[sflag:s14] =	ssyncadd.s32 $0xFFFFC000  }
.Ltmp2:
0x98: {  	[bflag:$0x0] =	sbarrier.arrive $0xFFFF;
	(pc) =	sbr.rel @p0 .LBB2_1-.Ltmp2, $4  }
0x99: {  	[hbm:s11], [sflag:s6] =	dma.local [spmem:s13], $0x2800  }
0x9a: {  	_ =	swait.ge [sflag:s14], $0x2800  }
0x9b: {  	[sflag:s14] =	ssyncset.done $0x0  }
0x9c: {  	[sflag:s14] =	ssyncadd.s32 $0xFFFFD800  }
0x9d: {  	_ =	sfence.sel $0x180000  }
0x9e: {  	[bflag:$0x0] =	sbarrier.arrive $0xFFFF  }
0x9f: {  	p0 =	sne.s32 s2, $0x0;
	_ =	strace $0x9000004A  }
0xa0: {  	s0 =	sadd.s32 @!p0 $0x100000, s0;
	[bflag:$0x2] =	sbarrier.arrive $0xFFFF  }
0xa1: {  	[sflag:s0] =	ssyncadd.tile.s32 @!p0 $0x1;
	_ =	shalt  }
.Lfunc_end2:
_tile_overlayer_lowered:
.L_overlay_start_2:
0xa2: {  	(tag) =	ssettag $0x2  }
0xa3: {  	s0 =	rddreg [dreg:$0x0];
	s2 =	stileid.u32  }
0xa4: {  	s1 =	rddreg [dreg:$0x1];
	p0 =	sne.s32 s2, $0x0  }
0xa5: {  	s3 =	rddreg [dreg:$0x2];
	[bflag:$0x3] =	sbarrier.arrive $0xFFFF;
	s2 =	simm.s32 @!p0 $0x1C03  }
0xa6: {  	[timem:s3], [sflag:s2] =	dma.local @!p0 [hbm:s0], s1  }
0xa7: {  	s0 =	simm.s32 @!p0 $0x3  }
0xa8: {  	_ =	swait.ge @!p0 [sflag:s0], s1  }
0xa9: {  	s1 =	ssub.s32 @!p0 $0x0, s1;
	[sflag:s0] =	ssyncset.done @!p0 $0x0  }
0xaa: {  	[sflag:s0] =	ssyncadd.s32 @!p0 s1  }
0xab: {  	[bflag:$0x3] =	sbarrier.arrive $0xFFFF  }
0xac: {  	_ =	shalt  }

// kernel: kernel.15.cloned.1.call-start
scs
__scs_entry_jumppad:
0x0: {  	(pc) =	sbr.rel $0x88, $3  }
0x1: {  	(tag) =	ssettag $0x0;
	lr =	simm.s32 $0x1  }
0x2: {  	[smem:$0x3F99] =	sst lr;
	_ =	strace $0xD0000000  }
0x3: {  	_ = 	snop  }
0x4: {  	_ = 	snop  }
0x5: {  	_ = 	snop  }
0x6: {  	_ = 	snop  }
0x7: {  	_ = 	snop  }
__scs_overlays_trampoline_lowered:
0x8: {  	[smem:$0x3FA8] =	sst s0  }
0x9: {  	[smem:$0x3FA9] =	sst s1  }
0xa: {  	[smem:$0x3FAA] =	sst s2  }
0xb: {  	[smem:$0x3FAB] =	sst s3  }
0xc: {  	[smem:$0x3FAC] =	sst s4  }
0xd: {  	[smem:$0x3FAD] =	sst s5  }
0xe: {  	[smem:$0x3FAE] =	sst s6  }
0xf: {  	[smem:$0x3FAF] =	sst s7  }
0x10: {  	[smem:$0x3FB0] =	sst s8  }
0x11: {  	[smem:$0x3FB1] =	sst s9;
	s0 =	simm.s32 @!p0 $0x0  }
0x12: {  	s1 =	sld [smem:$0x3F97];
	s0 =	simm.s32 @p0 $0x1  }
0x13: {  	[smem:$0x3FB2] =	sst s0;
	s0 =	simm.s32 @!p1 $0x0  }
0x14: {  	s2 =	sld [smem:$0x3F96];
	s0 =	simm.s32 @p1 $0x1  }
0x15: {  	[smem:$0x3FB3] =	sst s0;
	s0 =	simm.s32 @!p2 $0x0  }
0x16: {  	s3 =	sld [smem:$0x3FDB];
	s0 =	simm.s32 @p2 $0x1  }
0x17: {  	s4 =	simm.s32 $0x1BF5;
	[smem:$0x3FB5] =	sst s0  }
0x18: {  	s0 =	sld [smem:$0x3F98];
	_ =	swait.ge [sflag:s4], $0x0  }
0x19: {  	s7 =	sld [smem:$0x3F99]  }
0x1a: {  	s8 =	sadd.s32 $0xFFFFE003, lr  }
0x1b: {  	s9 =	sadd.s32 $0xFFFFFEF7, lr;
	s5 =	simm.s32 $0xFFFFFFFF;
	p2 =	slt.u32 s8, $0xFFFFF086  }
0x1c: {  	p1 =	slt.u32 s9, $0xF7A;
	s5 =	simm.s32 @!p2 $0x0  }
0x1d: {  	s5 =	simm.s32 @p1 $0x1;
	p0 =	seq.s32 s7, s2  }
0x1e: {  	s7 =	smul.u32 @!p0 $0xF7A, s2;
	p2 =	seq.s32 @!p0 s5, $0x0  }
0x1f: {  	s9 =	smul.u32 $0xF7A, s1;
	s8 =	simm.s32 @!p0 $0x1BF5;
	p2 =	por !p2, p0  }
0x20: {  	[sflag:s8] =	ssyncset.s32 @!p0 $0xFFFFF086;
	s6 =	sadd.s32 @!p0 s3, s7;
	s7 =	simm.s32 @!p0 $0x108  }
0x21: {  	s3 =	sadd.s32 s3, s9;
	s6 =	sadd.s32 @!p0 $0x88, s6;
	s7 =	simm.s32 @p2 $0x1082  }
0x22: {  	[simem:s7], [sflag:s8] =	dma.local @!p0 [hbm:s6], $0xF7A  }
0x23: {  	s9 =	sor.u32 $0xD0000000, s2;
	s6 =	simm.s32 $0x108;
	_ =	swait.ge @!p0 [sflag:s8], $0x0  }
0x24: {  	s3 =	sadd.s32 $0x88, s3;
	s6 =	simm.s32 @!p1 $0x1082;
	[sflag:s4] =	ssyncset.s32 $0xFFFFF086  }
0x25: {  	[simem:s6], [sflag:s4] =	dma.local [hbm:s3], $0xF7A  }
0x26: {  	[smem:$0x3F99] =	sst s1;
	(tag) =	ssettag s2;
	_ =	strace s9  }
0x27: {  	s1 =	sld [smem:$0x3FA9]  }
0x28: {  	s2 =	sld [smem:$0x3FAA]  }
0x29: {  	s4 =	sld [smem:$0x3FAC]  }
0x2a: {  	p0 =	seq.s32 s5, $0x0;
	s5 =	sld [smem:$0x3FAD]  }
0x2b: {  	s6 =	sld [smem:$0x3FAE]  }
0x2c: {  	s7 =	sld [smem:$0x3FAF]  }
0x2d: {  	s3 =	simm.s32 $0x108;
	s8 =	sld [smem:$0x3FB0]  }
0x2e: {  	s3 =	simm.s32 @!p0 $0x1082;
	s9 =	sld [smem:$0x3FB1]  }
0x2f: {  	lr =	sadd.s32 s0, s3;
	s0 =	sld [smem:$0x3FA8]  }
0x30: {  	s3 =	sld [smem:$0x3FAB]  }
0x31: {  	[smem:$0x3FB4] =	sst s10  }
0x32: {  	s10 =	sld [smem:$0x3FB2];
	_ =	sdelay $0x3  }
0x33: {  	p0 =	seq.s32 s10, $0x1;
	s10 =	sld [smem:$0x3FB4];
	_ =	sdelay $0x3  }
0x34: {  	[smem:$0x3FB4] =	sst s10  }
0x35: {  	s10 =	sld [smem:$0x3FB3];
	_ =	sdelay $0x3  }
0x36: {  	p1 =	seq.s32 s10, $0x1;
	s10 =	sld [smem:$0x3FB4];
	_ =	sdelay $0x3  }
0x37: {  	[smem:$0x3FB4] =	sst s10  }
0x38: {  	s10 =	sld [smem:$0x3FB5]  }
0x39: {  	_ = 	snop;
	(pc) =	sbr.ind lr, $3  }
0x3a: {  	_ = 	snop  }
0x3b: {  	_ = 	snop  }
0x3c: {  	p2 =	seq.s32 s10, $0x1;
	s10 =	sld [smem:$0x3FB4]  }
0x3d: {  	_ =	shalt  }
0x3e: {  	_ =	shalt  }
0x3f: {  	_ =	shalt  }
0x40: {  	_ =	shalt  }
0x41: {  	_ =	shalt  }
0x42: {  	_ =	shalt  }
0x43: {  	_ =	shalt  }
0x44: {  	_ =	shalt  }
0x45: {  	_ =	shalt  }
0x46: {  	_ =	shalt  }
0x47: {  	_ =	shalt  }
0x48: {  	_ =	shalt  }
0x49: {  	_ =	shalt  }
0x4a: {  	_ =	shalt  }
0x4b: {  	_ =	shalt  }
0x4c: {  	_ =	shalt  }
0x4d: {  	_ =	shalt  }
0x4e: {  	_ =	shalt  }
0x4f: {  	_ =	shalt  }
0x50: {  	_ =	shalt  }
0x51: {  	_ =	shalt  }
0x52: {  	_ =	shalt  }
0x53: {  	_ =	shalt  }
0x54: {  	_ =	shalt  }
0x55: {  	_ =	shalt  }
0x56: {  	_ =	shalt  }
0x57: {  	_ =	shalt  }
0x58: {  	_ =	shalt  }
0x59: {  	_ =	shalt  }
0x5a: {  	_ =	shalt  }
0x5b: {  	_ =	shalt  }
0x5c: {  	_ =	shalt  }
0x5d: {  	_ =	shalt  }
0x5e: {  	_ =	shalt  }
0x5f: {  	_ =	shalt  }
0x60: {  	_ =	shalt  }
0x61: {  	_ =	shalt  }
0x62: {  	_ =	shalt  }
0x63: {  	_ =	shalt  }
0x64: {  	_ =	shalt  }
0x65: {  	_ =	shalt  }
0x66: {  	_ =	shalt  }
0x67: {  	_ =	shalt  }
0x68: {  	_ =	shalt  }
0x69: {  	_ =	shalt  }
0x6a: {  	_ =	shalt  }
0x6b: {  	_ =	shalt  }
0x6c: {  	_ =	shalt  }
0x6d: {  	_ =	shalt  }
0x6e: {  	_ =	shalt  }
0x6f: {  	_ =	shalt  }
0x70: {  	_ =	shalt  }
0x71: {  	_ =	shalt  }
0x72: {  	_ =	shalt  }
0x73: {  	_ =	shalt  }
0x74: {  	_ =	shalt  }
0x75: {  	_ =	shalt  }
0x76: {  	_ =	shalt  }
0x77: {  	_ =	shalt  }
0x78: {  	_ =	shalt  }
0x79: {  	_ =	shalt  }
0x7a: {  	_ =	shalt  }
0x7b: {  	_ =	shalt  }
0x7c: {  	_ =	shalt  }
0x7d: {  	_ =	shalt  }
0x7e: {  	_ =	shalt  }
0x7f: {  	_ =	shalt  }
0x80: {  	_ =	shalt  }
0x81: {  	_ =	shalt  }
0x82: {  	_ =	shalt  }
0x83: {  	_ =	shalt  }
0x84: {  	_ =	shalt  }
0x85: {  	_ =	shalt  }
0x86: {  	_ =	shalt  }
0x87: {  	_ =	shalt  }
.Lfunc_end0:
.L_simem_size_0:
called_computation.2_lowered:
.L_overlay_start_0:
0x88: {  	s2 =	sld [smem:$0x3FD9]  }
0x89: {  	s3 =	sld [smem:$0x3FFE];
	_ =	sdelay $0x1  }
0x8a: {  	s1 =	srdreg.scid  }
0x8b: {  	s0 =	sand.u32 $0x1, s1  }
0x8c: {  	s14 =	sshll.u32 s0, $0xA;
	s2 =	sadd.s32 s3, s2  }
0x8d: {  	s2 =	sadd.s32 s2, s14  }
0x8e: {  	[smem:$0x3FC0] =	sst s2  }
0x8f: {  	_ = 	snop  }
0x90: {  	s2 =	sld [smem:$0x3FD0];
	_ =	sdelay $0x2  }
0x91: {  	s15 =	simm.s32 $0xA;
	s4 =	simm.s32 $0x10  }
0x92: {  	[smem:s4], [sflag:s15] =	dma.local [hbm:s2], $0x1  }
0x93: {  	_ =	swait.eq [sflag:s15], $0x1  }
0x94: {  	[sflag:s15] =	ssyncset.done $0x0  }
0x95: {  	[sflag:s15] =	ssyncadd.s32 $0xFFFFFFFF  }
0x96: {  	s16 =	sld [smem:$0x11];
	(tm) =	ssettm $0x1  }
0x97: {  	s17 =	sld [smem:$0x3FFB];
	_ =	sdelay $0x3  }
0x98: {  	_ =	strace s17  }
0x99: {  	s3 =	sld [smem:$0x3FFC];
	_ =	sdelay $0x3  }
0x9a: {  	_ =	strace s3  }
0x9b: {  	s3 =	sld [smem:$0x3FFD];
	_ =	sdelay $0x3  }
0x9c: {  	_ =	strace s3  }
0x9d: {  	_ =	strace $0x8FFFFFFF  }
0x9e: {  	s18 =	sld [smem:$0x3FDB];
	_ =	sdelay $0x1  }
0x9f: {  	s19 =	simm.s32 $_scs_section_size  }
0xa0: {  	s5 =	simm.s32 $_size__tile_overlayer_lowered;
	s6 =	simm.s32 $_tile_overlayer_lowered  }
0xa1: {  	s22 =	simm.s32 $0x1BFF;
	s21 =	sshll.u32 s6, $0x1;
	s3 =	sadd.s32 s19, s18  }
0xa2: {  	s7 =	simm.s32 $0x0;
	s20 =	sshll.u32 s5, $0x1;
	s5 =	sadd.s32 s21, s3  }
0xa3: {  	[timem:s7], [sflag:s22] =	dma.local [hbm:s5], s20  }
0xa4: {  	_ =	swait.ge [sflag:s22], s20  }
0xa5: {  	s4 =	ssub.s32 $0x0, s20;
	[sflag:s22] =	ssyncset.done $0x0  }
0xa6: {  	[sflag:s22] =	ssyncadd.s32 s4;
	_ =	sdelay $0x1  }
0xa7: {  	s23 =	simm.s32 $0x1B8B  }
0xa8: {  	_ =	swait.ge [sflag:s23], $0x1  }
0xa9: {  	[sflag:s23] =	ssyncset.done $0x0  }
0xaa: {  	s25 =	simm.s32 $0x1B8E;
	s24 =	sld [smem:$0x3FFE];
	[sflag:s23] =	ssyncadd.s32 $0xFFFFFFFF  }
0xab: {  	s26 =	simm.s32 $execute0_lowered;
	[smem:$0x3FD2] =	sst s25  }
0xac: {  	s5 =	sshll.u32 s26, $0x1;
	_ =	strace $0x8000004C;
	[dreg:$0x1] =	wrdreg $0xFFFFFFFF  }
0xad: {  	s28 =	simm.s32 $_size_execute0_lowered;
	s3 =	sadd.s32 s3, s5;
	[dreg:$0x0] =	wrdreg $0x0  }
0xae: {  	s5 =	sshll.u32 s28, $0x1;
	[dreg:$0x2] =	wrdreg s3  }
0xaf: {  	[dreg:$0x3] =	wrdreg s5  }
0xb0: {  	[dreg:$0x4] =	wrdreg $0xC0  }
0xb1: {  	_ =	task [dreg:s7], $0x5FFFF  }
0xb2: {  	[dreg:$0x1] =	wrdreg $0xFFFFFFFF  }
0xb3: {  	[dreg:$0x0] =	wrdreg $0x60  }
0xb4: {  	[dreg:$0x2] =	wrdreg s24  }
0xb5: {  	[dreg:$0x3] =	wrdreg s16  }
0xb6: {  	[dreg:$0x4] =	wrdreg $0xA8000  }
0xb7: {  	[dreg:$0x5] =	wrdreg $0x9  }
0xb8: {  	_ =	task.clear_ibuf [dreg:s7], $0x6FFFF;
	_ =	strace $0x9000004C  }
0xb9: {  	s29 =	simm.s32 $0x9;
	_ =	strace $0x8000004E  }
0xba: {  	_ =	swait.ge [sflag:s29], $0x1  }
0xbb: {  	[sflag:s29] =	ssyncadd.s32 $0xFFFFFFFF  }
0xbc: {  	_ =	strace $0x9000004E  }
0xbd: {  	_ =	sfence  }
0xbe: {  	s30 =	sld [smem:$0x0];
	_ =	sdelay $0x2  }
0xbf: {  	s31 =	sshll.u32 s1, $0xD;
	s1 =	sshrl.u32 s1, $0x2  }
0xc0: {  	s3 =	sand.u32 $0x4000, s31;
	s1 =	sadd.s32 s1, s30  }
0xc1: {  	s0 =	sor.u32 s3, s0;
	s1 =	sshll.u32 s1, $0x11  }
0xc2: {  	s0 =	sor.u32 s1, s0  }
0xc3: {  	s0 =	sadd.s32 $0x8F2B, s0  }
0xc4: {  	[sflag:s0] =	ssyncadd.remote.s32 $0x1  }
0xc5: {  	_ =	sfence.sel $0xFFFF  }
0xc6: {  	[dreg:$0x0] =	wrdreg $0xFFFFFFFF;
	(pc) =	sbr.abs _section_cstart, $3  }
0xc7: {  	[dreg:$0x1] =	wrdreg $0xFFFFFFFF  }
0xc8: {  	_ =	task.clear_ibuf [dreg:s7], $0x2FFFF;
	_ =	strace $0x9FFFFFFF  }
0xc9: {  	(tm) =	ssettm $0x7FFFFFFF  }
tec
execute0_lowered:
.L_overlay_start_1:
0x0: {  	(tag) =	ssettag $0x1  }
0x1: {  	s6 =	rddreg [dreg:$0x0]  }
0x2: {  	s1 =	rddreg [dreg:$0x1]  }
0x3: {  	s3 =	rddreg [dreg:$0x2]  }
0x4: {  	s2 =	srdreg.scid;
	s0 =	rddreg [dreg:$0x3]  }
0x5: {  	s4 =	simm.s32 $0x0;
	s15 =	simm.s32 $0x1400;
	s16 =	simm.s32 $0x80  }
0x6: {  	s17 =	simm.s32 $0x2800;
	s18 =	simm.s32 $0x1;
	s19 =	simm.s32 $0x6800  }
0x7: {  	s20 =	simm.s32 $0x2;
	s21 =	simm.s32 $0x1380;
	s22 =	simm.s32 $0x2700  }
0x8: {  	s23 =	simm.s32 $0x2780;
	s7 =	sand.u32 $0x1, s2;
	s2 =	stileid.u32  }
0x9: {  	s24 =	simm.s32 $0x0;
	[smem:$0x7FF] =	sst s4;
	s8 =	smul.u32 $0x140000, s7  }
0xa: {  	s5 =	sshll.u32 s7, $0x4;
	s9 =	smul.u32 $0x14000, s2;
	_ =	strace $0x8000004D  }
0xb: {  	s28 =	smul.u32 $0x50000, s2;
	s29 =	ssub.s32 $0x2, s7;
	s5 =	sor.u32 s2, s5  }
0xc: {  	s31 =	sshll.u32 s2, $0x6;
	s7 =	sshrl.u32 s29, $0x1;
	s10 =	smul.u32 $0x2800, s5  }
0xd: {  	s5 =	sadd.s32 $0x17200, s6;
	s8 =	sadd.s32 s9, s8;
	s30 =	sshrl.u32 s28, $0x2  }
0xe: {  	s13 =	ssub.s32 s29, s7;
	s8 =	sshrl.u32 s8, $0x3;
	s26 =	sshrl.u32 s10, $0x3  }
0xf: {  	s14 =	sadd.s32 s30, s3;
	s12 =	sadd.s32 s8, s6;
	s11 =	sadd.s32 s26, s6  }
0x10: {  	s6 =	sor.u32 $0x1C03, s31;
	s7 =	sadd.s32 $0x3200, s11;
	s8 =	sadd.s32 $0xD200, s11  }
0x11: {  	s9 =	sadd.s32 $0x3480, s11;
	s10 =	sadd.s32 $0xD480, s11;
	s11 =	sadd.s32 $0x3F200, s12  }
0x12: {  	s12 =	smax.u32 s13, $0x1;
	s13 =	sshrl.u32 s14, $0x3;
	s14 =	simm.s32 $0x3  }
.LBB2_1:
0x13: {  	[spmem:s13], [sflag:s6] =	dma.local [hbm:s1], $0x2800  }
0x14: {  	_ =	swait.ge [sflag:s14], $0x2800  }
0x15: {  	[sflag:s14] =	ssyncset.done $0x0  }
0x16: {  	[sflag:s14] =	ssyncadd.s32 $0xFFFFD800  }
0x17: {  	[bflag:$0x0] =	sbarrier.arrive $0xFFFF  }
0x18: {  	[tilespmem:s4], [sflag:$0x3] =	stream.linear.gather [hbm4b:s7+s4], $0x1400, $0x38;
	[tilespmem:$0x1E800] =	vst v63  }
0x19: {  	_ =	swait.ge [sflag:s14], $0x1400  }
0x1a: {  	[sflag:s14] =	ssyncset.done $0x0  }
0x1b: {  	[sflag:s14] =	ssyncadd.s32 $0xFFFFEC00  }
0x1c: {  	[tilespmem:s15], [sflag:$0x3] =	stream.linear.gather [hbm4b:s8+s4], $0x1400, $0x38;
	[tilespmem:$0x1E800] =	vst v63  }
0x1d: {  	_ =	swait.ge [sflag:s14], $0x1400  }
0x1e: {  	[sflag:s14] =	ssyncset.done $0x0  }
0x1f: {  	[sflag:s14] =	ssyncadd.s32 $0xFFFFEC00  }
0x20: {  	[tilespmem:s17], [sflag:$0x1] =	stream.indirect.gather [hbm4b:s5+s16], $0x80, s4, s16, $0xb8;
	[tilespmem:$0x1E800] =	vst v63  }
0x21: {  	_ =	swait.ge [sflag:s18], $0x4000  }
0x22: {  	[sflag:s18] =	ssyncset.done $0x0  }
0x23: {  	s25 =	simm.s32 $0x80;
	[sflag:s18] =	ssyncadd.s32 $0xFFFFC000  }
0x24: {  	[tilespmem:s19], [sflag:$0x2] =	stream.indirect.gather [hbm4b:s5+s16], $0x80, s25, s16, $0xb8;
	[tilespmem:$0x1E800] =	vst v63  }
0x25: {  	s29 =	simm.s32 $0x1400  }
0x26: {  	[spmem:s3] =	stream.indirect.scatter.add.f32 [tilespmem:s17], [sflag:$0x3], $0x80, s29, s16, $0xb8;
	[tilespmem:$0x1E800] =	vst v63  }
0x27: {  	_ =	swait.ge [sflag:s14], $0x4000  }
0x28: {  	[sflag:s14] =	ssyncset.done $0x0  }
0x29: {  	[sflag:s14] =	ssyncadd.s32 $0xFFFFC000  }
0x2a: {  	_ =	swait.ge [sflag:s20], $0x4000  }
0x2b: {  	[sflag:s20] =	ssyncset.done $0x0  }
0x2c: {  	s30 =	simm.s32 $0x100;
	[sflag:s20] =	ssyncadd.s32 $0xFFFFC000  }
0x2d: {  	[tilespmem:s17], [sflag:$0x1] =	stream.indirect.gather [hbm4b:s5+s16], $0x80, s30, s16, $0xb8;
	[tilespmem:$0x1E800] =	vst v63  }
0x2e: {  	s31 =	simm.s32 $0x1480  }
0x2f: {  	[spmem:s3] =	stream.indirect.scatter.add.f32 [tilespmem:s19], [sflag:$0x3], $0x80, s31, s16, $0xb8;
	[tilespmem:$0x1E800] =	vst v63  }
0x30: {  	_ =	swait.ge [sflag:s14], $0x4000  }
0x31: {  	s25 =	simm.s32 $0x400;
	[sflag:s14] =	ssyncset.done $0x0  }
.LBB2_2:
0x32: {  	p0 =	sne.s32 s25, $0x4800  }
0x33: {  	[sflag:s14] =	ssyncadd.s32 $0xFFFFC000;
	s26 =	smov.u32 s25;
	s25 =	sadd.s32 $0x400, s25  }
0x34: {  	_ = 	snop  }
0x35: {  	_ =	swait.ge [sflag:s18], $0x4000  }
0x36: {  	s26 =	sshra.s32 s26, $0x2;
	[sflag:s18] =	ssyncset.done $0x0  }
0x37: {  	s28 =	sadd.s32 $0x80, s26;
	[sflag:s18] =	ssyncadd.s32 $0xFFFFC000  }
0x38: {  	[tilespmem:s19], [sflag:$0x2] =	stream.indirect.gather [hbm4b:s5+s16], $0x80, s28, s16, $0xb8;
	[tilespmem:$0x1E800] =	vst v63  }
0x39: {  	s28 =	sadd.s32 $0x1400, s26  }
0x3a: {  	[spmem:s3] =	stream.indirect.scatter.add.f32 [tilespmem:s17], [sflag:$0x3], $0x80, s28, s16, $0xb8;
	[tilespmem:$0x1E800] =	vst v63  }
0x3b: {  	_ =	swait.ge [sflag:s14], $0x4000  }
0x3c: {  	[sflag:s14] =	ssyncset.done $0x0  }
0x3d: {  	[sflag:s14] =	ssyncadd.s32 $0xFFFFC000  }
0x3e: {  	_ =	swait.ge [sflag:s20], $0x4000  }
0x3f: {  	[sflag:s20] =	ssyncset.done $0x0  }
0x40: {  	s28 =	sadd.s32 $0x100, s26;
	[sflag:s20] =	ssyncadd.s32 $0xFFFFC000  }
0x41: {  	[tilespmem:s17], [sflag:$0x1] =	stream.indirect.gather [hbm4b:s5+s16], $0x80, s28, s16, $0xb8;
	[tilespmem:$0x1E800] =	vst v63  }
.Ltmp0:
0x42: {  	_ = 	snop;
	(pc) =	sbr.rel @p0 .LBB2_2-.Ltmp0, $4  }
0x43: {  	s26 =	sadd.s32 $0x1480, s26  }
0x44: {  	[spmem:s3] =	stream.indirect.scatter.add.f32 [tilespmem:s19], [sflag:$0x3], $0x80, s26, s16, $0xb8;
	[tilespmem:$0x1E800] =	vst v63  }
0x45: {  	_ =	swait.ge [sflag:s14], $0x4000  }
0x46: {  	[sflag:s14] =	ssyncset.done $0x0  }
0x47: {  	[sflag:s14] =	ssyncadd.s32 $0xFFFFC000  }
0x48: {  	_ =	swait.ge [sflag:s18], $0x4000  }
0x49: {  	[sflag:s18] =	ssyncset.done $0x0  }
0x4a: {  	[sflag:s18] =	ssyncadd.s32 $0xFFFFC000  }
0x4b: {  	[tilespmem:s19], [sflag:$0x2] =	stream.indirect.gather [hbm4b:s5+s16], $0x80, s21, s16, $0xb8;
	[tilespmem:$0x1E800] =	vst v63  }
0x4c: {  	_ = 	snop  }
0x4d: {  	[spmem:s3] =	stream.indirect.scatter.add.f32 [tilespmem:s17], [sflag:$0x3], $0x80, s22, s16, $0xb8;
	[tilespmem:$0x1E800] =	vst v63  }
0x4e: {  	_ =	swait.ge [sflag:s14], $0x4000  }
0x4f: {  	[sflag:s14] =	ssyncset.done $0x0  }
0x50: {  	[sflag:s14] =	ssyncadd.s32 $0xFFFFC000  }
0x51: {  	_ =	swait.ge [sflag:s20], $0x4000  }
0x52: {  	[sflag:s20] =	ssyncset.done $0x0  }
0x53: {  	[sflag:s20] =	ssyncadd.s32 $0xFFFFC000  }
0x54: {  	[spmem:s3] =	stream.indirect.scatter.add.f32 [tilespmem:s19], [sflag:$0x3], $0x80, s23, s16, $0xb8;
	[tilespmem:$0x1E800] =	vst v63  }
0x55: {  	_ =	swait.ge [sflag:s14], $0x4000  }
0x56: {  	[sflag:s14] =	ssyncset.done $0x0  }
0x57: {  	s25 =	simm.s32 $0x0;
	[sflag:s14] =	ssyncadd.s32 $0xFFFFC000  }
0x58: {  	[tilespmem:s25], [sflag:$0x3] =	stream.linear.gather [hbm4b:s9+s25], $0x1400, $0x38;
	[tilespmem:$0x1E800] =	vst v63  }
0x59: {  	_ =	swait.ge [sflag:s14], $0x1400  }
0x5a: {  	[sflag:s14] =	ssyncset.done $0x0  }
0x5b: {  	[sflag:s14] =	ssyncadd.s32 $0xFFFFEC00  }
0x5c: {  	[tilespmem:s15], [sflag:$0x3] =	stream.linear.gather [hbm4b:s10+s25], $0x1400, $0x38;
	[tilespmem:$0x1E800] =	vst v63  }
0x5d: {  	_ =	swait.ge [sflag:s14], $0x1400  }
0x5e: {  	[sflag:s14] =	ssyncset.done $0x0  }
0x5f: {  	[sflag:s14] =	ssyncadd.s32 $0xFFFFEC00  }
0x60: {  	[tilespmem:s17], [sflag:$0x1] =	stream.indirect.gather [hbm4b:s5+s16], $0x80, s25, s16, $0xb8;
	[tilespmem:$0x1E800] =	vst v63  }
0x61: {  	_ =	swait.ge [sflag:s18], $0x4000  }
0x62: {  	[sflag:s18] =	ssyncset.done $0x0  }
0x63: {  	s28 =	simm.s32 $0x80;
	[sflag:s18] =	ssyncadd.s32 $0xFFFFC000  }
0x64: {  	[tilespmem:s19], [sflag:$0x2] =	stream.indirect.gather [hbm4b:s5+s16], $0x80, s28, s16, $0xb8;
	[tilespmem:$0x1E800] =	vst v63  }
0x65: {  	s29 =	simm.s32 $0x1400  }
0x66: {  	[spmem:s3] =	stream.indirect.scatter.add.f32 [tilespmem:s17], [sflag:$0x3], $0x80, s29, s16, $0xb8;
	[tilespmem:$0x1E800] =	vst v63  }
0x67: {  	_ =	swait.ge [sflag:s14], $0x4000  }
0x68: {  	[sflag:s14] =	ssyncset.done $0x0  }
0x69: {  	[sflag:s14] =	ssyncadd.s32 $0xFFFFC000  }
0x6a: {  	_ =	swait.ge [sflag:s20], $0x4000  }
0x6b: {  	[sflag:s20] =	ssyncset.done $0x0  }
0x6c: {  	s30 =	simm.s32 $0x100;
	[sflag:s20] =	ssyncadd.s32 $0xFFFFC000  }
0x6d: {  	[tilespmem:s17], [sflag:$0x1] =	stream.indirect.gather [hbm4b:s5+s16], $0x80, s30, s16, $0xb8;
	[tilespmem:$0x1E800] =	vst v63  }
0x6e: {  	s31 =	simm.s32 $0x1480  }
0x6f: {  	[spmem:s3] =	stream.indirect.scatter.add.f32 [tilespmem:s19], [sflag:$0x3], $0x80, s31, s16, $0xb8;
	[tilespmem:$0x1E800] =	vst v63  }
0x70: {  	_ =	swait.ge [sflag:s14], $0x4000  }
0x71: {  	s25 =	simm.s32 $0x400;
	[sflag:s14] =	ssyncset.done $0x0  }
.LBB2_4:
0x72: {  	p0 =	sne.s32 s25, $0x4800  }
0x73: {  	[sflag:s14] =	ssyncadd.s32 $0xFFFFC000;
	s26 =	smov.u32 s25;
	s25 =	sadd.s32 $0x400, s25  }
0x74: {  	_ = 	snop  }
0x75: {  	_ =	swait.ge [sflag:s18], $0x4000  }
0x76: {  	s26 =	sshra.s32 s26, $0x2;
	[sflag:s18] =	ssyncset.done $0x0  }
0x77: {  	s28 =	sadd.s32 $0x80, s26;
	[sflag:s18] =	ssyncadd.s32 $0xFFFFC000  }
0x78: {  	[tilespmem:s19], [sflag:$0x2] =	stream.indirect.gather [hbm4b:s5+s16], $0x80, s28, s16, $0xb8;
	[tilespmem:$0x1E800] =	vst v63  }
0x79: {  	s28 =	sadd.s32 $0x1400, s26  }
0x7a: {  	[spmem:s3] =	stream.indirect.scatter.add.f32 [tilespmem:s17], [sflag:$0x3], $0x80, s28, s16, $0xb8;
	[tilespmem:$0x1E800] =	vst v63  }
0x7b: {  	_ =	swait.ge [sflag:s14], $0x4000  }
0x7c: {  	[sflag:s14] =	ssyncset.done $0x0  }
0x7d: {  	[sflag:s14] =	ssyncadd.s32 $0xFFFFC000  }
0x7e: {  	_ =	swait.ge [sflag:s20], $0x4000  }
0x7f: {  	[sflag:s20] =	ssyncset.done $0x0  }
0x80: {  	s28 =	sadd.s32 $0x100, s26;
	[sflag:s20] =	ssyncadd.s32 $0xFFFFC000  }
0x81: {  	[tilespmem:s17], [sflag:$0x1] =	stream.indirect.gather [hbm4b:s5+s16], $0x80, s28, s16, $0xb8;
	[tilespmem:$0x1E800] =	vst v63  }
.Ltmp1:
0x82: {  	_ = 	snop;
	(pc) =	sbr.rel @p0 .LBB2_4-.Ltmp1, $4  }
0x83: {  	s26 =	sadd.s32 $0x1480, s26  }
0x84: {  	[spmem:s3] =	stream.indirect.scatter.add.f32 [tilespmem:s19], [sflag:$0x3], $0x80, s26, s16, $0xb8;
	[tilespmem:$0x1E800] =	vst v63  }
0x85: {  	_ =	swait.ge [sflag:s14], $0x4000  }
0x86: {  	[sflag:s14] =	ssyncset.done $0x0  }
0x87: {  	[sflag:s14] =	ssyncadd.s32 $0xFFFFC000  }
0x88: {  	_ =	swait.ge [sflag:s18], $0x4000  }
0x89: {  	[sflag:s18] =	ssyncset.done $0x0  }
0x8a: {  	[sflag:s18] =	ssyncadd.s32 $0xFFFFC000  }
0x8b: {  	[tilespmem:s19], [sflag:$0x2] =	stream.indirect.gather [hbm4b:s5+s16], $0x80, s21, s16, $0xb8;
	[tilespmem:$0x1E800] =	vst v63  }
0x8c: {  	_ = 	snop  }
0x8d: {  	[spmem:s3] =	stream.indirect.scatter.add.f32 [tilespmem:s17], [sflag:$0x3], $0x80, s22, s16, $0xb8;
	[tilespmem:$0x1E800] =	vst v63  }
0x8e: {  	_ =	swait.ge [sflag:s14], $0x4000  }
0x8f: {  	[sflag:s14] =	ssyncset.done $0x0  }
0x90: {  	[sflag:s14] =	ssyncadd.s32 $0xFFFFC000  }
0x91: {  	_ =	swait.ge [sflag:s20], $0x4000  }
0x92: {  	[sflag:s20] =	ssyncset.done $0x0  }
0x93: {  	[sflag:s20] =	ssyncadd.s32 $0xFFFFC000  }
0x94: {  	[spmem:s3] =	stream.indirect.scatter.add.f32 [tilespmem:s19], [sflag:$0x3], $0x80, s23, s16, $0xb8;
	[tilespmem:$0x1E800] =	vst v63  }
0x95: {  	_ =	swait.ge [sflag:s14], $0x4000  }
0x96: {  	s24 =	sadd.s32 $0x1, s24;
	[sflag:s14] =	ssyncset.done $0x0  }
0x97: {  	p0 =	sne.s32 s24, s12;
	[sflag:s14] =	ssyncadd.s32 $0xFFFFC000  }
.Ltmp2:
0x98: {  	[bflag:$0x0] =	sbarrier.arrive $0xFFFF;
	(pc) =	sbr.rel @p0 .LBB2_1-.Ltmp2, $4  }
0x99: {  	[hbm:s11], [sflag:s6] =	dma.local [spmem:s13], $0x2800  }
0x9a: {  	_ =	swait.ge [sflag:s14], $0x2800  }
0x9b: {  	[sflag:s14] =	ssyncset.done $0x0  }
0x9c: {  	[sflag:s14] =	ssyncadd.s32 $0xFFFFD800  }
0x9d: {  	_ =	sfence.sel $0x180000  }
0x9e: {  	[bflag:$0x0] =	sbarrier.arrive $0xFFFF  }
0x9f: {  	p0 =	sne.s32 s2, $0x0;
	_ =	strace $0x9000004D  }
0xa0: {  	s0 =	sadd.s32 @!p0 $0x100000, s0;
	[bflag:$0x2] =	sbarrier.arrive $0xFFFF  }
0xa1: {  	[sflag:s0] =	ssyncadd.tile.s32 @!p0 $0x1;
	_ =	shalt  }
.Lfunc_end2:
_tile_overlayer_lowered:
.L_overlay_start_2:
0xa2: {  	(tag) =	ssettag $0x2  }
0xa3: {  	s0 =	rddreg [dreg:$0x0];
	s2 =	stileid.u32  }
0xa4: {  	s1 =	rddreg [dreg:$0x1];
	p0 =	sne.s32 s2, $0x0  }
0xa5: {  	s3 =	rddreg [dreg:$0x2];
	[bflag:$0x3] =	sbarrier.arrive $0xFFFF;
	s2 =	simm.s32 @!p0 $0x1C03  }
0xa6: {  	[timem:s3], [sflag:s2] =	dma.local @!p0 [hbm:s0], s1  }
0xa7: {  	s0 =	simm.s32 @!p0 $0x3  }
0xa8: {  	_ =	swait.ge @!p0 [sflag:s0], s1  }
0xa9: {  	s1 =	ssub.s32 @!p0 $0x0, s1;
	[sflag:s0] =	ssyncset.done @!p0 $0x0  }
0xaa: {  	[sflag:s0] =	ssyncadd.s32 @!p0 s1  }
0xab: {  	[bflag:$0x3] =	sbarrier.arrive $0xFFFF  }
0xac: {  	_ =	shalt  }

// kernel: kernel.9.cloned.1.call-start
scs
__scs_entry_jumppad:
0x0: {  	(pc) =	sbr.rel $0x88, $3  }
0x1: {  	(tag) =	ssettag $0x0;
	lr =	simm.s32 $0x1  }
0x2: {  	[smem:$0x3F99] =	sst lr;
	_ =	strace $0xD0000000  }
0x3: {  	_ = 	snop  }
0x4: {  	_ = 	snop  }
0x5: {  	_ = 	snop  }
0x6: {  	_ = 	snop  }
0x7: {  	_ = 	snop  }
__scs_overlays_trampoline_lowered:
0x8: {  	[smem:$0x3FA8] =	sst s0  }
0x9: {  	[smem:$0x3FA9] =	sst s1  }
0xa: {  	[smem:$0x3FAA] =	sst s2  }
0xb: {  	[smem:$0x3FAB] =	sst s3  }
0xc: {  	[smem:$0x3FAC] =	sst s4  }
0xd: {  	[smem:$0x3FAD] =	sst s5  }
0xe: {  	[smem:$0x3FAE] =	sst s6  }
0xf: {  	[smem:$0x3FAF] =	sst s7  }
0x10: {  	[smem:$0x3FB0] =	sst s8  }
0x11: {  	[smem:$0x3FB1] =	sst s9;
	s0 =	simm.s32 @!p0 $0x0  }
0x12: {  	s1 =	sld [smem:$0x3F97];
	s0 =	simm.s32 @p0 $0x1  }
0x13: {  	[smem:$0x3FB2] =	sst s0;
	s0 =	simm.s32 @!p1 $0x0  }
0x14: {  	s2 =	sld [smem:$0x3F96];
	s0 =	simm.s32 @p1 $0x1  }
0x15: {  	[smem:$0x3FB3] =	sst s0;
	s0 =	simm.s32 @!p2 $0x0  }
0x16: {  	s3 =	sld [smem:$0x3FDB];
	s0 =	simm.s32 @p2 $0x1  }
0x17: {  	s4 =	simm.s32 $0x1BF5;
	[smem:$0x3FB5] =	sst s0  }
0x18: {  	s0 =	sld [smem:$0x3F98];
	_ =	swait.ge [sflag:s4], $0x0  }
0x19: {  	s7 =	sld [smem:$0x3F99]  }
0x1a: {  	s8 =	sadd.s32 $0xFFFFE003, lr  }
0x1b: {  	s9 =	sadd.s32 $0xFFFFFEF7, lr;
	s5 =	simm.s32 $0xFFFFFFFF;
	p2 =	slt.u32 s8, $0xFFFFF086  }
0x1c: {  	p1 =	slt.u32 s9, $0xF7A;
	s5 =	simm.s32 @!p2 $0x0  }
0x1d: {  	s5 =	simm.s32 @p1 $0x1;
	p0 =	seq.s32 s7, s2  }
0x1e: {  	s7 =	smul.u32 @!p0 $0xF7A, s2;
	p2 =	seq.s32 @!p0 s5, $0x0  }
0x1f: {  	s9 =	smul.u32 $0xF7A, s1;
	s8 =	simm.s32 @!p0 $0x1BF5;
	p2 =	por !p2, p0  }
0x20: {  	[sflag:s8] =	ssyncset.s32 @!p0 $0xFFFFF086;
	s6 =	sadd.s32 @!p0 s3, s7;
	s7 =	simm.s32 @!p0 $0x108  }
0x21: {  	s3 =	sadd.s32 s3, s9;
	s6 =	sadd.s32 @!p0 $0x88, s6;
	s7 =	simm.s32 @p2 $0x1082  }
0x22: {  	[simem:s7], [sflag:s8] =	dma.local @!p0 [hbm:s6], $0xF7A  }
0x23: {  	s9 =	sor.u32 $0xD0000000, s2;
	s6 =	simm.s32 $0x108;
	_ =	swait.ge @!p0 [sflag:s8], $0x0  }
0x24: {  	s3 =	sadd.s32 $0x88, s3;
	s6 =	simm.s32 @!p1 $0x1082;
	[sflag:s4] =	ssyncset.s32 $0xFFFFF086  }
0x25: {  	[simem:s6], [sflag:s4] =	dma.local [hbm:s3], $0xF7A  }
0x26: {  	[smem:$0x3F99] =	sst s1;
	(tag) =	ssettag s2;
	_ =	strace s9  }
0x27: {  	s1 =	sld [smem:$0x3FA9]  }
0x28: {  	s2 =	sld [smem:$0x3FAA]  }
0x29: {  	s4 =	sld [smem:$0x3FAC]  }
0x2a: {  	p0 =	seq.s32 s5, $0x0;
	s5 =	sld [smem:$0x3FAD]  }
0x2b: {  	s6 =	sld [smem:$0x3FAE]  }
0x2c: {  	s7 =	sld [smem:$0x3FAF]  }
0x2d: {  	s3 =	simm.s32 $0x108;
	s8 =	sld [smem:$0x3FB0]  }
0x2e: {  	s3 =	simm.s32 @!p0 $0x1082;
	s9 =	sld [smem:$0x3FB1]  }
0x2f: {  	lr =	sadd.s32 s0, s3;
	s0 =	sld [smem:$0x3FA8]  }
0x30: {  	s3 =	sld [smem:$0x3FAB]  }
0x31: {  	[smem:$0x3FB4] =	sst s10  }
0x32: {  	s10 =	sld [smem:$0x3FB2];
	_ =	sdelay $0x3  }
0x33: {  	p0 =	seq.s32 s10, $0x1;
	s10 =	sld [smem:$0x3FB4];
	_ =	sdelay $0x3  }
0x34: {  	[smem:$0x3FB4] =	sst s10  }
0x35: {  	s10 =	sld [smem:$0x3FB3];
	_ =	sdelay $0x3  }
0x36: {  	p1 =	seq.s32 s10, $0x1;
	s10 =	sld [smem:$0x3FB4];
	_ =	sdelay $0x3  }
0x37: {  	[smem:$0x3FB4] =	sst s10  }
0x38: {  	s10 =	sld [smem:$0x3FB5]  }
0x39: {  	_ = 	snop;
	(pc) =	sbr.ind lr, $3  }
0x3a: {  	_ = 	snop  }
0x3b: {  	_ = 	snop  }
0x3c: {  	p2 =	seq.s32 s10, $0x1;
	s10 =	sld [smem:$0x3FB4]  }
0x3d: {  	_ =	shalt  }
0x3e: {  	_ =	shalt  }
0x3f: {  	_ =	shalt  }
0x40: {  	_ =	shalt  }
0x41: {  	_ =	shalt  }
0x42: {  	_ =	shalt  }
0x43: {  	_ =	shalt  }
0x44: {  	_ =	shalt  }
0x45: {  	_ =	shalt  }
0x46: {  	_ =	shalt  }
0x47: {  	_ =	shalt  }
0x48: {  	_ =	shalt  }
0x49: {  	_ =	shalt  }
0x4a: {  	_ =	shalt  }
0x4b: {  	_ =	shalt  }
0x4c: {  	_ =	shalt  }
0x4d: {  	_ =	shalt  }
0x4e: {  	_ =	shalt  }
0x4f: {  	_ =	shalt  }
0x50: {  	_ =	shalt  }
0x51: {  	_ =	shalt  }
0x52: {  	_ =	shalt  }
0x53: {  	_ =	shalt  }
0x54: {  	_ =	shalt  }
0x55: {  	_ =	shalt  }
0x56: {  	_ =	shalt  }
0x57: {  	_ =	shalt  }
0x58: {  	_ =	shalt  }
0x59: {  	_ =	shalt  }
0x5a: {  	_ =	shalt  }
0x5b: {  	_ =	shalt  }
0x5c: {  	_ =	shalt  }
0x5d: {  	_ =	shalt  }
0x5e: {  	_ =	shalt  }
0x5f: {  	_ =	shalt  }
0x60: {  	_ =	shalt  }
0x61: {  	_ =	shalt  }
0x62: {  	_ =	shalt  }
0x63: {  	_ =	shalt  }
0x64: {  	_ =	shalt  }
0x65: {  	_ =	shalt  }
0x66: {  	_ =	shalt  }
0x67: {  	_ =	shalt  }
0x68: {  	_ =	shalt  }
0x69: {  	_ =	shalt  }
0x6a: {  	_ =	shalt  }
0x6b: {  	_ =	shalt  }
0x6c: {  	_ =	shalt  }
0x6d: {  	_ =	shalt  }
0x6e: {  	_ =	shalt  }
0x6f: {  	_ =	shalt  }
0x70: {  	_ =	shalt  }
0x71: {  	_ =	shalt  }
0x72: {  	_ =	shalt  }
0x73: {  	_ =	shalt  }
0x74: {  	_ =	shalt  }
0x75: {  	_ =	shalt  }
0x76: {  	_ =	shalt  }
0x77: {  	_ =	shalt  }
0x78: {  	_ =	shalt  }
0x79: {  	_ =	shalt  }
0x7a: {  	_ =	shalt  }
0x7b: {  	_ =	shalt  }
0x7c: {  	_ =	shalt  }
0x7d: {  	_ =	shalt  }
0x7e: {  	_ =	shalt  }
0x7f: {  	_ =	shalt  }
0x80: {  	_ =	shalt  }
0x81: {  	_ =	shalt  }
0x82: {  	_ =	shalt  }
0x83: {  	_ =	shalt  }
0x84: {  	_ =	shalt  }
0x85: {  	_ =	shalt  }
0x86: {  	_ =	shalt  }
0x87: {  	_ =	shalt  }
.Lfunc_end0:
.L_simem_size_0:
called_computation_lowered:
.L_overlay_start_0:
0x88: {  	s2 =	sld [smem:$0x3FD9]  }
0x89: {  	s3 =	sld [smem:$0x3FFE];
	_ =	sdelay $0x1  }
0x8a: {  	s1 =	srdreg.scid  }
0x8b: {  	s0 =	sand.u32 $0x1, s1  }
0x8c: {  	s14 =	sshll.u32 s0, $0xA;
	s2 =	sadd.s32 s3, s2  }
0x8d: {  	s2 =	sadd.s32 s2, s14  }
0x8e: {  	[smem:$0x3FC0] =	sst s2  }
0x8f: {  	_ = 	snop  }
0x90: {  	s2 =	sld [smem:$0x3FD0];
	_ =	sdelay $0x2  }
0x91: {  	s15 =	simm.s32 $0xA;
	s4 =	simm.s32 $0x10  }
0x92: {  	[smem:s4], [sflag:s15] =	dma.local [hbm:s2], $0x1  }
0x93: {  	_ =	swait.eq [sflag:s15], $0x1  }
0x94: {  	[sflag:s15] =	ssyncset.done $0x0  }
0x95: {  	s16 =	sld [smem:$0x10];
	[sflag:s15] =	ssyncadd.s32 $0xFFFFFFFF  }
0x96: {  	s17 =	sld [smem:$0x11];
	(tm) =	ssettm $0x1  }
0x97: {  	s18 =	sld [smem:$0x3FFB];
	_ =	sdelay $0x3  }
0x98: {  	_ =	strace s18  }
0x99: {  	s4 =	sld [smem:$0x3FFC];
	_ =	sdelay $0x3  }
0x9a: {  	_ =	strace s4  }
0x9b: {  	s4 =	sld [smem:$0x3FFD];
	_ =	sdelay $0x3  }
0x9c: {  	_ =	strace s4  }
0x9d: {  	_ =	strace $0x8FFFFFFF  }
0x9e: {  	s19 =	sld [smem:$0x3FDB];
	_ =	sdelay $0x1  }
0x9f: {  	s5 =	simm.s32 $_scs_section_size  }
0xa0: {  	s6 =	simm.s32 $_size__tile_overlayer_lowered;
	s7 =	simm.s32 $_tile_overlayer_lowered  }
0xa1: {  	s22 =	simm.s32 $0x1BFF;
	s21 =	sshll.u32 s7, $0x1;
	s4 =	sadd.s32 s5, s19  }
0xa2: {  	s8 =	simm.s32 $0x0;
	s20 =	sshll.u32 s6, $0x1;
	s6 =	sadd.s32 s21, s4  }
0xa3: {  	[timem:s8], [sflag:s22] =	dma.local [hbm:s6], s20  }
0xa4: {  	_ =	swait.ge [sflag:s22], s20  }
0xa5: {  	s5 =	ssub.s32 $0x0, s20;
	[sflag:s22] =	ssyncset.done $0x0  }
0xa6: {  	[sflag:s22] =	ssyncadd.s32 s5;
	_ =	sdelay $0x1  }
0xa7: {  	s23 =	simm.s32 $0x1B8B  }
0xa8: {  	_ =	swait.ge [sflag:s23], $0x1  }
0xa9: {  	[sflag:s23] =	ssyncset.done $0x0  }
0xaa: {  	s25 =	simm.s32 $0x1B8E;
	s24 =	sld [smem:$0x3FFE];
	[sflag:s23] =	ssyncadd.s32 $0xFFFFFFFF  }
0xab: {  	s26 =	simm.s32 $execute0_lowered;
	[smem:$0x3FD2] =	sst s25  }
0xac: {  	s6 =	sshll.u32 s26, $0x1;
	_ =	strace $0x80000046;
	[dreg:$0x1] =	wrdreg $0xFFFFFFFF  }
0xad: {  	s28 =	simm.s32 $_size_execute0_lowered;
	s4 =	sadd.s32 s4, s6;
	[dreg:$0x0] =	wrdreg $0x0  }
0xae: {  	s6 =	sshll.u32 s28, $0x1;
	[dreg:$0x2] =	wrdreg s4  }
0xaf: {  	[dreg:$0x3] =	wrdreg s6  }
0xb0: {  	[dreg:$0x4] =	wrdreg $0xC0  }
0xb1: {  	_ =	task [dreg:s8], $0x5FFFF  }
0xb2: {  	[dreg:$0x1] =	wrdreg $0xFFFFFFFF  }
0xb3: {  	[dreg:$0x0] =	wrdreg $0x60  }
0xb4: {  	[dreg:$0x2] =	wrdreg s24  }
0xb5: {  	[dreg:$0x3] =	wrdreg s16  }
0xb6: {  	[dreg:$0x4] =	wrdreg s17  }
0xb7: {  	[dreg:$0x5] =	wrdreg $0x50800  }
0xb8: {  	[dreg:$0x6] =	wrdreg $0x9  }
0xb9: {  	_ =	task.clear_ibuf [dreg:s8], $0x7FFFF;
	_ =	strace $0x90000046  }
0xba: {  	s29 =	simm.s32 $0x9;
	_ =	strace $0x80000048  }
0xbb: {  	_ =	swait.ge [sflag:s29], $0x1  }
0xbc: {  	[sflag:s29] =	ssyncadd.s32 $0xFFFFFFFF  }
0xbd: {  	_ =	strace $0x90000048  }
0xbe: {  	_ =	sfence  }
0xbf: {  	s30 =	sld [smem:$0x0];
	_ =	sdelay $0x2  }
0xc0: {  	s31 =	sshll.u32 s1, $0xD;
	s1 =	sshrl.u32 s1, $0x2  }
0xc1: {  	s3 =	sand.u32 $0x4000, s31;
	s1 =	sadd.s32 s1, s30  }
0xc2: {  	s0 =	sor.u32 s3, s0;
	s1 =	sshll.u32 s1, $0x11  }
0xc3: {  	s0 =	sor.u32 s1, s0  }
0xc4: {  	s0 =	sadd.s32 $0x8F2B, s0  }
0xc5: {  	[sflag:s0] =	ssyncadd.remote.s32 $0x1  }
0xc6: {  	_ =	sfence.sel $0xFFFF  }
0xc7: {  	[dreg:$0x0] =	wrdreg $0xFFFFFFFF;
	(pc) =	sbr.abs _section_cstart, $3  }
0xc8: {  	[dreg:$0x1] =	wrdreg $0xFFFFFFFF  }
0xc9: {  	_ =	task.clear_ibuf [dreg:s8], $0x2FFFF;
	_ =	strace $0x9FFFFFFF  }
0xca: {  	(tm) =	ssettm $0x7FFFFFFF  }
0xcb: {  	_ =	shalt  }
tec
execute0_lowered:
.L_overlay_start_1:
0x0: {  	(tag) =	ssettag $0x1  }
0x1: {  	s6 =	rddreg [dreg:$0x0]  }
0x2: {  	s0 =	rddreg [dreg:$0x1]  }
0x3: {  	s1 =	srdreg.scid;
	s7 =	rddreg [dreg:$0x2]  }
0x4: {  	s3 =	rddreg [dreg:$0x3];
	s2 =	stileid.u32;
	s4 =	simm.s32 $0x0  }
0x5: {  	s13 =	simm.s32 $0x2800;
	s8 =	sand.u32 $0x1, s1;
	s1 =	rddreg [dreg:$0x4]  }
0x6: {  	s14 =	simm.s32 $0x50;
	s15 =	simm.s32 $0x0;
	[smem:$0x7FF] =	sst s4  }
0x7: {  	s11 =	sshll.u32 s2, $0xA;
	p0 =	sgt.u32 s2, $0x9;
	s5 =	sshll.u32 s8, $0x4  }
0x8: {  	s10 =	smul.u32 $0x2800, s8;
	s8 =	ssub.s32 $0x2, s8;
	s5 =	sor.u32 s2, s5  }
0x9: {  	_ =	strace $0x80000047;
	s12 =	sshrl.u32 s8, $0x1;
	s9 =	smul.u32 $0x2800, s5  }
0xa: {  	s5 =	sadd.s32 $0x17200, s6;
	s31 =	sadd.s32 s11, s10;
	s8 =	ssub.s32 s8, s12  }
0xb: {  	s12 =	sadd.s32 s11, s3;
	s11 =	sshll.u32 @!p0 s2, $0x6;
	s10 =	simm.s32 $0x5000  }
0xc: {  	s8 =	smax.u32 s8, $0x1;
	s11 =	sor.u32 @!p0 $0x1C01, s11;
	s9 =	sshrl.u32 s9, $0x3  }
0xd: {  	s12 =	sshrl.u32 @!p0 s12, $0x3;
	s6 =	sadd.s32 s6, s9;
	s9 =	sshrl.u32 s31, $0x3  }
0xe: {  	v0 =	vimm.f32 $0.0e+00;
	s6 =	sadd.s32 $0xD200, s6;
	s7 =	sadd.s32 s7, s9;
	s9 =	simm.s32 $0x1  }
.LBB2_1:
0xf: {  	[tilespmem:s4], [sflag:$0x1] =	stream.linear.gather [hbm4b:s6+s4], $0x2800, $0x38;
	[tilespmem:$0x5300] =	vst v63  }
0x10: {  	_ =	swait.ge [sflag:s9], $0x2800  }
0x11: {  	[sflag:s9] =	ssyncset.done $0x0  }
0x12: {  	[sflag:s9] =	ssyncadd.s32 $0xFFFFD800  }
0x13: {  	[tilespmem:s10], [sflag:$0x1] =	stream.linear.gather [hbm4b:s5+s4], $0x80, $0x38;
	[tilespmem:$0x5300] =	vst v63  }
0x14: {  	_ =	swait.ge [sflag:s9], $0x80  }
0x15: {  	[sflag:s9] =	ssyncset.done $0x0  }
0x16: {  	s16 =	simm.s32 $0x0;
	s17 =	simm.s32 $0x200;
	[sflag:s9] =	ssyncadd.s32 $0xFFFFFF80  }
.LBB2_2:
0x17: {  	p1 =	sne.s32 s17, $0x9E00;
	[tilespmem:s16+$0x2870] =	vst v0  }
0x18: {  	[tilespmem:s16+$0x2800] =	vst v0  }
0x19: {  	[tilespmem:s16+$0x2810] =	vst v0  }
.Ltmp0:
0x1a: {  	[tilespmem:s16+$0x2820] =	vst v0;
	(pc) =	sbr.rel @p1 .LBB2_2-.Ltmp0, $4  }
0x1b: {  	[tilespmem:s16+$0x2830] =	vst v0  }
0x1c: {  	[tilespmem:s16+$0x2840] =	vst v0  }
0x1d: {  	[tilespmem:s16+$0x2850] =	vst v0  }
0x1e: {  	[tilespmem:s16+$0x2860] =	vst v0;
	s16 =	sshra.s32 s17, $0x2;
	s17 =	sadd.s32 $0x200, s17  }
0x1f: {  	[tilespmem:s16+$0x2870] =	vst v0  }
0x20: {  	[tilespmem:s16+$0x2800] =	vst v0  }
0x21: {  	[tilespmem:s16+$0x2810] =	vst v0  }
0x22: {  	[tilespmem:s16+$0x2820] =	vst v0  }
0x23: {  	[tilespmem:s16+$0x2830] =	vst v0  }
0x24: {  	[tilespmem:s16+$0x2840] =	vst v0  }
0x25: {  	[tilespmem:s16+$0x2850] =	vst v0  }
0x26: {  	[tilespmem:s16+$0x2860] =	vst v0;
	s16 =	simm.s32 @!p0 $0x1  }
0x27: {  	[spmem:s12], [sflag:s11] =	dma.local @!p0 [hbm:s0], $0x80  }
0x28: {  	_ =	swait.ge @!p0 [sflag:s16], $0x80  }
0x29: {  	[sflag:s16] =	ssyncset.done @!p0 $0x0  }
0x2a: {  	[sflag:s16] =	ssyncadd.s32 @!p0 $0xFFFFFF80  }
0x2b: {  	s16 =	simm.s32 $0x0;
	[bflag:$0x0] =	sbarrier.arrive $0xFFFF  }
.LBB2_4:
0x2c: {  	s17 =	sshra.s32 s16, $0x2  }
0x2d: {  	v1 =	vld [tilespmem:s17+$0x0];
	_ =	sdelay $0x4  }
0x2e: {  	(xrf1) =	vunique.msk.u32 $0xffff, v1;
	_ =	sdelay $0xc  }
0x2f: {  	v2 =	vld.idx.msk [tilespmem:v1+s13+$0x0], $0xffff  }
0x30: {  	_, v3, vm0 =	vpop (xrf1);
	_ =	sdelay $0x1  }
0x31: {  	v3 =	vcvt.s32.f32 v3;
	_ =	sdelay $0x1  }
0x32: {  	v2 =	vadd.f32 v3, v2;
	_ =	sdelay $0x1  }
0x33: {  	[tilespmem:v1+s13+$0x0] =	vst.idx.msk vm0, v2  }
0x34: {  	v1 =	vld [tilespmem:s17+$0x10];
	_ =	sdelay $0x4  }
0x35: {  	(xrf1) =	vunique.msk.u32 $0xffff, v1;
	_ =	sdelay $0xc  }
0x36: {  	v2 =	vld.idx.msk [tilespmem:v1+s13+$0x0], $0xffff  }
0x37: {  	_, v3, vm9 =	vpop (xrf1);
	_ =	sdelay $0x1  }
0x38: {  	v3 =	vcvt.s32.f32 v3;
	_ =	sdelay $0x1  }
0x39: {  	v2 =	vadd.f32 v3, v2;
	_ =	sdelay $0x1  }
0x3a: {  	[tilespmem:v1+s13+$0x0] =	vst.idx.msk vm9, v2  }
0x3b: {  	v1 =	vld [tilespmem:s17+$0x20];
	_ =	sdelay $0x4  }
0x3c: {  	(xrf1) =	vunique.msk.u32 $0xffff, v1;
	_ =	sdelay $0xc  }
0x3d: {  	v2 =	vld.idx.msk [tilespmem:v1+s13+$0x0], $0xffff  }
0x3e: {  	_, v3, vm10 =	vpop (xrf1);
	_ =	sdelay $0x1  }
0x3f: {  	v3 =	vcvt.s32.f32 v3;
	_ =	sdelay $0x1  }
0x40: {  	v2 =	vadd.f32 v3, v2;
	_ =	sdelay $0x1  }
0x41: {  	[tilespmem:v1+s13+$0x0] =	vst.idx.msk vm10, v2  }
0x42: {  	v1 =	vld [tilespmem:s17+$0x30];
	_ =	sdelay $0x4  }
0x43: {  	(xrf1) =	vunique.msk.u32 $0xffff, v1;
	_ =	sdelay $0xc  }
0x44: {  	v2 =	vld.idx.msk [tilespmem:v1+s13+$0x0], $0xffff  }
0x45: {  	_, v3, vm11 =	vpop (xrf1);
	_ =	sdelay $0x1  }
0x46: {  	v3 =	vcvt.s32.f32 v3;
	_ =	sdelay $0x1  }
0x47: {  	v2 =	vadd.f32 v3, v2;
	_ =	sdelay $0x1  }
0x48: {  	[tilespmem:v1+s13+$0x0] =	vst.idx.msk vm11, v2  }
0x49: {  	v1 =	vld [tilespmem:s17+$0x40];
	_ =	sdelay $0x4  }
0x4a: {  	(xrf1) =	vunique.msk.u32 $0xffff, v1;
	_ =	sdelay $0xc  }
0x4b: {  	v2 =	vld.idx.msk [tilespmem:v1+s13+$0x0], $0xffff  }
0x4c: {  	_, v3, vm12 =	vpop (xrf1);
	_ =	sdelay $0x1  }
0x4d: {  	v3 =	vcvt.s32.f32 v3;
	_ =	sdelay $0x1  }
0x4e: {  	v2 =	vadd.f32 v3, v2;
	_ =	sdelay $0x1  }
0x4f: {  	[tilespmem:v1+s13+$0x0] =	vst.idx.msk vm12, v2  }
0x50: {  	v1 =	vld [tilespmem:s17+$0x50];
	_ =	sdelay $0x4  }
0x51: {  	(xrf1) =	vunique.msk.u32 $0xffff, v1;
	_ =	sdelay $0xc  }
0x52: {  	v2 =	vld.idx.msk [tilespmem:v1+s13+$0x0], $0xffff  }
0x53: {  	_, v3, vm13 =	vpop (xrf1);
	_ =	sdelay $0x1  }
0x54: {  	v3 =	vcvt.s32.f32 v3;
	_ =	sdelay $0x1  }
0x55: {  	v2 =	vadd.f32 v3, v2;
	_ =	sdelay $0x1  }
0x56: {  	[tilespmem:v1+s13+$0x0] =	vst.idx.msk vm13, v2  }
0x57: {  	v1 =	vld [tilespmem:s17+$0x60];
	_ =	sdelay $0x4  }
0x58: {  	(xrf1) =	vunique.msk.u32 $0xffff, v1;
	_ =	sdelay $0xc  }
0x59: {  	v2 =	vld.idx.msk [tilespmem:v1+s13+$0x0], $0xffff  }
0x5a: {  	_, v3, vm14 =	vpop (xrf1);
	_ =	sdelay $0x1  }
0x5b: {  	v3 =	vcvt.s32.f32 v3;
	_ =	sdelay $0x1  }
0x5c: {  	v2 =	vadd.f32 v3, v2;
	_ =	sdelay $0x1  }
0x5d: {  	[tilespmem:v1+s13+$0x0] =	vst.idx.msk vm14, v2  }
0x5e: {  	v1 =	vld [tilespmem:s17+$0x70];
	_ =	sdelay $0x4  }
0x5f: {  	(xrf1) =	vunique.msk.u32 $0xffff, v1;
	_ =	sdelay $0xc  }
0x60: {  	v2 =	vld.idx.msk [tilespmem:v1+s13+$0x0], $0xffff  }
0x61: {  	_, v3, vm15 =	vpop (xrf1)  }
0x62: {  	p1 =	sne.s32 s16, $0x9E00  }
.Ltmp1:
0x63: {  	v3 =	vcvt.s32.f32 v3;
	(pc) =	sbr.rel @p1 .LBB2_4-.Ltmp1, $3  }
0x64: {  	_ = 	snop  }
0x65: {  	v2 =	vadd.f32 v3, v2;
	_ =	sdelay $0x1  }
0x66: {  	s16 =	sadd.s32 $0x200, s16;
	[tilespmem:v1+s13+$0x0] =	vst.idx.msk vm15, v2  }
0x67: {  	[spmem:s3] =	stream.indirect.scatter.add.f32 [tilespmem:s13], [sflag:$0x1], $0x80, s10, s14, $0xb8;
	[tilespmem:$0x5300] =	vst v63  }
0x68: {  	_ =	swait.ge [sflag:s9], $0x2800  }
0x69: {  	s15 =	sadd.s32 $0x1, s15;
	[sflag:s9] =	ssyncset.done $0x0  }
0x6a: {  	p1 =	sne.s32 s15, s8;
	[sflag:s9] =	ssyncadd.s32 $0xFFFFD800  }
.Ltmp2:
0x6b: {  	s16 =	simm.s32 @!p0 $0x1;
	[bflag:$0x0] =	sbarrier.arrive $0xFFFF;
	(pc) =	sbr.rel @p1 .LBB2_1-.Ltmp2, $4  }
0x6c: {  	[hbm:s7], [sflag:s11] =	dma.local @!p0 [spmem:s12], $0x80  }
0x6d: {  	_ =	swait.ge @!p0 [sflag:s16], $0x80  }
0x6e: {  	[sflag:s16] =	ssyncset.done @!p0 $0x0  }
0x6f: {  	[sflag:s16] =	ssyncadd.s32 @!p0 $0xFFFFFF80  }
0x70: {  	_ =	sfence.sel $0x180000  }
0x71: {  	[bflag:$0x0] =	sbarrier.arrive $0xFFFF  }
0x72: {  	p0 =	sne.s32 s2, $0x0;
	_ =	strace $0x90000047  }
0x73: {  	s0 =	sadd.s32 @!p0 $0x100000, s1;
	[bflag:$0x2] =	sbarrier.arrive $0xFFFF  }
0x74: {  	[sflag:s0] =	ssyncadd.tile.s32 @!p0 $0x1;
	_ =	shalt  }
.Lfunc_end2:
_tile_overlayer_lowered:
.L_overlay_start_2:
0x75: {  	(tag) =	ssettag $0x2  }
0x76: {  	s0 =	rddreg [dreg:$0x0];
	s2 =	stileid.u32  }
0x77: {  	s1 =	rddreg [dreg:$0x1];
	p0 =	sne.s32 s2, $0x0  }
0x78: {  	s3 =	rddreg [dreg:$0x2];
	[bflag:$0x3] =	sbarrier.arrive $0xFFFF;
	s2 =	simm.s32 @!p0 $0x1C01  }
0x79: {  	[timem:s3], [sflag:s2] =	dma.local @!p0 [hbm:s0], s1  }
0x7a: {  	s0 =	simm.s32 @!p0 $0x1  }
0x7b: {  	_ =	swait.ge @!p0 [sflag:s0], s1  }
0x7c: {  	s1 =	ssub.s32 @!p0 $0x0, s1;
	[sflag:s0] =	ssyncset.done @!p0 $0x0  }
0x7d: {  	[sflag:s0] =	ssyncadd.s32 @!p0 s1  }
0x7e: {  	[bflag:$0x3] =	sbarrier.arrive $0xFFFF  }
0x7f: {  	_ =	shalt  }

</sc_bundles>
